<compile_context>
chip_gen: v7x
topology: tpu7x:2x2x1
jax: 0.10.2.dev20260603
libtpu: 0.0.44.dev20260713+nightly
codegen_flags: <defaults>
</compile_context>

<pallas_src>
import functools

import jax
import jax.numpy as jnp
from jax import lax
from jax.experimental import pallas as pl
from jax.experimental.pallas import tpu as pltpu
from jax.experimental.pallas import tpu_sc as plsc

B = 4096
SEQ = 200
D = 32
VOCAB = 1000000
LANES = 16
NC = 2
NS = 16
NW = NC * NS
RPW = B // NW
CH1 = 104
CH2 = 96

NTC = 7813
LAST_TC = NTC - 1
LAST_ROWS = VOCAB - LAST_TC * 128


def _transpose_block(in_v, tr_v, nsub):
    lane = lax.iota(jnp.int32, LANES)
    for sub in range(nsub):

        @plsc.parallel_loop(0, D * 8, unroll=8)
        def _(k):
            d0 = k // 8
            g = k % 8
            dvec = (d0 + lane) & (D - 1)
            val = plsc.load_gather(
                in_v, [dvec, lane + (sub * 128 + g * 16)])
            plsc.store_scatter(
                tr_v, [lane * D + (sub * 4096 + g * 16 * D) + dvec], val)


GRP = 4
NGRP = (NTC - 1) // GRP
GW = GRP * 128
GWORDS = GRP * 4096


def _phase_a_body(wtT_hbm, out_hbm, in0, in1, tr0, tr1,
                  isem0, isem1, osem0, osem1):
    wid = lax.axis_index("s") * NC + lax.axis_index("c")
    n = (NGRP - wid + NW - 1) // NW

    def start_in(i, in_v, isem):
        g = wid + NW * i
        off = pl.multiple_of(g * GW, GW)
        pltpu.async_copy(wtT_hbm.at[:, pl.ds(off, GW)], in_v, isem)

    def wait_in(i, in_v, isem):
        g = wid + NW * i
        off = pl.multiple_of(g * GW, GW)
        pltpu.make_async_copy(wtT_hbm.at[:, pl.ds(off, GW)], in_v,
                              isem).wait()

    def start_out(i, tr_v, osem):
        g = wid + NW * i
        off = pl.multiple_of(g * GWORDS, GWORDS)
        pltpu.async_copy(tr_v, out_hbm.at[pl.ds(off, GWORDS)], osem)

    def wait_out(i, tr_v, osem):
        g = wid + NW * i
        off = pl.multiple_of(g * GWORDS, GWORDS)
        pltpu.make_async_copy(tr_v, out_hbm.at[pl.ds(off, GWORDS)],
                              osem).wait()

    @pl.when(0 < n)
    def _():
        start_in(0, in0, isem0)

    def pair(i2, _):
        i0 = 2 * i2
        i1 = i0 + 1

        @pl.when(i1 < n)
        def _():
            start_in(i1, in1, isem1)

        @pl.when(i0 < n)
        def _():
            wait_in(i0, in0, isem0)

            @pl.when(i0 >= 2)
            def _():
                wait_out(i0 - 2, tr0, osem0)

            _transpose_block(in0, tr0, GRP)
            start_out(i0, tr0, osem0)

        @pl.when(i0 + 2 < n)
        def _():
            start_in(i0 + 2, in0, isem0)

        @pl.when(i1 < n)
        def _():
            wait_in(i1, in1, isem1)

            @pl.when(i1 >= 2)
            def _():
                wait_out(i1 - 2, tr1, osem1)

            _transpose_block(in1, tr1, GRP)
            start_out(i1, tr1, osem1)

        return 0

    lax.fori_loop(0, (NGRP // NW + 2) // 2, pair, 0)

    for back in (2, 1):
        idx = n - back

        @pl.when(idx % 2 == 0)
        def _():
            wait_out(idx, tr0, osem0)

        @pl.when(idx % 2 == 1)
        def _():
            wait_out(idx, tr1, osem1)

    @pl.when(wid == 0)
    def _():
        off = pl.multiple_of(wid + LAST_TC * 128, 128)
        pltpu.sync_copy(wtT_hbm.at[:, pl.ds(off, 128)],
                        in0.at[:, pl.ds(0, 128)])
        _transpose_block(in0, tr0, 1)
        pltpu.sync_copy(tr0.at[pl.ds(0, LAST_ROWS * D)],
                        out_hbm.at[pl.ds(LAST_TC * 4096, LAST_ROWS * D)])


@functools.partial(
    pl.kernel,
    out_type=jax.ShapeDtypeStruct((VOCAB * D,), jnp.float32),
    mesh=plsc.VectorSubcoreMesh(core_axis_name="c", subcore_axis_name="s"),
    compiler_params=pltpu.CompilerParams(
        use_tc_tiling_on_sc=True, needs_layout_passes=False),
    scratch_types=[
        pltpu.VMEM((D, GW), jnp.float32),
        pltpu.VMEM((D, GW), jnp.float32),
        pltpu.VMEM((GWORDS,), jnp.float32),
        pltpu.VMEM((GWORDS,), jnp.float32),
        pltpu.SemaphoreType.DMA,
        pltpu.SemaphoreType.DMA,
        pltpu.SemaphoreType.DMA,
        pltpu.SemaphoreType.DMA,
    ],
)
def _relayout(wtT_hbm, out_hbm, in0, in1, tr0, tr1, s0, s1, s2, s3):
    _phase_a_body(wtT_hbm, out_hbm, in0, in1, tr0, tr1, s0, s1, s2, s3)


def _phase_b_body(text_hbm, lens_hbm, table_hbm, out_hbm,
                  text_v, lens_v, rows0, rows1, out_v, sem0, sem1):
    wid = lax.axis_index("s") * NC + lax.axis_index("c")
    base = wid * RPW

    pltpu.sync_copy(text_hbm.at[pl.ds(base, RPW), :], text_v)
    pltpu.sync_copy(lens_hbm.at[pl.ds(base, RPW)], lens_v)

    def fire(r, rows_v, sem):
        idx1 = text_v.at[r, pl.ds(0, CH1)]
        idx2 = text_v.at[r, pl.ds(CH1, CH2)]
        pltpu.async_copy(table_hbm.at[idx1], rows_v.at[pl.ds(0, CH1), :], sem)
        pltpu.async_copy(table_hbm.at[idx2], rows_v.at[pl.ds(CH1, CH2), :], sem)

    def wait(r, rows_v, sem):
        idx1 = text_v.at[r, pl.ds(0, CH1)]
        idx2 = text_v.at[r, pl.ds(CH1, CH2)]
        pltpu.make_async_copy(table_hbm.at[idx1],
                              rows_v.at[pl.ds(0, CH1), :], sem).wait()
        pltpu.make_async_copy(table_hbm.at[idx2],
                              rows_v.at[pl.ds(CH1, CH2), :], sem).wait()

    def accumulate(r, rows_v):
        len_vec = plsc.load_gather(lens_v, [jnp.broadcast_to(r, (LANES,))])
        len_s = jnp.max(len_vec)
        n8 = len_s // 8

        def chunk_body(c, carry):
            a0, b0, a1, b1 = carry
            t0 = c * 8
            for u in range(0, 8, 2):
                a0 = a0 + rows_v[t0 + u, 0:16]
                a1 = a1 + rows_v[t0 + u, 16:32]
                b0 = b0 + rows_v[t0 + u + 1, 0:16]
                b1 = b1 + rows_v[t0 + u + 1, 16:32]
            return a0, b0, a1, b1

        zero = jnp.zeros((LANES,), jnp.float32)
        a0, b0, a1, b1 = lax.fori_loop(
            0, n8, chunk_body, (zero, zero, zero, zero))

        def rem_body(t, carry):
            a0, a1 = carry
            return a0 + rows_v[t, 0:16], a1 + rows_v[t, 16:32]

        acc0, acc1 = lax.fori_loop(n8 * 8, len_s, rem_body,
                                   (a0 + b0, a1 + b1))

        inv = 1.0 / len_vec.astype(jnp.float32)
        out_v[r, 0:16] = acc0 * inv
        out_v[r, 16:32] = acc1 * inv

    fire(0, rows0, sem0)

    def outer(i, _):
        r0 = 2 * i
        r1 = 2 * i + 1
        fire(r1, rows1, sem1)
        wait(r0, rows0, sem0)
        accumulate(r0, rows0)

        @pl.when(i < RPW // 2 - 1)
        def _():
            fire(r0 + 2, rows0, sem0)

        wait(r1, rows1, sem1)
        accumulate(r1, rows1)
        return 0

    lax.fori_loop(0, RPW // 2, outer, 0)

    pltpu.sync_copy(out_v, out_hbm.at[pl.ds(base, RPW), :])


@functools.partial(
    pl.kernel,
    out_type=jax.ShapeDtypeStruct((B, D), jnp.float32),
    mesh=plsc.VectorSubcoreMesh(core_axis_name="c", subcore_axis_name="s"),
    compiler_params=pltpu.CompilerParams(
        use_tc_tiling_on_sc=False, needs_layout_passes=False),
    scratch_types=[
        pltpu.VMEM((RPW, SEQ), jnp.int32),
        pltpu.VMEM((RPW,), jnp.int32),
        pltpu.VMEM((SEQ, D), jnp.float32),
        pltpu.VMEM((SEQ, D), jnp.float32),
        pltpu.VMEM((RPW, D), jnp.float32),
        pltpu.SemaphoreType.DMA,
        pltpu.SemaphoreType.DMA,
    ],
)
def _encode(text_hbm, lens_hbm, table_hbm, out_hbm,
            text_v, lens_v, rows0, rows1, out_v, sem0, sem1):
    _phase_b_body(text_hbm, lens_hbm, table_hbm, out_hbm,
                  text_v, lens_v, rows0, rows1, out_v, sem0, sem1)


def kernel(text, text_len, emb_weight):
    wt_lin = _relayout(emb_weight.T).reshape(VOCAB, D)
    return _encode(text.astype(jnp.int32), text_len, wt_lin)

# --- scband reference (transcript-rebuilt; emitter-appended) ---
"""Pipeline reference for scband-embedding-mean-encoder-52407190946156 (READ-ONLY COPY).

The authoritative reference and input builder live on the scoring server;
editing this copy changes nothing except your own understanding.
"""

import jax, jax.numpy as jnp
import numpy as np

VOCAB = 1000000
EMBED_DIM = 32
BATCH = 4096
SEQ = 200


def setup_inputs(seed: int = 0) -> dict:
    key = jax.random.key(seed)
    k_tok, k_len, k_w = jax.random.split(key, 3)
    text = jax.random.randint(k_tok, (BATCH, SEQ), 0, VOCAB, dtype=jnp.int64 if jax.config.jax_enable_x64 else jnp.int32)
    text_len = jax.random.randint(k_len, (BATCH,), 0, SEQ, dtype=jnp.int32)
    # guard against zero-length sequences (mean_with_lens divides by lens)
    text_len = jnp.maximum(text_len, 1)
    emb_weight = jax.random.normal(k_w, (VOCAB, EMBED_DIM), dtype=jnp.float32) * 0.02
    return {"text": text, "text_len": text_len, "emb_weight": emb_weight}


def mean_with_lens(embeds, lens):
    # embeds: [B, L, D]; lens: [B]
    L = embeds.shape[1]
    mask = (jnp.arange(L)[None, :] < lens[:, None]).astype(embeds.dtype)  # [B, L]
    summed = jnp.sum(embeds * mask[:, :, None], axis=1)  # [B, D]
    return summed / lens[:, None].astype(embeds.dtype)


def reference(text, text_len, emb_weight):
    tokens = text.astype(jnp.int32)
    embeds = jnp.take(emb_weight, tokens, axis=0)  # [B, L, D] gather
    out = mean_with_lens(embeds, text_len)
    return out

if __name__ == "__main__":
    import jax
    _d = setup_inputs()
    print(jax.jit(kernel)(*tuple(_d.values())))

</pallas_src>

<mosaic_0001>
#map = affine_map<(d0, d1) -> (0, 0)>
#map1 = affine_map<(d0, d1) -> (0)>
module attributes {stable_mosaic.version = 14 : i64} {
  func.func @_relayout(%arg0: i32, %arg1: i32, %arg2: memref<32x1000000xf32, #tpu.memory_space<hbm>>, %arg3: memref<32000000xf32, #tpu.memory_space<hbm>>, %arg4: memref<32x512xf32, #tpu.memory_space<vmem>>, %arg5: memref<32x512xf32, #tpu.memory_space<vmem>>, %arg6: memref<16384xf32, #tpu.memory_space<vmem>>, %arg7: memref<16384xf32, #tpu.memory_space<vmem>>, %arg8: memref<!tpu.dma_semaphore, #tpu.memory_space<semaphore_mem>>, %arg9: memref<!tpu.dma_semaphore, #tpu.memory_space<semaphore_mem>>, %arg10: memref<!tpu.dma_semaphore, #tpu.memory_space<semaphore_mem>>, %arg11: memref<!tpu.dma_semaphore, #tpu.memory_space<semaphore_mem>>) attributes {dimension_semantics = [#tpu.dimension_semantics<core_parallel>, #tpu.dimension_semantics<subcore_parallel>], iteration_bounds = array<i64: 2, 16>, scalar_prefetch = 0 : i64, scratch_operands = 8 : i64, tpu.core_type = #tpu.core_type<sc_vector_subcore>, window_params = [{transform_indices = #map}, {transform_indices = #map1}]} {
    %mul3A = arith.constant 2 : i32
    %mul3A_0 = arith.muli %arg1, %mul3A : i32
    %add3A = arith.addi %mul3A_0, %arg0 : i32
    %sub3A = arith.constant 1953 : i32
    %sub3A_1 = arith.subi %sub3A, %add3A : i32
    %add3A_2 = arith.constant 32 : i32
    %add3A_3 = arith.addi %sub3A_1, %add3A_2 : i32
    %sub3A_4 = arith.constant 1 : i32
    %sub3A_5 = arith.subi %add3A_3, %sub3A_4 : i32
    %jit3A = arith.constant 32 : i32
    %div3A = arith.divsi %sub3A_5, %jit3A : i32
    %sign3A = arith.constant 0 : i32
    %sign3A_6 = arith.cmpi sgt, %sub3A_5, %sign3A : i32
    %sign3A_7 = arith.extui %sign3A_6 : i1 to i32
    %sign3A_8 = arith.constant 0 : i32
    %sign3A_9 = arith.cmpi slt, %sub3A_5, %sign3A_8 : i32
    %sign3A_10 = arith.extui %sign3A_9 : i1 to i32
    %sign3A_11 = arith.subi %sign3A_7, %sign3A_10 : i32
    %sign3A_12 = arith.constant 0 : i32
    %sign3A_13 = arith.cmpi sgt, %jit3A, %sign3A_12 : i32
    %sign3A_14 = arith.extui %sign3A_13 : i1 to i32
    %sign3A_15 = arith.constant 0 : i32
    %sign3A_16 = arith.cmpi slt, %jit3A, %sign3A_15 : i32
    %sign3A_17 = arith.extui %sign3A_16 : i1 to i32
    %sign3A_18 = arith.subi %sign3A_14, %sign3A_17 : i32
    %ne3A = arith.cmpi ne, %sign3A_11, %sign3A_18 : i32
    %rem3A = arith.remsi %sub3A_5, %jit3A : i32
    %ne3A_19 = arith.constant 0 : i32
    %ne3A_20 = arith.cmpi ne, %rem3A, %ne3A_19 : i32
    %and3A = arith.andi %ne3A, %ne3A_20 : i1
    %sub3A_21 = arith.constant 1 : i32
    %sub3A_22 = arith.subi %div3A, %sub3A_21 : i32
    %select_n3A = arith.select %and3A, %sub3A_22, %div3A : i32
    %gt3A = arith.constant 0 : i32
    %gt3A_23 = arith.cmpi sgt, %select_n3A, %gt3A : i32
    %convert_element_type3A = arith.extui %gt3A_23 : i1 to i32
    %cond3A = arith.constant 0 : i32
    %cond3A_24 = arith.cmpi ne, %convert_element_type3A, %cond3A : i32
    scf.if %cond3A_24 {
      %add3A_122 = arith.constant 0 : i32
      %add3A_123 = arith.addi %add3A, %add3A_122 : i32
      %mul3A_124 = arith.constant 512 : i32
      %mul3A_125 = arith.muli %add3A_123, %mul3A_124 : i32
      %multiple_of3A = tpu.assume_multiple %mul3A_125, 512 : i32
      %dma_start3A = arith.constant 0 : i32
      %dma_start3A_126 = tpu.memref_slice %arg2[%dma_start3A, %multiple_of3A] : memref<32x1000000xf32, #tpu.memory_space<hbm>> -> memref<32x512xf32, #tpu.memory_space<hbm>>
      %dma_start3A_127 = arith.constant 0 : i32
      %dma_start3A_128 = tpu.memref_slice %arg2[%dma_start3A_127, %multiple_of3A] : memref<32x1000000xf32, #tpu.memory_space<hbm>> -> memref<32x512xf32, #tpu.memory_space<hbm>>
      tpu.enqueue_dma source(%dma_start3A_128 : memref<32x512xf32, #tpu.memory_space<hbm>>) target(%arg4 : memref<32x512xf32, #tpu.memory_space<vmem>>) target_semaphore(%arg8 : memref<!tpu.dma_semaphore, #tpu.memory_space<semaphore_mem>>)
    } else {
    }
    %scan3A = arith.constant 0 : i32
    %scan3A_25 = arith.constant 0 : i32
    %scan3A_26 = arith.constant 31 : i32
    %scan3A_27 = arith.addi %scan3A_25, %scan3A_26 : i32
    %scan3A_28 = arith.constant 1 : i32
    %scan3A_29 = scf.for %scan3A_122 = %scan3A_25 to %scan3A_27 step %scan3A_28 iter_args(%scan3A_123 = %scan3A) -> (i32)  : i32 {
      %mul3A_124 = arith.constant 2 : i32
      %mul3A_125 = arith.muli %mul3A_124, %scan3A_122 : i32
      %add3A_126 = arith.constant 1 : i32
      %add3A_127 = arith.addi %mul3A_125, %add3A_126 : i32
      %lt3A_128 = arith.cmpi slt, %add3A_127, %select_n3A : i32
      %convert_element_type3A_129 = arith.extui %lt3A_128 : i1 to i32
      %cond3A_130 = arith.constant 0 : i32
      %cond3A_131 = arith.cmpi ne, %convert_element_type3A_129, %cond3A_130 : i32
      scf.if %cond3A_131 {
        %mul3A_147 = arith.constant 32 : i32
        %mul3A_148 = arith.muli %mul3A_147, %add3A_127 : i32
        %add3A_149 = arith.addi %add3A, %mul3A_148 : i32
        %mul3A_150 = arith.constant 512 : i32
        %mul3A_151 = arith.muli %add3A_149, %mul3A_150 : i32
        %multiple_of3A = tpu.assume_multiple %mul3A_151, 512 : i32
        %dma_start3A = arith.constant 0 : i32
        %dma_start3A_152 = tpu.memref_slice %arg2[%dma_start3A, %multiple_of3A] : memref<32x1000000xf32, #tpu.memory_space<hbm>> -> memref<32x512xf32, #tpu.memory_space<hbm>>
        %dma_start3A_153 = arith.constant 0 : i32
        %dma_start3A_154 = tpu.memref_slice %arg2[%dma_start3A_153, %multiple_of3A] : memref<32x1000000xf32, #tpu.memory_space<hbm>> -> memref<32x512xf32, #tpu.memory_space<hbm>>
        tpu.enqueue_dma source(%dma_start3A_154 : memref<32x512xf32, #tpu.memory_space<hbm>>) target(%arg5 : memref<32x512xf32, #tpu.memory_space<vmem>>) target_semaphore(%arg9 : memref<!tpu.dma_semaphore, #tpu.memory_space<semaphore_mem>>)
      } else {
      }
      %lt3A_132 = arith.cmpi slt, %mul3A_125, %select_n3A : i32
      %convert_element_type3A_133 = arith.extui %lt3A_132 : i1 to i32
      %cond3A_134 = arith.constant 0 : i32
      %cond3A_135 = arith.cmpi ne, %convert_element_type3A_133, %cond3A_134 : i32
      scf.if %cond3A_135 {
        %mul3A_147 = arith.constant 32 : i32
        %mul3A_148 = arith.muli %mul3A_147, %mul3A_125 : i32
        %add3A_149 = arith.addi %add3A, %mul3A_148 : i32
        %mul3A_150 = arith.constant 512 : i32
        %mul3A_151 = arith.muli %add3A_149, %mul3A_150 : i32
        %multiple_of3A = tpu.assume_multiple %mul3A_151, 512 : i32
        %dma_wait3A = arith.constant 0 : i32
        %dma_wait3A_152 = tpu.memref_slice %arg2[%dma_wait3A, %multiple_of3A] : memref<32x1000000xf32, #tpu.memory_space<hbm>> -> memref<32x512xf32, #tpu.memory_space<hbm>>
        %dma_wait3A_153 = arith.constant 0 : i32
        %dma_wait3A_154 = tpu.memref_slice %arg2[%dma_wait3A_153, %multiple_of3A] : memref<32x1000000xf32, #tpu.memory_space<hbm>> -> memref<32x512xf32, #tpu.memory_space<hbm>>
        tpu.wait_dma2 semaphore(%arg8 : memref<!tpu.dma_semaphore, #tpu.memory_space<semaphore_mem>>) src(%dma_wait3A_154 : memref<32x512xf32, #tpu.memory_space<hbm>>) dst(%arg4 : memref<32x512xf32, #tpu.memory_space<vmem>>)
        %ge3A = arith.constant 2 : i32
        %ge3A_155 = arith.cmpi sge, %mul3A_125, %ge3A : i32
        %convert_element_type3A_156 = arith.extui %ge3A_155 : i1 to i32
        %cond3A_157 = arith.constant 0 : i32
        %cond3A_158 = arith.cmpi ne, %convert_element_type3A_156, %cond3A_157 : i32
        scf.if %cond3A_158 {
          %sub3A_177 = arith.constant 2 : i32
          %sub3A_178 = arith.subi %mul3A_125, %sub3A_177 : i32
          %mul3A_179 = arith.constant 32 : i32
          %mul3A_180 = arith.muli %mul3A_179, %sub3A_178 : i32
          %add3A_181 = arith.addi %add3A, %mul3A_180 : i32
          %mul3A_182 = arith.constant 16384 : i32
          %mul3A_183 = arith.muli %add3A_181, %mul3A_182 : i32
          %multiple_of3A_184 = tpu.assume_multiple %mul3A_183, 16384 : i32
          %dma_wait3A_185 = tpu.memref_slice %arg3[%multiple_of3A_184] : memref<32000000xf32, #tpu.memory_space<hbm>> -> memref<16384xf32, #tpu.memory_space<hbm>>
          %dma_wait3A_186 = tpu.memref_slice %arg3[%multiple_of3A_184] : memref<32000000xf32, #tpu.memory_space<hbm>> -> memref<16384xf32, #tpu.memory_space<hbm>>
          tpu.wait_dma2 semaphore(%arg10 : memref<!tpu.dma_semaphore, #tpu.memory_space<semaphore_mem>>) src(%arg6 : memref<16384xf32, #tpu.memory_space<vmem>>) dst(%dma_wait3A_186 : memref<16384xf32, #tpu.memory_space<hbm>>)
        } else {
        }
        %iota3A = tpu.iota {dimensions = array<i32: 0>} : vector<16xi32>
        %parallel_loop3A = arith.constant 0 : i32
        %parallel_loop3A_159 = arith.constant 256 : i32
        %parallel_loop3A_160 = arith.constant 1 : i32
        scf.for %parallel_loop3A_177 = %parallel_loop3A to %parallel_loop3A_159 step %parallel_loop3A_160  : i32 {
          %parallel_loop3A_178 = arith.constant 8 : i32
          %parallel_loop3A_179 = arith.divsi %parallel_loop3A_177, %parallel_loop3A_178 : i32
          %parallel_loop3A_180 = arith.constant 0 : i32
          %parallel_loop3A_181 = arith.cmpi sgt, %parallel_loop3A_177, %parallel_loop3A_180 : i32
          %parallel_loop3A_182 = arith.extui %parallel_loop3A_181 : i1 to i32
          %parallel_loop3A_183 = arith.constant 0 : i32
          %parallel_loop3A_184 = arith.cmpi slt, %parallel_loop3A_177, %parallel_loop3A_183 : i32
          %parallel_loop3A_185 = arith.extui %parallel_loop3A_184 : i1 to i32
          %parallel_loop3A_186 = arith.subi %parallel_loop3A_182, %parallel_loop3A_185 : i32
          %parallel_loop3A_187 = arith.constant 0 : i32
          %parallel_loop3A_188 = arith.cmpi sgt, %parallel_loop3A_178, %parallel_loop3A_187 : i32
          %parallel_loop3A_189 = arith.extui %parallel_loop3A_188 : i1 to i32
          %parallel_loop3A_190 = arith.constant 0 : i32
          %parallel_loop3A_191 = arith.cmpi slt, %parallel_loop3A_178, %parallel_loop3A_190 : i32
          %parallel_loop3A_192 = arith.extui %parallel_loop3A_191 : i1 to i32
          %parallel_loop3A_193 = arith.subi %parallel_loop3A_189, %parallel_loop3A_192 : i32
          %parallel_loop3A_194 = arith.cmpi ne, %parallel_loop3A_186, %parallel_loop3A_193 : i32
          %parallel_loop3A_195 = arith.remsi %parallel_loop3A_177, %parallel_loop3A_178 : i32
          %parallel_loop3A_196 = arith.constant 0 : i32
          %parallel_loop3A_197 = arith.cmpi ne, %parallel_loop3A_195, %parallel_loop3A_196 : i32
          %parallel_loop3A_198 = arith.andi %parallel_loop3A_194, %parallel_loop3A_197 : i1
          %parallel_loop3A_199 = arith.constant 1 : i32
          %parallel_loop3A_200 = arith.subi %parallel_loop3A_179, %parallel_loop3A_199 : i32
          %parallel_loop3A_201 = arith.select %parallel_loop3A_198, %parallel_loop3A_200, %parallel_loop3A_179 : i32
          %parallel_loop3A_202 = arith.constant 8 : i32
          %parallel_loop3A_203 = arith.constant 0 : i32
          %parallel_loop3A_204 = arith.cmpi eq, %parallel_loop3A_202, %parallel_loop3A_203 : i32
          %parallel_loop3A_205 = arith.constant 1 : i32
          %parallel_loop3A_206 = arith.select %parallel_loop3A_204, %parallel_loop3A_205, %parallel_loop3A_202 : i32
          %parallel_loop3A_207 = arith.remsi %parallel_loop3A_177, %parallel_loop3A_206 : i32
          %parallel_loop3A_208 = arith.constant 0 : i32
          %parallel_loop3A_209 = arith.cmpi ne, %parallel_loop3A_207, %parallel_loop3A_208 : i32
          %parallel_loop3A_210 = arith.constant 0 : i32
          %parallel_loop3A_211 = arith.cmpi slt, %parallel_loop3A_207, %parallel_loop3A_210 : i32
          %parallel_loop3A_212 = arith.constant 0 : i32
          %parallel_loop3A_213 = arith.cmpi slt, %parallel_loop3A_206, %parallel_loop3A_212 : i32
          %parallel_loop3A_214 = arith.xori %parallel_loop3A_211, %parallel_loop3A_213 : i1
          %parallel_loop3A_215 = arith.andi %parallel_loop3A_214, %parallel_loop3A_209 : i1
          %parallel_loop3A_216 = arith.addi %parallel_loop3A_207, %parallel_loop3A_206 : i32
          %parallel_loop3A_217 = arith.select %parallel_loop3A_215, %parallel_loop3A_216, %parallel_loop3A_207 : i32
          %parallel_loop3A_218 = vector.broadcast %parallel_loop3A_201 : i32 to vector<16xi32>
          %parallel_loop3A_219 = arith.addi %parallel_loop3A_218, %iota3A : vector<16xi32>
          %parallel_loop3A_220 = arith.constant 31 : i32
          %parallel_loop3A_221 = vector.broadcast %parallel_loop3A_220 : i32 to vector<16xi32>
          %parallel_loop3A_222 = arith.andi %parallel_loop3A_219, %parallel_loop3A_221 : vector<16xi32>
          %parallel_loop3A_223 = arith.constant 16 : i32
          %parallel_loop3A_224 = arith.muli %parallel_loop3A_217, %parallel_loop3A_223 : i32
          %parallel_loop3A_225 = arith.constant 0 : i32
          %parallel_loop3A_226 = arith.addi %parallel_loop3A_225, %parallel_loop3A_224 : i32
          %parallel_loop3A_227 = vector.broadcast %parallel_loop3A_226 : i32 to vector<16xi32>
          %parallel_loop3A_228 = arith.addi %iota3A, %parallel_loop3A_227 : vector<16xi32>
          %parallel_loop3A_229 = tpu.vector_load_idx %arg4[%parallel_loop3A_222, %parallel_loop3A_228] : memref<32x512xf32, #tpu.memory_space<vmem>>[vector<16xi32>, vector<16xi32>], vector<16xf32>,
          %parallel_loop3A_230 = arith.constant 32 : i32
          %parallel_loop3A_231 = vector.broadcast %parallel_loop3A_230 : i32 to vector<16xi32>
          %parallel_loop3A_232 = arith.muli %iota3A, %parallel_loop3A_231 : vector<16xi32>
          %parallel_loop3A_233 = arith.constant 16 : i32
          %parallel_loop3A_234 = arith.muli %parallel_loop3A_217, %parallel_loop3A_233 : i32
          %parallel_loop3A_235 = arith.constant 32 : i32
          %parallel_loop3A_236 = arith.muli %parallel_loop3A_234, %parallel_loop3A_235 : i32
          %parallel_loop3A_237 = arith.constant 0 : i32
          %parallel_loop3A_238 = arith.addi %parallel_loop3A_237, %parallel_loop3A_236 : i32
          %parallel_loop3A_239 = vector.broadcast %parallel_loop3A_238 : i32 to vector<16xi32>
          %parallel_loop3A_240 = arith.addi %parallel_loop3A_232, %parallel_loop3A_239 : vector<16xi32>
          %parallel_loop3A_241 = arith.addi %parallel_loop3A_240, %parallel_loop3A_222 : vector<16xi32>
          tpu.vector_store_idx %arg6[%parallel_loop3A_241], %parallel_loop3A_229 : memref<16384xf32, #tpu.memory_space<vmem>>[vector<16xi32>], vector<16xf32>,
        } {sc.loop_unroll_factor = 8 : i64, sc.parallel_access}
        %parallel_loop3A_161 = arith.constant 0 : i32
        %parallel_loop3A_162 = arith.constant 256 : i32
        %parallel_loop3A_163 = arith.constant 1 : i32
        scf.for %parallel_loop3A_177 = %parallel_loop3A_161 to %parallel_loop3A_162 step %parallel_loop3A_163  : i32 {
          %parallel_loop3A_178 = arith.constant 8 : i32
          %parallel_loop3A_179 = arith.divsi %parallel_loop3A_177, %parallel_loop3A_178 : i32
          %parallel_loop3A_180 = arith.constant 0 : i32
          %parallel_loop3A_181 = arith.cmpi sgt, %parallel_loop3A_177, %parallel_loop3A_180 : i32
          %parallel_loop3A_182 = arith.extui %parallel_loop3A_181 : i1 to i32
          %parallel_loop3A_183 = arith.constant 0 : i32
          %parallel_loop3A_184 = arith.cmpi slt, %parallel_loop3A_177, %parallel_loop3A_183 : i32
          %parallel_loop3A_185 = arith.extui %parallel_loop3A_184 : i1 to i32
          %parallel_loop3A_186 = arith.subi %parallel_loop3A_182, %parallel_loop3A_185 : i32
          %parallel_loop3A_187 = arith.constant 0 : i32
          %parallel_loop3A_188 = arith.cmpi sgt, %parallel_loop3A_178, %parallel_loop3A_187 : i32
          %parallel_loop3A_189 = arith.extui %parallel_loop3A_188 : i1 to i32
          %parallel_loop3A_190 = arith.constant 0 : i32
          %parallel_loop3A_191 = arith.cmpi slt, %parallel_loop3A_178, %parallel_loop3A_190 : i32
          %parallel_loop3A_192 = arith.extui %parallel_loop3A_191 : i1 to i32
          %parallel_loop3A_193 = arith.subi %parallel_loop3A_189, %parallel_loop3A_192 : i32
          %parallel_loop3A_194 = arith.cmpi ne, %parallel_loop3A_186, %parallel_loop3A_193 : i32
          %parallel_loop3A_195 = arith.remsi %parallel_loop3A_177, %parallel_loop3A_178 : i32
          %parallel_loop3A_196 = arith.constant 0 : i32
          %parallel_loop3A_197 = arith.cmpi ne, %parallel_loop3A_195, %parallel_loop3A_196 : i32
          %parallel_loop3A_198 = arith.andi %parallel_loop3A_194, %parallel_loop3A_197 : i1
          %parallel_loop3A_199 = arith.constant 1 : i32
          %parallel_loop3A_200 = arith.subi %parallel_loop3A_179, %parallel_loop3A_199 : i32
          %parallel_loop3A_201 = arith.select %parallel_loop3A_198, %parallel_loop3A_200, %parallel_loop3A_179 : i32
          %parallel_loop3A_202 = arith.constant 8 : i32
          %parallel_loop3A_203 = arith.constant 0 : i32
          %parallel_loop3A_204 = arith.cmpi eq, %parallel_loop3A_202, %parallel_loop3A_203 : i32
          %parallel_loop3A_205 = arith.constant 1 : i32
          %parallel_loop3A_206 = arith.select %parallel_loop3A_204, %parallel_loop3A_205, %parallel_loop3A_202 : i32
          %parallel_loop3A_207 = arith.remsi %parallel_loop3A_177, %parallel_loop3A_206 : i32
          %parallel_loop3A_208 = arith.constant 0 : i32
          %parallel_loop3A_209 = arith.cmpi ne, %parallel_loop3A_207, %parallel_loop3A_208 : i32
          %parallel_loop3A_210 = arith.constant 0 : i32
          %parallel_loop3A_211 = arith.cmpi slt, %parallel_loop3A_207, %parallel_loop3A_210 : i32
          %parallel_loop3A_212 = arith.constant 0 : i32
          %parallel_loop3A_213 = arith.cmpi slt, %parallel_loop3A_206, %parallel_loop3A_212 : i32
          %parallel_loop3A_214 = arith.xori %parallel_loop3A_211, %parallel_loop3A_213 : i1
          %parallel_loop3A_215 = arith.andi %parallel_loop3A_214, %parallel_loop3A_209 : i1
          %parallel_loop3A_216 = arith.addi %parallel_loop3A_207, %parallel_loop3A_206 : i32
          %parallel_loop3A_217 = arith.select %parallel_loop3A_215, %parallel_loop3A_216, %parallel_loop3A_207 : i32
          %parallel_loop3A_218 = vector.broadcast %parallel_loop3A_201 : i32 to vector<16xi32>
          %parallel_loop3A_219 = arith.addi %parallel_loop3A_218, %iota3A : vector<16xi32>
          %parallel_loop3A_220 = arith.constant 31 : i32
          %parallel_loop3A_221 = vector.broadcast %parallel_loop3A_220 : i32 to vector<16xi32>
          %parallel_loop3A_222 = arith.andi %parallel_loop3A_219, %parallel_loop3A_221 : vector<16xi32>
          %parallel_loop3A_223 = arith.constant 16 : i32
          %parallel_loop3A_224 = arith.muli %parallel_loop3A_217, %parallel_loop3A_223 : i32
          %parallel_loop3A_225 = arith.constant 128 : i32
          %parallel_loop3A_226 = arith.addi %parallel_loop3A_225, %parallel_loop3A_224 : i32
          %parallel_loop3A_227 = vector.broadcast %parallel_loop3A_226 : i32 to vector<16xi32>
          %parallel_loop3A_228 = arith.addi %iota3A, %parallel_loop3A_227 : vector<16xi32>
          %parallel_loop3A_229 = tpu.vector_load_idx %arg4[%parallel_loop3A_222, %parallel_loop3A_228] : memref<32x512xf32, #tpu.memory_space<vmem>>[vector<16xi32>, vector<16xi32>], vector<16xf32>,
          %parallel_loop3A_230 = arith.constant 32 : i32
          %parallel_loop3A_231 = vector.broadcast %parallel_loop3A_230 : i32 to vector<16xi32>
          %parallel_loop3A_232 = arith.muli %iota3A, %parallel_loop3A_231 : vector<16xi32>
          %parallel_loop3A_233 = arith.constant 16 : i32
          %parallel_loop3A_234 = arith.muli %parallel_loop3A_217, %parallel_loop3A_233 : i32
          %parallel_loop3A_235 = arith.constant 32 : i32
          %parallel_loop3A_236 = arith.muli %parallel_loop3A_234, %parallel_loop3A_235 : i32
          %parallel_loop3A_237 = arith.constant 4096 : i32
          %parallel_loop3A_238 = arith.addi %parallel_loop3A_237, %parallel_loop3A_236 : i32
          %parallel_loop3A_239 = vector.broadcast %parallel_loop3A_238 : i32 to vector<16xi32>
          %parallel_loop3A_240 = arith.addi %parallel_loop3A_232, %parallel_loop3A_239 : vector<16xi32>
          %parallel_loop3A_241 = arith.addi %parallel_loop3A_240, %parallel_loop3A_222 : vector<16xi32>
          tpu.vector_store_idx %arg6[%parallel_loop3A_241], %parallel_loop3A_229 : memref<16384xf32, #tpu.memory_space<vmem>>[vector<16xi32>], vector<16xf32>,
        } {sc.loop_unroll_factor = 8 : i64, sc.parallel_access}
        %parallel_loop3A_164 = arith.constant 0 : i32
        %parallel_loop3A_165 = arith.constant 256 : i32
        %parallel_loop3A_166 = arith.constant 1 : i32
        scf.for %parallel_loop3A_177 = %parallel_loop3A_164 to %parallel_loop3A_165 step %parallel_loop3A_166  : i32 {
          %parallel_loop3A_178 = arith.constant 8 : i32
          %parallel_loop3A_179 = arith.divsi %parallel_loop3A_177, %parallel_loop3A_178 : i32
          %parallel_loop3A_180 = arith.constant 0 : i32
          %parallel_loop3A_181 = arith.cmpi sgt, %parallel_loop3A_177, %parallel_loop3A_180 : i32
          %parallel_loop3A_182 = arith.extui %parallel_loop3A_181 : i1 to i32
          %parallel_loop3A_183 = arith.constant 0 : i32
          %parallel_loop3A_184 = arith.cmpi slt, %parallel_loop3A_177, %parallel_loop3A_183 : i32
          %parallel_loop3A_185 = arith.extui %parallel_loop3A_184 : i1 to i32
          %parallel_loop3A_186 = arith.subi %parallel_loop3A_182, %parallel_loop3A_185 : i32
          %parallel_loop3A_187 = arith.constant 0 : i32
          %parallel_loop3A_188 = arith.cmpi sgt, %parallel_loop3A_178, %parallel_loop3A_187 : i32
          %parallel_loop3A_189 = arith.extui %parallel_loop3A_188 : i1 to i32
          %parallel_loop3A_190 = arith.constant 0 : i32
          %parallel_loop3A_191 = arith.cmpi slt, %parallel_loop3A_178, %parallel_loop3A_190 : i32
          %parallel_loop3A_192 = arith.extui %parallel_loop3A_191 : i1 to i32
          %parallel_loop3A_193 = arith.subi %parallel_loop3A_189, %parallel_loop3A_192 : i32
          %parallel_loop3A_194 = arith.cmpi ne, %parallel_loop3A_186, %parallel_loop3A_193 : i32
          %parallel_loop3A_195 = arith.remsi %parallel_loop3A_177, %parallel_loop3A_178 : i32
          %parallel_loop3A_196 = arith.constant 0 : i32
          %parallel_loop3A_197 = arith.cmpi ne, %parallel_loop3A_195, %parallel_loop3A_196 : i32
          %parallel_loop3A_198 = arith.andi %parallel_loop3A_194, %parallel_loop3A_197 : i1
          %parallel_loop3A_199 = arith.constant 1 : i32
          %parallel_loop3A_200 = arith.subi %parallel_loop3A_179, %parallel_loop3A_199 : i32
          %parallel_loop3A_201 = arith.select %parallel_loop3A_198, %parallel_loop3A_200, %parallel_loop3A_179 : i32
          %parallel_loop3A_202 = arith.constant 8 : i32
          %parallel_loop3A_203 = arith.constant 0 : i32
          %parallel_loop3A_204 = arith.cmpi eq, %parallel_loop3A_202, %parallel_loop3A_203 : i32
          %parallel_loop3A_205 = arith.constant 1 : i32
          %parallel_loop3A_206 = arith.select %parallel_loop3A_204, %parallel_loop3A_205, %parallel_loop3A_202 : i32
          %parallel_loop3A_207 = arith.remsi %parallel_loop3A_177, %parallel_loop3A_206 : i32
          %parallel_loop3A_208 = arith.constant 0 : i32
          %parallel_loop3A_209 = arith.cmpi ne, %parallel_loop3A_207, %parallel_loop3A_208 : i32
          %parallel_loop3A_210 = arith.constant 0 : i32
          %parallel_loop3A_211 = arith.cmpi slt, %parallel_loop3A_207, %parallel_loop3A_210 : i32
          %parallel_loop3A_212 = arith.constant 0 : i32
          %parallel_loop3A_213 = arith.cmpi slt, %parallel_loop3A_206, %parallel_loop3A_212 : i32
          %parallel_loop3A_214 = arith.xori %parallel_loop3A_211, %parallel_loop3A_213 : i1
          %parallel_loop3A_215 = arith.andi %parallel_loop3A_214, %parallel_loop3A_209 : i1
          %parallel_loop3A_216 = arith.addi %parallel_loop3A_207, %parallel_loop3A_206 : i32
          %parallel_loop3A_217 = arith.select %parallel_loop3A_215, %parallel_loop3A_216, %parallel_loop3A_207 : i32
          %parallel_loop3A_218 = vector.broadcast %parallel_loop3A_201 : i32 to vector<16xi32>
          %parallel_loop3A_219 = arith.addi %parallel_loop3A_218, %iota3A : vector<16xi32>
          %parallel_loop3A_220 = arith.constant 31 : i32
          %parallel_loop3A_221 = vector.broadcast %parallel_loop3A_220 : i32 to vector<16xi32>
          %parallel_loop3A_222 = arith.andi %parallel_loop3A_219, %parallel_loop3A_221 : vector<16xi32>
          %parallel_loop3A_223 = arith.constant 16 : i32
          %parallel_loop3A_224 = arith.muli %parallel_loop3A_217, %parallel_loop3A_223 : i32
          %parallel_loop3A_225 = arith.constant 256 : i32
          %parallel_loop3A_226 = arith.addi %parallel_loop3A_225, %parallel_loop3A_224 : i32
          %parallel_loop3A_227 = vector.broadcast %parallel_loop3A_226 : i32 to vector<16xi32>
          %parallel_loop3A_228 = arith.addi %iota3A, %parallel_loop3A_227 : vector<16xi32>
          %parallel_loop3A_229 = tpu.vector_load_idx %arg4[%parallel_loop3A_222, %parallel_loop3A_228] : memref<32x512xf32, #tpu.memory_space<vmem>>[vector<16xi32>, vector<16xi32>], vector<16xf32>,
          %parallel_loop3A_230 = arith.constant 32 : i32
          %parallel_loop3A_231 = vector.broadcast %parallel_loop3A_230 : i32 to vector<16xi32>
          %parallel_loop3A_232 = arith.muli %iota3A, %parallel_loop3A_231 : vector<16xi32>
          %parallel_loop3A_233 = arith.constant 16 : i32
          %parallel_loop3A_234 = arith.muli %parallel_loop3A_217, %parallel_loop3A_233 : i32
          %parallel_loop3A_235 = arith.constant 32 : i32
          %parallel_loop3A_236 = arith.muli %parallel_loop3A_234, %parallel_loop3A_235 : i32
          %parallel_loop3A_237 = arith.constant 8192 : i32
          %parallel_loop3A_238 = arith.addi %parallel_loop3A_237, %parallel_loop3A_236 : i32
          %parallel_loop3A_239 = vector.broadcast %parallel_loop3A_238 : i32 to vector<16xi32>
          %parallel_loop3A_240 = arith.addi %parallel_loop3A_232, %parallel_loop3A_239 : vector<16xi32>
          %parallel_loop3A_241 = arith.addi %parallel_loop3A_240, %parallel_loop3A_222 : vector<16xi32>
          tpu.vector_store_idx %arg6[%parallel_loop3A_241], %parallel_loop3A_229 : memref<16384xf32, #tpu.memory_space<vmem>>[vector<16xi32>], vector<16xf32>,
        } {sc.loop_unroll_factor = 8 : i64, sc.parallel_access}
        %parallel_loop3A_167 = arith.constant 0 : i32
        %parallel_loop3A_168 = arith.constant 256 : i32
        %parallel_loop3A_169 = arith.constant 1 : i32
        scf.for %parallel_loop3A_177 = %parallel_loop3A_167 to %parallel_loop3A_168 step %parallel_loop3A_169  : i32 {
          %parallel_loop3A_178 = arith.constant 8 : i32
          %parallel_loop3A_179 = arith.divsi %parallel_loop3A_177, %parallel_loop3A_178 : i32
          %parallel_loop3A_180 = arith.constant 0 : i32
          %parallel_loop3A_181 = arith.cmpi sgt, %parallel_loop3A_177, %parallel_loop3A_180 : i32
          %parallel_loop3A_182 = arith.extui %parallel_loop3A_181 : i1 to i32
          %parallel_loop3A_183 = arith.constant 0 : i32
          %parallel_loop3A_184 = arith.cmpi slt, %parallel_loop3A_177, %parallel_loop3A_183 : i32
          %parallel_loop3A_185 = arith.extui %parallel_loop3A_184 : i1 to i32
          %parallel_loop3A_186 = arith.subi %parallel_loop3A_182, %parallel_loop3A_185 : i32
          %parallel_loop3A_187 = arith.constant 0 : i32
          %parallel_loop3A_188 = arith.cmpi sgt, %parallel_loop3A_178, %parallel_loop3A_187 : i32
          %parallel_loop3A_189 = arith.extui %parallel_loop3A_188 : i1 to i32
          %parallel_loop3A_190 = arith.constant 0 : i32
          %parallel_loop3A_191 = arith.cmpi slt, %parallel_loop3A_178, %parallel_loop3A_190 : i32
          %parallel_loop3A_192 = arith.extui %parallel_loop3A_191 : i1 to i32
          %parallel_loop3A_193 = arith.subi %parallel_loop3A_189, %parallel_loop3A_192 : i32
          %parallel_loop3A_194 = arith.cmpi ne, %parallel_loop3A_186, %parallel_loop3A_193 : i32
          %parallel_loop3A_195 = arith.remsi %parallel_loop3A_177, %parallel_loop3A_178 : i32
          %parallel_loop3A_196 = arith.constant 0 : i32
          %parallel_loop3A_197 = arith.cmpi ne, %parallel_loop3A_195, %parallel_loop3A_196 : i32
          %parallel_loop3A_198 = arith.andi %parallel_loop3A_194, %parallel_loop3A_197 : i1
          %parallel_loop3A_199 = arith.constant 1 : i32
          %parallel_loop3A_200 = arith.subi %parallel_loop3A_179, %parallel_loop3A_199 : i32
          %parallel_loop3A_201 = arith.select %parallel_loop3A_198, %parallel_loop3A_200, %parallel_loop3A_179 : i32
          %parallel_loop3A_202 = arith.constant 8 : i32
          %parallel_loop3A_203 = arith.constant 0 : i32
          %parallel_loop3A_204 = arith.cmpi eq, %parallel_loop3A_202, %parallel_loop3A_203 : i32
          %parallel_loop3A_205 = arith.constant 1 : i32
          %parallel_loop3A_206 = arith.select %parallel_loop3A_204, %parallel_loop3A_205, %parallel_loop3A_202 : i32
          %parallel_loop3A_207 = arith.remsi %parallel_loop3A_177, %parallel_loop3A_206 : i32
          %parallel_loop3A_208 = arith.constant 0 : i32
          %parallel_loop3A_209 = arith.cmpi ne, %parallel_loop3A_207, %parallel_loop3A_208 : i32
          %parallel_loop3A_210 = arith.constant 0 : i32
          %parallel_loop3A_211 = arith.cmpi slt, %parallel_loop3A_207, %parallel_loop3A_210 : i32
          %parallel_loop3A_212 = arith.constant 0 : i32
          %parallel_loop3A_213 = arith.cmpi slt, %parallel_loop3A_206, %parallel_loop3A_212 : i32
          %parallel_loop3A_214 = arith.xori %parallel_loop3A_211, %parallel_loop3A_213 : i1
          %parallel_loop3A_215 = arith.andi %parallel_loop3A_214, %parallel_loop3A_209 : i1
          %parallel_loop3A_216 = arith.addi %parallel_loop3A_207, %parallel_loop3A_206 : i32
          %parallel_loop3A_217 = arith.select %parallel_loop3A_215, %parallel_loop3A_216, %parallel_loop3A_207 : i32
          %parallel_loop3A_218 = vector.broadcast %parallel_loop3A_201 : i32 to vector<16xi32>
          %parallel_loop3A_219 = arith.addi %parallel_loop3A_218, %iota3A : vector<16xi32>
          %parallel_loop3A_220 = arith.constant 31 : i32
          %parallel_loop3A_221 = vector.broadcast %parallel_loop3A_220 : i32 to vector<16xi32>
          %parallel_loop3A_222 = arith.andi %parallel_loop3A_219, %parallel_loop3A_221 : vector<16xi32>
          %parallel_loop3A_223 = arith.constant 16 : i32
          %parallel_loop3A_224 = arith.muli %parallel_loop3A_217, %parallel_loop3A_223 : i32
          %parallel_loop3A_225 = arith.constant 384 : i32
          %parallel_loop3A_226 = arith.addi %parallel_loop3A_225, %parallel_loop3A_224 : i32
          %parallel_loop3A_227 = vector.broadcast %parallel_loop3A_226 : i32 to vector<16xi32>
          %parallel_loop3A_228 = arith.addi %iota3A, %parallel_loop3A_227 : vector<16xi32>
          %parallel_loop3A_229 = tpu.vector_load_idx %arg4[%parallel_loop3A_222, %parallel_loop3A_228] : memref<32x512xf32, #tpu.memory_space<vmem>>[vector<16xi32>, vector<16xi32>], vector<16xf32>,
          %parallel_loop3A_230 = arith.constant 32 : i32
          %parallel_loop3A_231 = vector.broadcast %parallel_loop3A_230 : i32 to vector<16xi32>
          %parallel_loop3A_232 = arith.muli %iota3A, %parallel_loop3A_231 : vector<16xi32>
          %parallel_loop3A_233 = arith.constant 16 : i32
          %parallel_loop3A_234 = arith.muli %parallel_loop3A_217, %parallel_loop3A_233 : i32
          %parallel_loop3A_235 = arith.constant 32 : i32
          %parallel_loop3A_236 = arith.muli %parallel_loop3A_234, %parallel_loop3A_235 : i32
          %parallel_loop3A_237 = arith.constant 12288 : i32
          %parallel_loop3A_238 = arith.addi %parallel_loop3A_237, %parallel_loop3A_236 : i32
          %parallel_loop3A_239 = vector.broadcast %parallel_loop3A_238 : i32 to vector<16xi32>
          %parallel_loop3A_240 = arith.addi %parallel_loop3A_232, %parallel_loop3A_239 : vector<16xi32>
          %parallel_loop3A_241 = arith.addi %parallel_loop3A_240, %parallel_loop3A_222 : vector<16xi32>
          tpu.vector_store_idx %arg6[%parallel_loop3A_241], %parallel_loop3A_229 : memref<16384xf32, #tpu.memory_space<vmem>>[vector<16xi32>], vector<16xf32>,
        } {sc.loop_unroll_factor = 8 : i64, sc.parallel_access}
        %mul3A_170 = arith.constant 32 : i32
        %mul3A_171 = arith.muli %mul3A_170, %mul3A_125 : i32
        %add3A_172 = arith.addi %add3A, %mul3A_171 : i32
        %mul3A_173 = arith.constant 16384 : i32
        %mul3A_174 = arith.muli %add3A_172, %mul3A_173 : i32
        %multiple_of3A_175 = tpu.assume_multiple %mul3A_174, 16384 : i32
        %dma_start3A = tpu.memref_slice %arg3[%multiple_of3A_175] : memref<32000000xf32, #tpu.memory_space<hbm>> -> memref<16384xf32, #tpu.memory_space<hbm>>
        %dma_start3A_176 = tpu.memref_slice %arg3[%multiple_of3A_175] : memref<32000000xf32, #tpu.memory_space<hbm>> -> memref<16384xf32, #tpu.memory_space<hbm>>
        tpu.enqueue_dma source(%arg6 : memref<16384xf32, #tpu.memory_space<vmem>>) target(%dma_start3A_176 : memref<16384xf32, #tpu.memory_space<hbm>>) target_semaphore(%arg10 : memref<!tpu.dma_semaphore, #tpu.memory_space<semaphore_mem>>)
      } else {
      }
      %add3A_136 = arith.constant 2 : i32
      %add3A_137 = arith.addi %mul3A_125, %add3A_136 : i32
      %lt3A_138 = arith.cmpi slt, %add3A_137, %select_n3A : i32
      %convert_element_type3A_139 = arith.extui %lt3A_138 : i1 to i32
      %cond3A_140 = arith.constant 0 : i32
      %cond3A_141 = arith.cmpi ne, %convert_element_type3A_139, %cond3A_140 : i32
      scf.if %cond3A_141 {
        %add3A_147 = arith.constant 2 : i32
        %add3A_148 = arith.addi %mul3A_125, %add3A_147 : i32
        %mul3A_149 = arith.constant 32 : i32
        %mul3A_150 = arith.muli %mul3A_149, %add3A_148 : i32
        %add3A_151 = arith.addi %add3A, %mul3A_150 : i32
        %mul3A_152 = arith.constant 512 : i32
        %mul3A_153 = arith.muli %add3A_151, %mul3A_152 : i32
        %multiple_of3A = tpu.assume_multiple %mul3A_153, 512 : i32
        %dma_start3A = arith.constant 0 : i32
        %dma_start3A_154 = tpu.memref_slice %arg2[%dma_start3A, %multiple_of3A] : memref<32x1000000xf32, #tpu.memory_space<hbm>> -> memref<32x512xf32, #tpu.memory_space<hbm>>
        %dma_start3A_155 = arith.constant 0 : i32
        %dma_start3A_156 = tpu.memref_slice %arg2[%dma_start3A_155, %multiple_of3A] : memref<32x1000000xf32, #tpu.memory_space<hbm>> -> memref<32x512xf32, #tpu.memory_space<hbm>>
        tpu.enqueue_dma source(%dma_start3A_156 : memref<32x512xf32, #tpu.memory_space<hbm>>) target(%arg4 : memref<32x512xf32, #tpu.memory_space<vmem>>) target_semaphore(%arg8 : memref<!tpu.dma_semaphore, #tpu.memory_space<semaphore_mem>>)
      } else {
      }
      %lt3A_142 = arith.cmpi slt, %add3A_127, %select_n3A : i32
      %convert_element_type3A_143 = arith.extui %lt3A_142 : i1 to i32
      %cond3A_144 = arith.constant 0 : i32
      %cond3A_145 = arith.cmpi ne, %convert_element_type3A_143, %cond3A_144 : i32
      scf.if %cond3A_145 {
        %mul3A_147 = arith.constant 32 : i32
        %mul3A_148 = arith.muli %mul3A_147, %add3A_127 : i32
        %add3A_149 = arith.addi %add3A, %mul3A_148 : i32
        %mul3A_150 = arith.constant 512 : i32
        %mul3A_151 = arith.muli %add3A_149, %mul3A_150 : i32
        %multiple_of3A = tpu.assume_multiple %mul3A_151, 512 : i32
        %dma_wait3A = arith.constant 0 : i32
        %dma_wait3A_152 = tpu.memref_slice %arg2[%dma_wait3A, %multiple_of3A] : memref<32x1000000xf32, #tpu.memory_space<hbm>> -> memref<32x512xf32, #tpu.memory_space<hbm>>
        %dma_wait3A_153 = arith.constant 0 : i32
        %dma_wait3A_154 = tpu.memref_slice %arg2[%dma_wait3A_153, %multiple_of3A] : memref<32x1000000xf32, #tpu.memory_space<hbm>> -> memref<32x512xf32, #tpu.memory_space<hbm>>
        tpu.wait_dma2 semaphore(%arg9 : memref<!tpu.dma_semaphore, #tpu.memory_space<semaphore_mem>>) src(%dma_wait3A_154 : memref<32x512xf32, #tpu.memory_space<hbm>>) dst(%arg5 : memref<32x512xf32, #tpu.memory_space<vmem>>)
        %ge3A = arith.constant 2 : i32
        %ge3A_155 = arith.cmpi sge, %add3A_127, %ge3A : i32
        %convert_element_type3A_156 = arith.extui %ge3A_155 : i1 to i32
        %cond3A_157 = arith.constant 0 : i32
        %cond3A_158 = arith.cmpi ne, %convert_element_type3A_156, %cond3A_157 : i32
        scf.if %cond3A_158 {
          %sub3A_177 = arith.constant 2 : i32
          %sub3A_178 = arith.subi %add3A_127, %sub3A_177 : i32
          %mul3A_179 = arith.constant 32 : i32
          %mul3A_180 = arith.muli %mul3A_179, %sub3A_178 : i32
          %add3A_181 = arith.addi %add3A, %mul3A_180 : i32
          %mul3A_182 = arith.constant 16384 : i32
          %mul3A_183 = arith.muli %add3A_181, %mul3A_182 : i32
          %multiple_of3A_184 = tpu.assume_multiple %mul3A_183, 16384 : i32
          %dma_wait3A_185 = tpu.memref_slice %arg3[%multiple_of3A_184] : memref<32000000xf32, #tpu.memory_space<hbm>> -> memref<16384xf32, #tpu.memory_space<hbm>>
          %dma_wait3A_186 = tpu.memref_slice %arg3[%multiple_of3A_184] : memref<32000000xf32, #tpu.memory_space<hbm>> -> memref<16384xf32, #tpu.memory_space<hbm>>
          tpu.wait_dma2 semaphore(%arg11 : memref<!tpu.dma_semaphore, #tpu.memory_space<semaphore_mem>>) src(%arg7 : memref<16384xf32, #tpu.memory_space<vmem>>) dst(%dma_wait3A_186 : memref<16384xf32, #tpu.memory_space<hbm>>)
        } else {
        }
        %iota3A = tpu.iota {dimensions = array<i32: 0>} : vector<16xi32>
        %parallel_loop3A = arith.constant 0 : i32
        %parallel_loop3A_159 = arith.constant 256 : i32
        %parallel_loop3A_160 = arith.constant 1 : i32
        scf.for %parallel_loop3A_177 = %parallel_loop3A to %parallel_loop3A_159 step %parallel_loop3A_160  : i32 {
          %parallel_loop3A_178 = arith.constant 8 : i32
          %parallel_loop3A_179 = arith.divsi %parallel_loop3A_177, %parallel_loop3A_178 : i32
          %parallel_loop3A_180 = arith.constant 0 : i32
          %parallel_loop3A_181 = arith.cmpi sgt, %parallel_loop3A_177, %parallel_loop3A_180 : i32
          %parallel_loop3A_182 = arith.extui %parallel_loop3A_181 : i1 to i32
          %parallel_loop3A_183 = arith.constant 0 : i32
          %parallel_loop3A_184 = arith.cmpi slt, %parallel_loop3A_177, %parallel_loop3A_183 : i32
          %parallel_loop3A_185 = arith.extui %parallel_loop3A_184 : i1 to i32
          %parallel_loop3A_186 = arith.subi %parallel_loop3A_182, %parallel_loop3A_185 : i32
          %parallel_loop3A_187 = arith.constant 0 : i32
          %parallel_loop3A_188 = arith.cmpi sgt, %parallel_loop3A_178, %parallel_loop3A_187 : i32
          %parallel_loop3A_189 = arith.extui %parallel_loop3A_188 : i1 to i32
          %parallel_loop3A_190 = arith.constant 0 : i32
          %parallel_loop3A_191 = arith.cmpi slt, %parallel_loop3A_178, %parallel_loop3A_190 : i32
          %parallel_loop3A_192 = arith.extui %parallel_loop3A_191 : i1 to i32
          %parallel_loop3A_193 = arith.subi %parallel_loop3A_189, %parallel_loop3A_192 : i32
          %parallel_loop3A_194 = arith.cmpi ne, %parallel_loop3A_186, %parallel_loop3A_193 : i32
          %parallel_loop3A_195 = arith.remsi %parallel_loop3A_177, %parallel_loop3A_178 : i32
          %parallel_loop3A_196 = arith.constant 0 : i32
          %parallel_loop3A_197 = arith.cmpi ne, %parallel_loop3A_195, %parallel_loop3A_196 : i32
          %parallel_loop3A_198 = arith.andi %parallel_loop3A_194, %parallel_loop3A_197 : i1
          %parallel_loop3A_199 = arith.constant 1 : i32
          %parallel_loop3A_200 = arith.subi %parallel_loop3A_179, %parallel_loop3A_199 : i32
          %parallel_loop3A_201 = arith.select %parallel_loop3A_198, %parallel_loop3A_200, %parallel_loop3A_179 : i32
          %parallel_loop3A_202 = arith.constant 8 : i32
          %parallel_loop3A_203 = arith.constant 0 : i32
          %parallel_loop3A_204 = arith.cmpi eq, %parallel_loop3A_202, %parallel_loop3A_203 : i32
          %parallel_loop3A_205 = arith.constant 1 : i32
          %parallel_loop3A_206 = arith.select %parallel_loop3A_204, %parallel_loop3A_205, %parallel_loop3A_202 : i32
          %parallel_loop3A_207 = arith.remsi %parallel_loop3A_177, %parallel_loop3A_206 : i32
          %parallel_loop3A_208 = arith.constant 0 : i32
          %parallel_loop3A_209 = arith.cmpi ne, %parallel_loop3A_207, %parallel_loop3A_208 : i32
          %parallel_loop3A_210 = arith.constant 0 : i32
          %parallel_loop3A_211 = arith.cmpi slt, %parallel_loop3A_207, %parallel_loop3A_210 : i32
          %parallel_loop3A_212 = arith.constant 0 : i32
          %parallel_loop3A_213 = arith.cmpi slt, %parallel_loop3A_206, %parallel_loop3A_212 : i32
          %parallel_loop3A_214 = arith.xori %parallel_loop3A_211, %parallel_loop3A_213 : i1
          %parallel_loop3A_215 = arith.andi %parallel_loop3A_214, %parallel_loop3A_209 : i1
          %parallel_loop3A_216 = arith.addi %parallel_loop3A_207, %parallel_loop3A_206 : i32
          %parallel_loop3A_217 = arith.select %parallel_loop3A_215, %parallel_loop3A_216, %parallel_loop3A_207 : i32
          %parallel_loop3A_218 = vector.broadcast %parallel_loop3A_201 : i32 to vector<16xi32>
          %parallel_loop3A_219 = arith.addi %parallel_loop3A_218, %iota3A : vector<16xi32>
          %parallel_loop3A_220 = arith.constant 31 : i32
          %parallel_loop3A_221 = vector.broadcast %parallel_loop3A_220 : i32 to vector<16xi32>
          %parallel_loop3A_222 = arith.andi %parallel_loop3A_219, %parallel_loop3A_221 : vector<16xi32>
          %parallel_loop3A_223 = arith.constant 16 : i32
          %parallel_loop3A_224 = arith.muli %parallel_loop3A_217, %parallel_loop3A_223 : i32
          %parallel_loop3A_225 = arith.constant 0 : i32
          %parallel_loop3A_226 = arith.addi %parallel_loop3A_225, %parallel_loop3A_224 : i32
          %parallel_loop3A_227 = vector.broadcast %parallel_loop3A_226 : i32 to vector<16xi32>
          %parallel_loop3A_228 = arith.addi %iota3A, %parallel_loop3A_227 : vector<16xi32>
          %parallel_loop3A_229 = tpu.vector_load_idx %arg5[%parallel_loop3A_222, %parallel_loop3A_228] : memref<32x512xf32, #tpu.memory_space<vmem>>[vector<16xi32>, vector<16xi32>], vector<16xf32>,
          %parallel_loop3A_230 = arith.constant 32 : i32
          %parallel_loop3A_231 = vector.broadcast %parallel_loop3A_230 : i32 to vector<16xi32>
          %parallel_loop3A_232 = arith.muli %iota3A, %parallel_loop3A_231 : vector<16xi32>
          %parallel_loop3A_233 = arith.constant 16 : i32
          %parallel_loop3A_234 = arith.muli %parallel_loop3A_217, %parallel_loop3A_233 : i32
          %parallel_loop3A_235 = arith.constant 32 : i32
          %parallel_loop3A_236 = arith.muli %parallel_loop3A_234, %parallel_loop3A_235 : i32
          %parallel_loop3A_237 = arith.constant 0 : i32
          %parallel_loop3A_238 = arith.addi %parallel_loop3A_237, %parallel_loop3A_236 : i32
          %parallel_loop3A_239 = vector.broadcast %parallel_loop3A_238 : i32 to vector<16xi32>
          %parallel_loop3A_240 = arith.addi %parallel_loop3A_232, %parallel_loop3A_239 : vector<16xi32>
          %parallel_loop3A_241 = arith.addi %parallel_loop3A_240, %parallel_loop3A_222 : vector<16xi32>
          tpu.vector_store_idx %arg7[%parallel_loop3A_241], %parallel_loop3A_229 : memref<16384xf32, #tpu.memory_space<vmem>>[vector<16xi32>], vector<16xf32>,
        } {sc.loop_unroll_factor = 8 : i64, sc.parallel_access}
        %parallel_loop3A_161 = arith.constant 0 : i32
        %parallel_loop3A_162 = arith.constant 256 : i32
        %parallel_loop3A_163 = arith.constant 1 : i32
        scf.for %parallel_loop3A_177 = %parallel_loop3A_161 to %parallel_loop3A_162 step %parallel_loop3A_163  : i32 {
          %parallel_loop3A_178 = arith.constant 8 : i32
          %parallel_loop3A_179 = arith.divsi %parallel_loop3A_177, %parallel_loop3A_178 : i32
          %parallel_loop3A_180 = arith.constant 0 : i32
          %parallel_loop3A_181 = arith.cmpi sgt, %parallel_loop3A_177, %parallel_loop3A_180 : i32
          %parallel_loop3A_182 = arith.extui %parallel_loop3A_181 : i1 to i32
          %parallel_loop3A_183 = arith.constant 0 : i32
          %parallel_loop3A_184 = arith.cmpi slt, %parallel_loop3A_177, %parallel_loop3A_183 : i32
          %parallel_loop3A_185 = arith.extui %parallel_loop3A_184 : i1 to i32
          %parallel_loop3A_186 = arith.subi %parallel_loop3A_182, %parallel_loop3A_185 : i32
          %parallel_loop3A_187 = arith.constant 0 : i32
          %parallel_loop3A_188 = arith.cmpi sgt, %parallel_loop3A_178, %parallel_loop3A_187 : i32
          %parallel_loop3A_189 = arith.extui %parallel_loop3A_188 : i1 to i32
          %parallel_loop3A_190 = arith.constant 0 : i32
          %parallel_loop3A_191 = arith.cmpi slt, %parallel_loop3A_178, %parallel_loop3A_190 : i32
          %parallel_loop3A_192 = arith.extui %parallel_loop3A_191 : i1 to i32
          %parallel_loop3A_193 = arith.subi %parallel_loop3A_189, %parallel_loop3A_192 : i32
          %parallel_loop3A_194 = arith.cmpi ne, %parallel_loop3A_186, %parallel_loop3A_193 : i32
          %parallel_loop3A_195 = arith.remsi %parallel_loop3A_177, %parallel_loop3A_178 : i32
          %parallel_loop3A_196 = arith.constant 0 : i32
          %parallel_loop3A_197 = arith.cmpi ne, %parallel_loop3A_195, %parallel_loop3A_196 : i32
          %parallel_loop3A_198 = arith.andi %parallel_loop3A_194, %parallel_loop3A_197 : i1
          %parallel_loop3A_199 = arith.constant 1 : i32
          %parallel_loop3A_200 = arith.subi %parallel_loop3A_179, %parallel_loop3A_199 : i32
          %parallel_loop3A_201 = arith.select %parallel_loop3A_198, %parallel_loop3A_200, %parallel_loop3A_179 : i32
          %parallel_loop3A_202 = arith.constant 8 : i32
          %parallel_loop3A_203 = arith.constant 0 : i32
          %parallel_loop3A_204 = arith.cmpi eq, %parallel_loop3A_202, %parallel_loop3A_203 : i32
          %parallel_loop3A_205 = arith.constant 1 : i32
          %parallel_loop3A_206 = arith.select %parallel_loop3A_204, %parallel_loop3A_205, %parallel_loop3A_202 : i32
          %parallel_loop3A_207 = arith.remsi %parallel_loop3A_177, %parallel_loop3A_206 : i32
          %parallel_loop3A_208 = arith.constant 0 : i32
          %parallel_loop3A_209 = arith.cmpi ne, %parallel_loop3A_207, %parallel_loop3A_208 : i32
          %parallel_loop3A_210 = arith.constant 0 : i32
          %parallel_loop3A_211 = arith.cmpi slt, %parallel_loop3A_207, %parallel_loop3A_210 : i32
          %parallel_loop3A_212 = arith.constant 0 : i32
          %parallel_loop3A_213 = arith.cmpi slt, %parallel_loop3A_206, %parallel_loop3A_212 : i32
          %parallel_loop3A_214 = arith.xori %parallel_loop3A_211, %parallel_loop3A_213 : i1
          %parallel_loop3A_215 = arith.andi %parallel_loop3A_214, %parallel_loop3A_209 : i1
          %parallel_loop3A_216 = arith.addi %parallel_loop3A_207, %parallel_loop3A_206 : i32
          %parallel_loop3A_217 = arith.select %parallel_loop3A_215, %parallel_loop3A_216, %parallel_loop3A_207 : i32
          %parallel_loop3A_218 = vector.broadcast %parallel_loop3A_201 : i32 to vector<16xi32>
          %parallel_loop3A_219 = arith.addi %parallel_loop3A_218, %iota3A : vector<16xi32>
          %parallel_loop3A_220 = arith.constant 31 : i32
          %parallel_loop3A_221 = vector.broadcast %parallel_loop3A_220 : i32 to vector<16xi32>
          %parallel_loop3A_222 = arith.andi %parallel_loop3A_219, %parallel_loop3A_221 : vector<16xi32>
          %parallel_loop3A_223 = arith.constant 16 : i32
          %parallel_loop3A_224 = arith.muli %parallel_loop3A_217, %parallel_loop3A_223 : i32
          %parallel_loop3A_225 = arith.constant 128 : i32
          %parallel_loop3A_226 = arith.addi %parallel_loop3A_225, %parallel_loop3A_224 : i32
          %parallel_loop3A_227 = vector.broadcast %parallel_loop3A_226 : i32 to vector<16xi32>
          %parallel_loop3A_228 = arith.addi %iota3A, %parallel_loop3A_227 : vector<16xi32>
          %parallel_loop3A_229 = tpu.vector_load_idx %arg5[%parallel_loop3A_222, %parallel_loop3A_228] : memref<32x512xf32, #tpu.memory_space<vmem>>[vector<16xi32>, vector<16xi32>], vector<16xf32>,
          %parallel_loop3A_230 = arith.constant 32 : i32
          %parallel_loop3A_231 = vector.broadcast %parallel_loop3A_230 : i32 to vector<16xi32>
          %parallel_loop3A_232 = arith.muli %iota3A, %parallel_loop3A_231 : vector<16xi32>
          %parallel_loop3A_233 = arith.constant 16 : i32
          %parallel_loop3A_234 = arith.muli %parallel_loop3A_217, %parallel_loop3A_233 : i32
          %parallel_loop3A_235 = arith.constant 32 : i32
          %parallel_loop3A_236 = arith.muli %parallel_loop3A_234, %parallel_loop3A_235 : i32
          %parallel_loop3A_237 = arith.constant 4096 : i32
          %parallel_loop3A_238 = arith.addi %parallel_loop3A_237, %parallel_loop3A_236 : i32
          %parallel_loop3A_239 = vector.broadcast %parallel_loop3A_238 : i32 to vector<16xi32>
          %parallel_loop3A_240 = arith.addi %parallel_loop3A_232, %parallel_loop3A_239 : vector<16xi32>
          %parallel_loop3A_241 = arith.addi %parallel_loop3A_240, %parallel_loop3A_222 : vector<16xi32>
          tpu.vector_store_idx %arg7[%parallel_loop3A_241], %parallel_loop3A_229 : memref<16384xf32, #tpu.memory_space<vmem>>[vector<16xi32>], vector<16xf32>,
        } {sc.loop_unroll_factor = 8 : i64, sc.parallel_access}
        %parallel_loop3A_164 = arith.constant 0 : i32
        %parallel_loop3A_165 = arith.constant 256 : i32
        %parallel_loop3A_166 = arith.constant 1 : i32
        scf.for %parallel_loop3A_177 = %parallel_loop3A_164 to %parallel_loop3A_165 step %parallel_loop3A_166  : i32 {
          %parallel_loop3A_178 = arith.constant 8 : i32
          %parallel_loop3A_179 = arith.divsi %parallel_loop3A_177, %parallel_loop3A_178 : i32
          %parallel_loop3A_180 = arith.constant 0 : i32
          %parallel_loop3A_181 = arith.cmpi sgt, %parallel_loop3A_177, %parallel_loop3A_180 : i32
          %parallel_loop3A_182 = arith.extui %parallel_loop3A_181 : i1 to i32
          %parallel_loop3A_183 = arith.constant 0 : i32
          %parallel_loop3A_184 = arith.cmpi slt, %parallel_loop3A_177, %parallel_loop3A_183 : i32
          %parallel_loop3A_185 = arith.extui %parallel_loop3A_184 : i1 to i32
          %parallel_loop3A_186 = arith.subi %parallel_loop3A_182, %parallel_loop3A_185 : i32
          %parallel_loop3A_187 = arith.constant 0 : i32
          %parallel_loop3A_188 = arith.cmpi sgt, %parallel_loop3A_178, %parallel_loop3A_187 : i32
          %parallel_loop3A_189 = arith.extui %parallel_loop3A_188 : i1 to i32
          %parallel_loop3A_190 = arith.constant 0 : i32
          %parallel_loop3A_191 = arith.cmpi slt, %parallel_loop3A_178, %parallel_loop3A_190 : i32
          %parallel_loop3A_192 = arith.extui %parallel_loop3A_191 : i1 to i32
          %parallel_loop3A_193 = arith.subi %parallel_loop3A_189, %parallel_loop3A_192 : i32
          %parallel_loop3A_194 = arith.cmpi ne, %parallel_loop3A_186, %parallel_loop3A_193 : i32
          %parallel_loop3A_195 = arith.remsi %parallel_loop3A_177, %parallel_loop3A_178 : i32
          %parallel_loop3A_196 = arith.constant 0 : i32
          %parallel_loop3A_197 = arith.cmpi ne, %parallel_loop3A_195, %parallel_loop3A_196 : i32
          %parallel_loop3A_198 = arith.andi %parallel_loop3A_194, %parallel_loop3A_197 : i1
          %parallel_loop3A_199 = arith.constant 1 : i32
          %parallel_loop3A_200 = arith.subi %parallel_loop3A_179, %parallel_loop3A_199 : i32
          %parallel_loop3A_201 = arith.select %parallel_loop3A_198, %parallel_loop3A_200, %parallel_loop3A_179 : i32
          %parallel_loop3A_202 = arith.constant 8 : i32
          %parallel_loop3A_203 = arith.constant 0 : i32
          %parallel_loop3A_204 = arith.cmpi eq, %parallel_loop3A_202, %parallel_loop3A_203 : i32
          %parallel_loop3A_205 = arith.constant 1 : i32
          %parallel_loop3A_206 = arith.select %parallel_loop3A_204, %parallel_loop3A_205, %parallel_loop3A_202 : i32
          %parallel_loop3A_207 = arith.remsi %parallel_loop3A_177, %parallel_loop3A_206 : i32
          %parallel_loop3A_208 = arith.constant 0 : i32
          %parallel_loop3A_209 = arith.cmpi ne, %parallel_loop3A_207, %parallel_loop3A_208 : i32
          %parallel_loop3A_210 = arith.constant 0 : i32
          %parallel_loop3A_211 = arith.cmpi slt, %parallel_loop3A_207, %parallel_loop3A_210 : i32
          %parallel_loop3A_212 = arith.constant 0 : i32
          %parallel_loop3A_213 = arith.cmpi slt, %parallel_loop3A_206, %parallel_loop3A_212 : i32
          %parallel_loop3A_214 = arith.xori %parallel_loop3A_211, %parallel_loop3A_213 : i1
          %parallel_loop3A_215 = arith.andi %parallel_loop3A_214, %parallel_loop3A_209 : i1
          %parallel_loop3A_216 = arith.addi %parallel_loop3A_207, %parallel_loop3A_206 : i32
          %parallel_loop3A_217 = arith.select %parallel_loop3A_215, %parallel_loop3A_216, %parallel_loop3A_207 : i32
          %parallel_loop3A_218 = vector.broadcast %parallel_loop3A_201 : i32 to vector<16xi32>
          %parallel_loop3A_219 = arith.addi %parallel_loop3A_218, %iota3A : vector<16xi32>
          %parallel_loop3A_220 = arith.constant 31 : i32
          %parallel_loop3A_221 = vector.broadcast %parallel_loop3A_220 : i32 to vector<16xi32>
          %parallel_loop3A_222 = arith.andi %parallel_loop3A_219, %parallel_loop3A_221 : vector<16xi32>
          %parallel_loop3A_223 = arith.constant 16 : i32
          %parallel_loop3A_224 = arith.muli %parallel_loop3A_217, %parallel_loop3A_223 : i32
          %parallel_loop3A_225 = arith.constant 256 : i32
          %parallel_loop3A_226 = arith.addi %parallel_loop3A_225, %parallel_loop3A_224 : i32
          %parallel_loop3A_227 = vector.broadcast %parallel_loop3A_226 : i32 to vector<16xi32>
          %parallel_loop3A_228 = arith.addi %iota3A, %parallel_loop3A_227 : vector<16xi32>
          %parallel_loop3A_229 = tpu.vector_load_idx %arg5[%parallel_loop3A_222, %parallel_loop3A_228] : memref<32x512xf32, #tpu.memory_space<vmem>>[vector<16xi32>, vector<16xi32>], vector<16xf32>,
          %parallel_loop3A_230 = arith.constant 32 : i32
          %parallel_loop3A_231 = vector.broadcast %parallel_loop3A_230 : i32 to vector<16xi32>
          %parallel_loop3A_232 = arith.muli %iota3A, %parallel_loop3A_231 : vector<16xi32>
          %parallel_loop3A_233 = arith.constant 16 : i32
          %parallel_loop3A_234 = arith.muli %parallel_loop3A_217, %parallel_loop3A_233 : i32
          %parallel_loop3A_235 = arith.constant 32 : i32
          %parallel_loop3A_236 = arith.muli %parallel_loop3A_234, %parallel_loop3A_235 : i32
          %parallel_loop3A_237 = arith.constant 8192 : i32
          %parallel_loop3A_238 = arith.addi %parallel_loop3A_237, %parallel_loop3A_236 : i32
          %parallel_loop3A_239 = vector.broadcast %parallel_loop3A_238 : i32 to vector<16xi32>
          %parallel_loop3A_240 = arith.addi %parallel_loop3A_232, %parallel_loop3A_239 : vector<16xi32>
          %parallel_loop3A_241 = arith.addi %parallel_loop3A_240, %parallel_loop3A_222 : vector<16xi32>
          tpu.vector_store_idx %arg7[%parallel_loop3A_241], %parallel_loop3A_229 : memref<16384xf32, #tpu.memory_space<vmem>>[vector<16xi32>], vector<16xf32>,
        } {sc.loop_unroll_factor = 8 : i64, sc.parallel_access}
        %parallel_loop3A_167 = arith.constant 0 : i32
        %parallel_loop3A_168 = arith.constant 256 : i32
        %parallel_loop3A_169 = arith.constant 1 : i32
        scf.for %parallel_loop3A_177 = %parallel_loop3A_167 to %parallel_loop3A_168 step %parallel_loop3A_169  : i32 {
          %parallel_loop3A_178 = arith.constant 8 : i32
          %parallel_loop3A_179 = arith.divsi %parallel_loop3A_177, %parallel_loop3A_178 : i32
          %parallel_loop3A_180 = arith.constant 0 : i32
          %parallel_loop3A_181 = arith.cmpi sgt, %parallel_loop3A_177, %parallel_loop3A_180 : i32
          %parallel_loop3A_182 = arith.extui %parallel_loop3A_181 : i1 to i32
          %parallel_loop3A_183 = arith.constant 0 : i32
          %parallel_loop3A_184 = arith.cmpi slt, %parallel_loop3A_177, %parallel_loop3A_183 : i32
          %parallel_loop3A_185 = arith.extui %parallel_loop3A_184 : i1 to i32
          %parallel_loop3A_186 = arith.subi %parallel_loop3A_182, %parallel_loop3A_185 : i32
          %parallel_loop3A_187 = arith.constant 0 : i32
          %parallel_loop3A_188 = arith.cmpi sgt, %parallel_loop3A_178, %parallel_loop3A_187 : i32
          %parallel_loop3A_189 = arith.extui %parallel_loop3A_188 : i1 to i32
          %parallel_loop3A_190 = arith.constant 0 : i32
          %parallel_loop3A_191 = arith.cmpi slt, %parallel_loop3A_178, %parallel_loop3A_190 : i32
          %parallel_loop3A_192 = arith.extui %parallel_loop3A_191 : i1 to i32
          %parallel_loop3A_193 = arith.subi %parallel_loop3A_189, %parallel_loop3A_192 : i32
          %parallel_loop3A_194 = arith.cmpi ne, %parallel_loop3A_186, %parallel_loop3A_193 : i32
          %parallel_loop3A_195 = arith.remsi %parallel_loop3A_177, %parallel_loop3A_178 : i32
          %parallel_loop3A_196 = arith.constant 0 : i32
          %parallel_loop3A_197 = arith.cmpi ne, %parallel_loop3A_195, %parallel_loop3A_196 : i32
          %parallel_loop3A_198 = arith.andi %parallel_loop3A_194, %parallel_loop3A_197 : i1
          %parallel_loop3A_199 = arith.constant 1 : i32
          %parallel_loop3A_200 = arith.subi %parallel_loop3A_179, %parallel_loop3A_199 : i32
          %parallel_loop3A_201 = arith.select %parallel_loop3A_198, %parallel_loop3A_200, %parallel_loop3A_179 : i32
          %parallel_loop3A_202 = arith.constant 8 : i32
          %parallel_loop3A_203 = arith.constant 0 : i32
          %parallel_loop3A_204 = arith.cmpi eq, %parallel_loop3A_202, %parallel_loop3A_203 : i32
          %parallel_loop3A_205 = arith.constant 1 : i32
          %parallel_loop3A_206 = arith.select %parallel_loop3A_204, %parallel_loop3A_205, %parallel_loop3A_202 : i32
          %parallel_loop3A_207 = arith.remsi %parallel_loop3A_177, %parallel_loop3A_206 : i32
          %parallel_loop3A_208 = arith.constant 0 : i32
          %parallel_loop3A_209 = arith.cmpi ne, %parallel_loop3A_207, %parallel_loop3A_208 : i32
          %parallel_loop3A_210 = arith.constant 0 : i32
          %parallel_loop3A_211 = arith.cmpi slt, %parallel_loop3A_207, %parallel_loop3A_210 : i32
          %parallel_loop3A_212 = arith.constant 0 : i32
          %parallel_loop3A_213 = arith.cmpi slt, %parallel_loop3A_206, %parallel_loop3A_212 : i32
          %parallel_loop3A_214 = arith.xori %parallel_loop3A_211, %parallel_loop3A_213 : i1
          %parallel_loop3A_215 = arith.andi %parallel_loop3A_214, %parallel_loop3A_209 : i1
          %parallel_loop3A_216 = arith.addi %parallel_loop3A_207, %parallel_loop3A_206 : i32
          %parallel_loop3A_217 = arith.select %parallel_loop3A_215, %parallel_loop3A_216, %parallel_loop3A_207 : i32
          %parallel_loop3A_218 = vector.broadcast %parallel_loop3A_201 : i32 to vector<16xi32>
          %parallel_loop3A_219 = arith.addi %parallel_loop3A_218, %iota3A : vector<16xi32>
          %parallel_loop3A_220 = arith.constant 31 : i32
          %parallel_loop3A_221 = vector.broadcast %parallel_loop3A_220 : i32 to vector<16xi32>
          %parallel_loop3A_222 = arith.andi %parallel_loop3A_219, %parallel_loop3A_221 : vector<16xi32>
          %parallel_loop3A_223 = arith.constant 16 : i32
          %parallel_loop3A_224 = arith.muli %parallel_loop3A_217, %parallel_loop3A_223 : i32
          %parallel_loop3A_225 = arith.constant 384 : i32
          %parallel_loop3A_226 = arith.addi %parallel_loop3A_225, %parallel_loop3A_224 : i32
          %parallel_loop3A_227 = vector.broadcast %parallel_loop3A_226 : i32 to vector<16xi32>
          %parallel_loop3A_228 = arith.addi %iota3A, %parallel_loop3A_227 : vector<16xi32>
          %parallel_loop3A_229 = tpu.vector_load_idx %arg5[%parallel_loop3A_222, %parallel_loop3A_228] : memref<32x512xf32, #tpu.memory_space<vmem>>[vector<16xi32>, vector<16xi32>], vector<16xf32>,
          %parallel_loop3A_230 = arith.constant 32 : i32
          %parallel_loop3A_231 = vector.broadcast %parallel_loop3A_230 : i32 to vector<16xi32>
          %parallel_loop3A_232 = arith.muli %iota3A, %parallel_loop3A_231 : vector<16xi32>
          %parallel_loop3A_233 = arith.constant 16 : i32
          %parallel_loop3A_234 = arith.muli %parallel_loop3A_217, %parallel_loop3A_233 : i32
          %parallel_loop3A_235 = arith.constant 32 : i32
          %parallel_loop3A_236 = arith.muli %parallel_loop3A_234, %parallel_loop3A_235 : i32
          %parallel_loop3A_237 = arith.constant 12288 : i32
          %parallel_loop3A_238 = arith.addi %parallel_loop3A_237, %parallel_loop3A_236 : i32
          %parallel_loop3A_239 = vector.broadcast %parallel_loop3A_238 : i32 to vector<16xi32>
          %parallel_loop3A_240 = arith.addi %parallel_loop3A_232, %parallel_loop3A_239 : vector<16xi32>
          %parallel_loop3A_241 = arith.addi %parallel_loop3A_240, %parallel_loop3A_222 : vector<16xi32>
          tpu.vector_store_idx %arg7[%parallel_loop3A_241], %parallel_loop3A_229 : memref<16384xf32, #tpu.memory_space<vmem>>[vector<16xi32>], vector<16xf32>,
        } {sc.loop_unroll_factor = 8 : i64, sc.parallel_access}
        %mul3A_170 = arith.constant 32 : i32
        %mul3A_171 = arith.muli %mul3A_170, %add3A_127 : i32
        %add3A_172 = arith.addi %add3A, %mul3A_171 : i32
        %mul3A_173 = arith.constant 16384 : i32
        %mul3A_174 = arith.muli %add3A_172, %mul3A_173 : i32
        %multiple_of3A_175 = tpu.assume_multiple %mul3A_174, 16384 : i32
        %dma_start3A = tpu.memref_slice %arg3[%multiple_of3A_175] : memref<32000000xf32, #tpu.memory_space<hbm>> -> memref<16384xf32, #tpu.memory_space<hbm>>
        %dma_start3A_176 = tpu.memref_slice %arg3[%multiple_of3A_175] : memref<32000000xf32, #tpu.memory_space<hbm>> -> memref<16384xf32, #tpu.memory_space<hbm>>
        tpu.enqueue_dma source(%arg7 : memref<16384xf32, #tpu.memory_space<vmem>>) target(%dma_start3A_176 : memref<16384xf32, #tpu.memory_space<hbm>>) target_semaphore(%arg11 : memref<!tpu.dma_semaphore, #tpu.memory_space<semaphore_mem>>)
      } else {
      }
      %scan3A_146 = arith.constant 0 : i32
      scf.yield %scan3A_146 : i32
    }
    %scan3A_30 = arith.constant 31 : i32
    %sub3A_31 = arith.constant 2 : i32
    %sub3A_32 = arith.subi %select_n3A, %sub3A_31 : i32
    %jit3A_33 = arith.constant 2 : i32
    %eq3A = arith.constant 0 : i32
    %eq3A_34 = arith.cmpi eq, %jit3A_33, %eq3A : i32
    %jit3A_35 = arith.constant 1 : i32
    %select_n3A_36 = arith.select %eq3A_34, %jit3A_35, %jit3A_33 : i32
    %rem3A_37 = arith.remsi %sub3A_32, %select_n3A_36 : i32
    %ne3A_38 = arith.constant 0 : i32
    %ne3A_39 = arith.cmpi ne, %rem3A_37, %ne3A_38 : i32
    %lt3A = arith.constant 0 : i32
    %lt3A_40 = arith.cmpi slt, %rem3A_37, %lt3A : i32
    %lt3A_41 = arith.constant 0 : i32
    %lt3A_42 = arith.cmpi slt, %select_n3A_36, %lt3A_41 : i32
    %ne3A_43 = arith.xori %lt3A_40, %lt3A_42 : i1
    %and3A_44 = arith.andi %ne3A_43, %ne3A_39 : i1
    %add3A_45 = arith.addi %rem3A_37, %select_n3A_36 : i32
    %select_n3A_46 = arith.select %and3A_44, %add3A_45, %rem3A_37 : i32
    %eq3A_47 = arith.constant 0 : i32
    %eq3A_48 = arith.cmpi eq, %select_n3A_46, %eq3A_47 : i32
    %convert_element_type3A_49 = arith.extui %eq3A_48 : i1 to i32
    %cond3A_50 = arith.constant 0 : i32
    %cond3A_51 = arith.cmpi ne, %convert_element_type3A_49, %cond3A_50 : i32
    scf.if %cond3A_51 {
      %mul3A_122 = arith.constant 32 : i32
      %mul3A_123 = arith.muli %mul3A_122, %sub3A_32 : i32
      %add3A_124 = arith.addi %add3A, %mul3A_123 : i32
      %mul3A_125 = arith.constant 16384 : i32
      %mul3A_126 = arith.muli %add3A_124, %mul3A_125 : i32
      %multiple_of3A = tpu.assume_multiple %mul3A_126, 16384 : i32
      %dma_wait3A = tpu.memref_slice %arg3[%multiple_of3A] : memref<32000000xf32, #tpu.memory_space<hbm>> -> memref<16384xf32, #tpu.memory_space<hbm>>
      %dma_wait3A_127 = tpu.memref_slice %arg3[%multiple_of3A] : memref<32000000xf32, #tpu.memory_space<hbm>> -> memref<16384xf32, #tpu.memory_space<hbm>>
      tpu.wait_dma2 semaphore(%arg10 : memref<!tpu.dma_semaphore, #tpu.memory_space<semaphore_mem>>) src(%arg6 : memref<16384xf32, #tpu.memory_space<vmem>>) dst(%dma_wait3A_127 : memref<16384xf32, #tpu.memory_space<hbm>>)
    } else {
    }
    %jit3A_52 = arith.constant 2 : i32
    %eq3A_53 = arith.constant 0 : i32
    %eq3A_54 = arith.cmpi eq, %jit3A_52, %eq3A_53 : i32
    %jit3A_55 = arith.constant 1 : i32
    %select_n3A_56 = arith.select %eq3A_54, %jit3A_55, %jit3A_52 : i32
    %rem3A_57 = arith.remsi %sub3A_32, %select_n3A_56 : i32
    %ne3A_58 = arith.constant 0 : i32
    %ne3A_59 = arith.cmpi ne, %rem3A_57, %ne3A_58 : i32
    %lt3A_60 = arith.constant 0 : i32
    %lt3A_61 = arith.cmpi slt, %rem3A_57, %lt3A_60 : i32
    %lt3A_62 = arith.constant 0 : i32
    %lt3A_63 = arith.cmpi slt, %select_n3A_56, %lt3A_62 : i32
    %ne3A_64 = arith.xori %lt3A_61, %lt3A_63 : i1
    %and3A_65 = arith.andi %ne3A_64, %ne3A_59 : i1
    %add3A_66 = arith.addi %rem3A_57, %select_n3A_56 : i32
    %select_n3A_67 = arith.select %and3A_65, %add3A_66, %rem3A_57 : i32
    %eq3A_68 = arith.constant 1 : i32
    %eq3A_69 = arith.cmpi eq, %select_n3A_67, %eq3A_68 : i32
    %convert_element_type3A_70 = arith.extui %eq3A_69 : i1 to i32
    %cond3A_71 = arith.constant 0 : i32
    %cond3A_72 = arith.cmpi ne, %convert_element_type3A_70, %cond3A_71 : i32
    scf.if %cond3A_72 {
      %mul3A_122 = arith.constant 32 : i32
      %mul3A_123 = arith.muli %mul3A_122, %sub3A_32 : i32
      %add3A_124 = arith.addi %add3A, %mul3A_123 : i32
      %mul3A_125 = arith.constant 16384 : i32
      %mul3A_126 = arith.muli %add3A_124, %mul3A_125 : i32
      %multiple_of3A = tpu.assume_multiple %mul3A_126, 16384 : i32
      %dma_wait3A = tpu.memref_slice %arg3[%multiple_of3A] : memref<32000000xf32, #tpu.memory_space<hbm>> -> memref<16384xf32, #tpu.memory_space<hbm>>
      %dma_wait3A_127 = tpu.memref_slice %arg3[%multiple_of3A] : memref<32000000xf32, #tpu.memory_space<hbm>> -> memref<16384xf32, #tpu.memory_space<hbm>>
      tpu.wait_dma2 semaphore(%arg11 : memref<!tpu.dma_semaphore, #tpu.memory_space<semaphore_mem>>) src(%arg7 : memref<16384xf32, #tpu.memory_space<vmem>>) dst(%dma_wait3A_127 : memref<16384xf32, #tpu.memory_space<hbm>>)
    } else {
    }
    %sub3A_73 = arith.constant 1 : i32
    %sub3A_74 = arith.subi %select_n3A, %sub3A_73 : i32
    %jit3A_75 = arith.constant 2 : i32
    %eq3A_76 = arith.constant 0 : i32
    %eq3A_77 = arith.cmpi eq, %jit3A_75, %eq3A_76 : i32
    %jit3A_78 = arith.constant 1 : i32
    %select_n3A_79 = arith.select %eq3A_77, %jit3A_78, %jit3A_75 : i32
    %rem3A_80 = arith.remsi %sub3A_74, %select_n3A_79 : i32
    %ne3A_81 = arith.constant 0 : i32
    %ne3A_82 = arith.cmpi ne, %rem3A_80, %ne3A_81 : i32
    %lt3A_83 = arith.constant 0 : i32
    %lt3A_84 = arith.cmpi slt, %rem3A_80, %lt3A_83 : i32
    %lt3A_85 = arith.constant 0 : i32
    %lt3A_86 = arith.cmpi slt, %select_n3A_79, %lt3A_85 : i32
    %ne3A_87 = arith.xori %lt3A_84, %lt3A_86 : i1
    %and3A_88 = arith.andi %ne3A_87, %ne3A_82 : i1
    %add3A_89 = arith.addi %rem3A_80, %select_n3A_79 : i32
    %select_n3A_90 = arith.select %and3A_88, %add3A_89, %rem3A_80 : i32
    %eq3A_91 = arith.constant 0 : i32
    %eq3A_92 = arith.cmpi eq, %select_n3A_90, %eq3A_91 : i32
    %convert_element_type3A_93 = arith.extui %eq3A_92 : i1 to i32
    %cond3A_94 = arith.constant 0 : i32
    %cond3A_95 = arith.cmpi ne, %convert_element_type3A_93, %cond3A_94 : i32
    scf.if %cond3A_95 {
      %mul3A_122 = arith.constant 32 : i32
      %mul3A_123 = arith.muli %mul3A_122, %sub3A_74 : i32
      %add3A_124 = arith.addi %add3A, %mul3A_123 : i32
      %mul3A_125 = arith.constant 16384 : i32
      %mul3A_126 = arith.muli %add3A_124, %mul3A_125 : i32
      %multiple_of3A = tpu.assume_multiple %mul3A_126, 16384 : i32
      %dma_wait3A = tpu.memref_slice %arg3[%multiple_of3A] : memref<32000000xf32, #tpu.memory_space<hbm>> -> memref<16384xf32, #tpu.memory_space<hbm>>
      %dma_wait3A_127 = tpu.memref_slice %arg3[%multiple_of3A] : memref<32000000xf32, #tpu.memory_space<hbm>> -> memref<16384xf32, #tpu.memory_space<hbm>>
      tpu.wait_dma2 semaphore(%arg10 : memref<!tpu.dma_semaphore, #tpu.memory_space<semaphore_mem>>) src(%arg6 : memref<16384xf32, #tpu.memory_space<vmem>>) dst(%dma_wait3A_127 : memref<16384xf32, #tpu.memory_space<hbm>>)
    } else {
    }
    %jit3A_96 = arith.constant 2 : i32
    %eq3A_97 = arith.constant 0 : i32
    %eq3A_98 = arith.cmpi eq, %jit3A_96, %eq3A_97 : i32
    %jit3A_99 = arith.constant 1 : i32
    %select_n3A_100 = arith.select %eq3A_98, %jit3A_99, %jit3A_96 : i32
    %rem3A_101 = arith.remsi %sub3A_74, %select_n3A_100 : i32
    %ne3A_102 = arith.constant 0 : i32
    %ne3A_103 = arith.cmpi ne, %rem3A_101, %ne3A_102 : i32
    %lt3A_104 = arith.constant 0 : i32
    %lt3A_105 = arith.cmpi slt, %rem3A_101, %lt3A_104 : i32
    %lt3A_106 = arith.constant 0 : i32
    %lt3A_107 = arith.cmpi slt, %select_n3A_100, %lt3A_106 : i32
    %ne3A_108 = arith.xori %lt3A_105, %lt3A_107 : i1
    %and3A_109 = arith.andi %ne3A_108, %ne3A_103 : i1
    %add3A_110 = arith.addi %rem3A_101, %select_n3A_100 : i32
    %select_n3A_111 = arith.select %and3A_109, %add3A_110, %rem3A_101 : i32
    %eq3A_112 = arith.constant 1 : i32
    %eq3A_113 = arith.cmpi eq, %select_n3A_111, %eq3A_112 : i32
    %convert_element_type3A_114 = arith.extui %eq3A_113 : i1 to i32
    %cond3A_115 = arith.constant 0 : i32
    %cond3A_116 = arith.cmpi ne, %convert_element_type3A_114, %cond3A_115 : i32
    scf.if %cond3A_116 {
      %mul3A_122 = arith.constant 32 : i32
      %mul3A_123 = arith.muli %mul3A_122, %sub3A_74 : i32
      %add3A_124 = arith.addi %add3A, %mul3A_123 : i32
      %mul3A_125 = arith.constant 16384 : i32
      %mul3A_126 = arith.muli %add3A_124, %mul3A_125 : i32
      %multiple_of3A = tpu.assume_multiple %mul3A_126, 16384 : i32
      %dma_wait3A = tpu.memref_slice %arg3[%multiple_of3A] : memref<32000000xf32, #tpu.memory_space<hbm>> -> memref<16384xf32, #tpu.memory_space<hbm>>
      %dma_wait3A_127 = tpu.memref_slice %arg3[%multiple_of3A] : memref<32000000xf32, #tpu.memory_space<hbm>> -> memref<16384xf32, #tpu.memory_space<hbm>>
      tpu.wait_dma2 semaphore(%arg11 : memref<!tpu.dma_semaphore, #tpu.memory_space<semaphore_mem>>) src(%arg7 : memref<16384xf32, #tpu.memory_space<vmem>>) dst(%dma_wait3A_127 : memref<16384xf32, #tpu.memory_space<hbm>>)
    } else {
    }
    %eq3A_117 = arith.constant 0 : i32
    %eq3A_118 = arith.cmpi eq, %add3A, %eq3A_117 : i32
    %convert_element_type3A_119 = arith.extui %eq3A_118 : i1 to i32
    %cond3A_120 = arith.constant 0 : i32
    %cond3A_121 = arith.cmpi ne, %convert_element_type3A_119, %cond3A_120 : i32
    scf.if %cond3A_121 {
      %add3A_122 = arith.constant 999936 : i32
      %add3A_123 = arith.addi %add3A, %add3A_122 : i32
      %multiple_of3A = tpu.assume_multiple %add3A_123, 128 : i32
      "tpu.region"() ({
        %run_scoped3A = tpu.sem_alloc : memref<!tpu.dma_semaphore, #tpu.memory_space<semaphore_mem>>
        %dma_start3A = arith.constant 0 : i32
        %dma_start3A_126 = arith.constant 0 : i32
        %dma_start3A_127 = tpu.memref_slice %arg4[%dma_start3A, %dma_start3A_126] : memref<32x512xf32, #tpu.memory_space<vmem>> -> memref<32x128xf32, #tpu.memory_space<vmem>>
        %dma_start3A_128 = arith.constant 0 : i32
        %dma_start3A_129 = tpu.memref_slice %arg2[%dma_start3A_128, %multiple_of3A] : memref<32x1000000xf32, #tpu.memory_space<hbm>> -> memref<32x128xf32, #tpu.memory_space<hbm>>
        %dma_start3A_130 = arith.constant 0 : i32
        %dma_start3A_131 = arith.constant 0 : i32
        %dma_start3A_132 = tpu.memref_slice %arg4[%dma_start3A_130, %dma_start3A_131] : memref<32x512xf32, #tpu.memory_space<vmem>> -> memref<32x128xf32, #tpu.memory_space<vmem>>
        %dma_start3A_133 = arith.constant 0 : i32
        %dma_start3A_134 = tpu.memref_slice %arg2[%dma_start3A_133, %multiple_of3A] : memref<32x1000000xf32, #tpu.memory_space<hbm>> -> memref<32x128xf32, #tpu.memory_space<hbm>>
        tpu.enqueue_dma source(%dma_start3A_134 : memref<32x128xf32, #tpu.memory_space<hbm>>) target(%dma_start3A_132 : memref<32x128xf32, #tpu.memory_space<vmem>>) target_semaphore(%run_scoped3A : memref<!tpu.dma_semaphore, #tpu.memory_space<semaphore_mem>>)
        %dma_wait3A = arith.constant 0 : i32
        %dma_wait3A_135 = arith.constant 0 : i32
        %dma_wait3A_136 = tpu.memref_slice %arg4[%dma_wait3A, %dma_wait3A_135] : memref<32x512xf32, #tpu.memory_space<vmem>> -> memref<32x128xf32, #tpu.memory_space<vmem>>
        %dma_wait3A_137 = arith.constant 0 : i32
        %dma_wait3A_138 = tpu.memref_slice %arg2[%dma_wait3A_137, %multiple_of3A] : memref<32x1000000xf32, #tpu.memory_space<hbm>> -> memref<32x128xf32, #tpu.memory_space<hbm>>
        %dma_wait3A_139 = arith.constant 0 : i32
        %dma_wait3A_140 = arith.constant 0 : i32
        %dma_wait3A_141 = tpu.memref_slice %arg4[%dma_wait3A_139, %dma_wait3A_140] : memref<32x512xf32, #tpu.memory_space<vmem>> -> memref<32x128xf32, #tpu.memory_space<vmem>>
        %dma_wait3A_142 = arith.constant 0 : i32
        %dma_wait3A_143 = tpu.memref_slice %arg2[%dma_wait3A_142, %multiple_of3A] : memref<32x1000000xf32, #tpu.memory_space<hbm>> -> memref<32x128xf32, #tpu.memory_space<hbm>>
        tpu.wait_dma2 semaphore(%run_scoped3A : memref<!tpu.dma_semaphore, #tpu.memory_space<semaphore_mem>>) src(%dma_wait3A_143 : memref<32x128xf32, #tpu.memory_space<hbm>>) dst(%dma_wait3A_141 : memref<32x128xf32, #tpu.memory_space<vmem>>)
        tpu.yield
      }) : () -> ()
      %iota3A = tpu.iota {dimensions = array<i32: 0>} : vector<16xi32>
      %parallel_loop3A = arith.constant 0 : i32
      %parallel_loop3A_124 = arith.constant 256 : i32
      %parallel_loop3A_125 = arith.constant 1 : i32
      scf.for %parallel_loop3A_126 = %parallel_loop3A to %parallel_loop3A_124 step %parallel_loop3A_125  : i32 {
        %parallel_loop3A_127 = arith.constant 8 : i32
        %parallel_loop3A_128 = arith.divsi %parallel_loop3A_126, %parallel_loop3A_127 : i32
        %parallel_loop3A_129 = arith.constant 0 : i32
        %parallel_loop3A_130 = arith.cmpi sgt, %parallel_loop3A_126, %parallel_loop3A_129 : i32
        %parallel_loop3A_131 = arith.extui %parallel_loop3A_130 : i1 to i32
        %parallel_loop3A_132 = arith.constant 0 : i32
        %parallel_loop3A_133 = arith.cmpi slt, %parallel_loop3A_126, %parallel_loop3A_132 : i32
        %parallel_loop3A_134 = arith.extui %parallel_loop3A_133 : i1 to i32
        %parallel_loop3A_135 = arith.subi %parallel_loop3A_131, %parallel_loop3A_134 : i32
        %parallel_loop3A_136 = arith.constant 0 : i32
        %parallel_loop3A_137 = arith.cmpi sgt, %parallel_loop3A_127, %parallel_loop3A_136 : i32
        %parallel_loop3A_138 = arith.extui %parallel_loop3A_137 : i1 to i32
        %parallel_loop3A_139 = arith.constant 0 : i32
        %parallel_loop3A_140 = arith.cmpi slt, %parallel_loop3A_127, %parallel_loop3A_139 : i32
        %parallel_loop3A_141 = arith.extui %parallel_loop3A_140 : i1 to i32
        %parallel_loop3A_142 = arith.subi %parallel_loop3A_138, %parallel_loop3A_141 : i32
        %parallel_loop3A_143 = arith.cmpi ne, %parallel_loop3A_135, %parallel_loop3A_142 : i32
        %parallel_loop3A_144 = arith.remsi %parallel_loop3A_126, %parallel_loop3A_127 : i32
        %parallel_loop3A_145 = arith.constant 0 : i32
        %parallel_loop3A_146 = arith.cmpi ne, %parallel_loop3A_144, %parallel_loop3A_145 : i32
        %parallel_loop3A_147 = arith.andi %parallel_loop3A_143, %parallel_loop3A_146 : i1
        %parallel_loop3A_148 = arith.constant 1 : i32
        %parallel_loop3A_149 = arith.subi %parallel_loop3A_128, %parallel_loop3A_148 : i32
        %parallel_loop3A_150 = arith.select %parallel_loop3A_147, %parallel_loop3A_149, %parallel_loop3A_128 : i32
        %parallel_loop3A_151 = arith.constant 8 : i32
        %parallel_loop3A_152 = arith.constant 0 : i32
        %parallel_loop3A_153 = arith.cmpi eq, %parallel_loop3A_151, %parallel_loop3A_152 : i32
        %parallel_loop3A_154 = arith.constant 1 : i32
        %parallel_loop3A_155 = arith.select %parallel_loop3A_153, %parallel_loop3A_154, %parallel_loop3A_151 : i32
        %parallel_loop3A_156 = arith.remsi %parallel_loop3A_126, %parallel_loop3A_155 : i32
        %parallel_loop3A_157 = arith.constant 0 : i32
        %parallel_loop3A_158 = arith.cmpi ne, %parallel_loop3A_156, %parallel_loop3A_157 : i32
        %parallel_loop3A_159 = arith.constant 0 : i32
        %parallel_loop3A_160 = arith.cmpi slt, %parallel_loop3A_156, %parallel_loop3A_159 : i32
        %parallel_loop3A_161 = arith.constant 0 : i32
        %parallel_loop3A_162 = arith.cmpi slt, %parallel_loop3A_155, %parallel_loop3A_161 : i32
        %parallel_loop3A_163 = arith.xori %parallel_loop3A_160, %parallel_loop3A_162 : i1
        %parallel_loop3A_164 = arith.andi %parallel_loop3A_163, %parallel_loop3A_158 : i1
        %parallel_loop3A_165 = arith.addi %parallel_loop3A_156, %parallel_loop3A_155 : i32
        %parallel_loop3A_166 = arith.select %parallel_loop3A_164, %parallel_loop3A_165, %parallel_loop3A_156 : i32
        %parallel_loop3A_167 = vector.broadcast %parallel_loop3A_150 : i32 to vector<16xi32>
        %parallel_loop3A_168 = arith.addi %parallel_loop3A_167, %iota3A : vector<16xi32>
        %parallel_loop3A_169 = arith.constant 31 : i32
        %parallel_loop3A_170 = vector.broadcast %parallel_loop3A_169 : i32 to vector<16xi32>
        %parallel_loop3A_171 = arith.andi %parallel_loop3A_168, %parallel_loop3A_170 : vector<16xi32>
        %parallel_loop3A_172 = arith.constant 16 : i32
        %parallel_loop3A_173 = arith.muli %parallel_loop3A_166, %parallel_loop3A_172 : i32
        %parallel_loop3A_174 = arith.constant 0 : i32
        %parallel_loop3A_175 = arith.addi %parallel_loop3A_174, %parallel_loop3A_173 : i32
        %parallel_loop3A_176 = vector.broadcast %parallel_loop3A_175 : i32 to vector<16xi32>
        %parallel_loop3A_177 = arith.addi %iota3A, %parallel_loop3A_176 : vector<16xi32>
        %parallel_loop3A_178 = tpu.vector_load_idx %arg4[%parallel_loop3A_171, %parallel_loop3A_177] : memref<32x512xf32, #tpu.memory_space<vmem>>[vector<16xi32>, vector<16xi32>], vector<16xf32>,
        %parallel_loop3A_179 = arith.constant 32 : i32
        %parallel_loop3A_180 = vector.broadcast %parallel_loop3A_179 : i32 to vector<16xi32>
        %parallel_loop3A_181 = arith.muli %iota3A, %parallel_loop3A_180 : vector<16xi32>
        %parallel_loop3A_182 = arith.constant 16 : i32
        %parallel_loop3A_183 = arith.muli %parallel_loop3A_166, %parallel_loop3A_182 : i32
        %parallel_loop3A_184 = arith.constant 32 : i32
        %parallel_loop3A_185 = arith.muli %parallel_loop3A_183, %parallel_loop3A_184 : i32
        %parallel_loop3A_186 = arith.constant 0 : i32
        %parallel_loop3A_187 = arith.addi %parallel_loop3A_186, %parallel_loop3A_185 : i32
        %parallel_loop3A_188 = vector.broadcast %parallel_loop3A_187 : i32 to vector<16xi32>
        %parallel_loop3A_189 = arith.addi %parallel_loop3A_181, %parallel_loop3A_188 : vector<16xi32>
        %parallel_loop3A_190 = arith.addi %parallel_loop3A_189, %parallel_loop3A_171 : vector<16xi32>
        tpu.vector_store_idx %arg6[%parallel_loop3A_190], %parallel_loop3A_178 : memref<16384xf32, #tpu.memory_space<vmem>>[vector<16xi32>], vector<16xf32>,
      } {sc.loop_unroll_factor = 8 : i64, sc.parallel_access}
      "tpu.region"() ({
        %run_scoped3A = tpu.sem_alloc : memref<!tpu.dma_semaphore, #tpu.memory_space<semaphore_mem>>
        %dma_start3A = arith.constant 0 : i32
        %dma_start3A_126 = tpu.memref_slice %arg6[%dma_start3A] : memref<16384xf32, #tpu.memory_space<vmem>> -> memref<2048xf32, #tpu.memory_space<vmem>>
        %dma_start3A_127 = arith.constant 31997952 : i32
        %dma_start3A_128 = tpu.memref_slice %arg3[%dma_start3A_127] : memref<32000000xf32, #tpu.memory_space<hbm>> -> memref<2048xf32, #tpu.memory_space<hbm>>
        %dma_start3A_129 = arith.constant 31997952 : i32
        %dma_start3A_130 = tpu.memref_slice %arg3[%dma_start3A_129] : memref<32000000xf32, #tpu.memory_space<hbm>> -> memref<2048xf32, #tpu.memory_space<hbm>>
        %dma_start3A_131 = arith.constant 0 : i32
        %dma_start3A_132 = tpu.memref_slice %arg6[%dma_start3A_131] : memref<16384xf32, #tpu.memory_space<vmem>> -> memref<2048xf32, #tpu.memory_space<vmem>>
        tpu.enqueue_dma source(%dma_start3A_132 : memref<2048xf32, #tpu.memory_space<vmem>>) target(%dma_start3A_130 : memref<2048xf32, #tpu.memory_space<hbm>>) target_semaphore(%run_scoped3A : memref<!tpu.dma_semaphore, #tpu.memory_space<semaphore_mem>>)
        %dma_wait3A = arith.constant 0 : i32
        %dma_wait3A_133 = tpu.memref_slice %arg6[%dma_wait3A] : memref<16384xf32, #tpu.memory_space<vmem>> -> memref<2048xf32, #tpu.memory_space<vmem>>
        %dma_wait3A_134 = arith.constant 31997952 : i32
        %dma_wait3A_135 = tpu.memref_slice %arg3[%dma_wait3A_134] : memref<32000000xf32, #tpu.memory_space<hbm>> -> memref<2048xf32, #tpu.memory_space<hbm>>
        %dma_wait3A_136 = arith.constant 31997952 : i32
        %dma_wait3A_137 = tpu.memref_slice %arg3[%dma_wait3A_136] : memref<32000000xf32, #tpu.memory_space<hbm>> -> memref<2048xf32, #tpu.memory_space<hbm>>
        %dma_wait3A_138 = arith.constant 0 : i32
        %dma_wait3A_139 = tpu.memref_slice %arg6[%dma_wait3A_138] : memref<16384xf32, #tpu.memory_space<vmem>> -> memref<2048xf32, #tpu.memory_space<vmem>>
        tpu.wait_dma2 semaphore(%run_scoped3A : memref<!tpu.dma_semaphore, #tpu.memory_space<semaphore_mem>>) src(%dma_wait3A_139 : memref<2048xf32, #tpu.memory_space<vmem>>) dst(%dma_wait3A_137 : memref<2048xf32, #tpu.memory_space<hbm>>)
        tpu.yield
      }) : () -> ()
    } else {
    }
    return
  }
}

#map = affine_map<(d0, d1) -> (0, 0)>
#map1 = affine_map<(d0, d1) -> (0)>
module attributes {stable_mosaic.version = 14 : i64} {
  func.func @_encode(%arg0: i32, %arg1: i32, %arg2: memref<4096x200xi32, #tpu.memory_space<hbm>>, %arg3: memref<4096xi32, #tpu.memory_space<hbm>>, %arg4: memref<1000000x32xf32, #tpu.memory_space<hbm>>, %arg5: memref<4096x32xf32, #tpu.memory_space<hbm>>, %arg6: memref<128x200xi32, #tpu.memory_space<vmem>>, %arg7: memref<128xi32, #tpu.memory_space<vmem>>, %arg8: memref<200x32xf32, #tpu.memory_space<vmem>>, %arg9: memref<200x32xf32, #tpu.memory_space<vmem>>, %arg10: memref<128x32xf32, #tpu.memory_space<vmem>>, %arg11: memref<!tpu.dma_semaphore, #tpu.memory_space<semaphore_mem>>, %arg12: memref<!tpu.dma_semaphore, #tpu.memory_space<semaphore_mem>>) attributes {dimension_semantics = [#tpu.dimension_semantics<core_parallel>, #tpu.dimension_semantics<subcore_parallel>], iteration_bounds = array<i64: 2, 16>, scalar_prefetch = 0 : i64, scratch_operands = 7 : i64, tpu.core_type = #tpu.core_type<sc_vector_subcore>, window_params = [{transform_indices = #map}, {transform_indices = #map1}, {transform_indices = #map}, {transform_indices = #map}]} {
    %mul3A = arith.constant 2 : i32
    %mul3A_0 = arith.muli %arg1, %mul3A : i32
    %add3A = arith.addi %mul3A_0, %arg0 : i32
    %mul3A_1 = arith.constant 128 : i32
    %mul3A_2 = arith.muli %add3A, %mul3A_1 : i32
    "tpu.region"() ({
      %run_scoped3A = tpu.sem_alloc : memref<!tpu.dma_semaphore, #tpu.memory_space<semaphore_mem>>
      %dma_start3A_28 = arith.constant 0 : i32
      %dma_start3A_29 = tpu.memref_slice %arg2[%mul3A_2, %dma_start3A_28] : memref<4096x200xi32, #tpu.memory_space<hbm>> -> memref<128x200xi32, #tpu.memory_space<hbm>>
      %dma_start3A_30 = arith.constant 0 : i32
      %dma_start3A_31 = tpu.memref_slice %arg2[%mul3A_2, %dma_start3A_30] : memref<4096x200xi32, #tpu.memory_space<hbm>> -> memref<128x200xi32, #tpu.memory_space<hbm>>
      tpu.enqueue_dma source(%dma_start3A_31 : memref<128x200xi32, #tpu.memory_space<hbm>>) target(%arg6 : memref<128x200xi32, #tpu.memory_space<vmem>>) target_semaphore(%run_scoped3A : memref<!tpu.dma_semaphore, #tpu.memory_space<semaphore_mem>>)
      %dma_wait3A = arith.constant 0 : i32
      %dma_wait3A_32 = tpu.memref_slice %arg2[%mul3A_2, %dma_wait3A] : memref<4096x200xi32, #tpu.memory_space<hbm>> -> memref<128x200xi32, #tpu.memory_space<hbm>>
      %dma_wait3A_33 = arith.constant 0 : i32
      %dma_wait3A_34 = tpu.memref_slice %arg2[%mul3A_2, %dma_wait3A_33] : memref<4096x200xi32, #tpu.memory_space<hbm>> -> memref<128x200xi32, #tpu.memory_space<hbm>>
      tpu.wait_dma2 semaphore(%run_scoped3A : memref<!tpu.dma_semaphore, #tpu.memory_space<semaphore_mem>>) src(%dma_wait3A_34 : memref<128x200xi32, #tpu.memory_space<hbm>>) dst(%arg6 : memref<128x200xi32, #tpu.memory_space<vmem>>)
      tpu.yield
    }) : () -> ()
    "tpu.region"() ({
      %run_scoped3A = tpu.sem_alloc : memref<!tpu.dma_semaphore, #tpu.memory_space<semaphore_mem>>
      %dma_start3A_28 = tpu.memref_slice %arg3[%mul3A_2] : memref<4096xi32, #tpu.memory_space<hbm>> -> memref<128xi32, #tpu.memory_space<hbm>>
      %dma_start3A_29 = tpu.memref_slice %arg3[%mul3A_2] : memref<4096xi32, #tpu.memory_space<hbm>> -> memref<128xi32, #tpu.memory_space<hbm>>
      tpu.enqueue_dma source(%dma_start3A_29 : memref<128xi32, #tpu.memory_space<hbm>>) target(%arg7 : memref<128xi32, #tpu.memory_space<vmem>>) target_semaphore(%run_scoped3A : memref<!tpu.dma_semaphore, #tpu.memory_space<semaphore_mem>>)
      %dma_wait3A = tpu.memref_slice %arg3[%mul3A_2] : memref<4096xi32, #tpu.memory_space<hbm>> -> memref<128xi32, #tpu.memory_space<hbm>>
      %dma_wait3A_30 = tpu.memref_slice %arg3[%mul3A_2] : memref<4096xi32, #tpu.memory_space<hbm>> -> memref<128xi32, #tpu.memory_space<hbm>>
      tpu.wait_dma2 semaphore(%run_scoped3A : memref<!tpu.dma_semaphore, #tpu.memory_space<semaphore_mem>>) src(%dma_wait3A_30 : memref<128xi32, #tpu.memory_space<hbm>>) dst(%arg7 : memref<128xi32, #tpu.memory_space<vmem>>)
      tpu.yield
    }) : () -> ()
    %dma_start3A = arith.constant 0 : i32
    %dma_start3A_3 = arith.constant 0 : i32
    %dma_start3A_4 = arith.constant 0 : i32
    %dma_start3A_5 = tpu.memref_slice %arg8[%dma_start3A_3, %dma_start3A_4] : memref<200x32xf32, #tpu.memory_space<vmem>> -> memref<104x32xf32, #tpu.memory_space<vmem>>
    %dma_start3A_6 = arith.constant 0 : i32
    %dma_start3A_7 = tpu.memref_slice %arg6[%dma_start3A, %dma_start3A_6] : memref<128x200xi32, #tpu.memory_space<vmem>> -> memref<1x104xi32, #tpu.memory_space<vmem>>
    %dma_start3A_8 = tpu.memref_squeeze %dma_start3A_7 : memref<1x104xi32, #tpu.memory_space<vmem>> -> memref<104xi32, #tpu.memory_space<vmem>>
    %dma_start3A_9 = arith.constant 0 : i32
    %dma_start3A_10 = arith.constant 0 : i32
    %dma_start3A_11 = tpu.memref_slice %arg4[%dma_start3A_9, %dma_start3A_10] : memref<1000000x32xf32, #tpu.memory_space<hbm>> -> memref<1000000x32xf32, #tpu.memory_space<hbm>>
    tpu.enqueue_indirect_dma source(%dma_start3A_11 : memref<1000000x32xf32, #tpu.memory_space<hbm>>) target(%dma_start3A_5 : memref<104x32xf32, #tpu.memory_space<vmem>>) offsets(%dma_start3A_8 : memref<104xi32, #tpu.memory_space<vmem>>) semaphore(%arg11 : memref<!tpu.dma_semaphore, #tpu.memory_space<semaphore_mem>>)
    %dma_start3A_12 = arith.constant 0 : i32
    %dma_start3A_13 = arith.constant 104 : i32
    %dma_start3A_14 = arith.constant 0 : i32
    %dma_start3A_15 = tpu.memref_slice %arg8[%dma_start3A_13, %dma_start3A_14] : memref<200x32xf32, #tpu.memory_space<vmem>> -> memref<96x32xf32, #tpu.memory_space<vmem>>
    %dma_start3A_16 = arith.constant 104 : i32
    %dma_start3A_17 = tpu.memref_slice %arg6[%dma_start3A_12, %dma_start3A_16] : memref<128x200xi32, #tpu.memory_space<vmem>> -> memref<1x96xi32, #tpu.memory_space<vmem>>
    %dma_start3A_18 = tpu.memref_squeeze %dma_start3A_17 : memref<1x96xi32, #tpu.memory_space<vmem>> -> memref<96xi32, #tpu.memory_space<vmem>>
    %dma_start3A_19 = arith.constant 0 : i32
    %dma_start3A_20 = arith.constant 0 : i32
    %dma_start3A_21 = tpu.memref_slice %arg4[%dma_start3A_19, %dma_start3A_20] : memref<1000000x32xf32, #tpu.memory_space<hbm>> -> memref<1000000x32xf32, #tpu.memory_space<hbm>>
    tpu.enqueue_indirect_dma source(%dma_start3A_21 : memref<1000000x32xf32, #tpu.memory_space<hbm>>) target(%dma_start3A_15 : memref<96x32xf32, #tpu.memory_space<vmem>>) offsets(%dma_start3A_18 : memref<96xi32, #tpu.memory_space<vmem>>) semaphore(%arg11 : memref<!tpu.dma_semaphore, #tpu.memory_space<semaphore_mem>>)
    %scan3A = arith.constant 0 : i32
    %scan3A_22 = arith.constant 0 : i32
    %scan3A_23 = arith.constant 64 : i32
    %scan3A_24 = arith.addi %scan3A_22, %scan3A_23 : i32
    %scan3A_25 = arith.constant 1 : i32
    %scan3A_26 = scf.for %scan3A_28 = %scan3A_22 to %scan3A_24 step %scan3A_25 iter_args(%scan3A_29 = %scan3A) -> (i32)  : i32 {
      %mul3A_30 = arith.constant 2 : i32
      %mul3A_31 = arith.muli %mul3A_30, %scan3A_28 : i32
      %mul3A_32 = arith.constant 2 : i32
      %mul3A_33 = arith.muli %mul3A_32, %scan3A_28 : i32
      %add3A_34 = arith.constant 1 : i32
      %add3A_35 = arith.addi %mul3A_33, %add3A_34 : i32
      %dma_start3A_36 = arith.constant 0 : i32
      %dma_start3A_37 = arith.constant 0 : i32
      %dma_start3A_38 = tpu.memref_slice %arg9[%dma_start3A_36, %dma_start3A_37] : memref<200x32xf32, #tpu.memory_space<vmem>> -> memref<104x32xf32, #tpu.memory_space<vmem>>
      %dma_start3A_39 = arith.constant 0 : i32
      %dma_start3A_40 = tpu.memref_slice %arg6[%add3A_35, %dma_start3A_39] : memref<128x200xi32, #tpu.memory_space<vmem>> -> memref<1x104xi32, #tpu.memory_space<vmem>>
      %dma_start3A_41 = tpu.memref_squeeze %dma_start3A_40 : memref<1x104xi32, #tpu.memory_space<vmem>> -> memref<104xi32, #tpu.memory_space<vmem>>
      %dma_start3A_42 = arith.constant 0 : i32
      %dma_start3A_43 = arith.constant 0 : i32
      %dma_start3A_44 = tpu.memref_slice %arg4[%dma_start3A_42, %dma_start3A_43] : memref<1000000x32xf32, #tpu.memory_space<hbm>> -> memref<1000000x32xf32, #tpu.memory_space<hbm>>
      tpu.enqueue_indirect_dma source(%dma_start3A_44 : memref<1000000x32xf32, #tpu.memory_space<hbm>>) target(%dma_start3A_38 : memref<104x32xf32, #tpu.memory_space<vmem>>) offsets(%dma_start3A_41 : memref<104xi32, #tpu.memory_space<vmem>>) semaphore(%arg12 : memref<!tpu.dma_semaphore, #tpu.memory_space<semaphore_mem>>)
      %dma_start3A_45 = arith.constant 104 : i32
      %dma_start3A_46 = arith.constant 0 : i32
      %dma_start3A_47 = tpu.memref_slice %arg9[%dma_start3A_45, %dma_start3A_46] : memref<200x32xf32, #tpu.memory_space<vmem>> -> memref<96x32xf32, #tpu.memory_space<vmem>>
      %dma_start3A_48 = arith.constant 104 : i32
      %dma_start3A_49 = tpu.memref_slice %arg6[%add3A_35, %dma_start3A_48] : memref<128x200xi32, #tpu.memory_space<vmem>> -> memref<1x96xi32, #tpu.memory_space<vmem>>
      %dma_start3A_50 = tpu.memref_squeeze %dma_start3A_49 : memref<1x96xi32, #tpu.memory_space<vmem>> -> memref<96xi32, #tpu.memory_space<vmem>>
      %dma_start3A_51 = arith.constant 0 : i32
      %dma_start3A_52 = arith.constant 0 : i32
      %dma_start3A_53 = tpu.memref_slice %arg4[%dma_start3A_51, %dma_start3A_52] : memref<1000000x32xf32, #tpu.memory_space<hbm>> -> memref<1000000x32xf32, #tpu.memory_space<hbm>>
      tpu.enqueue_indirect_dma source(%dma_start3A_53 : memref<1000000x32xf32, #tpu.memory_space<hbm>>) target(%dma_start3A_47 : memref<96x32xf32, #tpu.memory_space<vmem>>) offsets(%dma_start3A_50 : memref<96xi32, #tpu.memory_space<vmem>>) semaphore(%arg12 : memref<!tpu.dma_semaphore, #tpu.memory_space<semaphore_mem>>)
      %dma_wait3A = arith.constant 0 : i32
      %dma_wait3A_54 = arith.constant 0 : i32
      %dma_wait3A_55 = tpu.memref_slice %arg8[%dma_wait3A, %dma_wait3A_54] : memref<200x32xf32, #tpu.memory_space<vmem>> -> memref<104x32xf32, #tpu.memory_space<vmem>>
      %dma_wait3A_56 = arith.constant 0 : i32
      %dma_wait3A_57 = tpu.memref_slice %arg6[%mul3A_31, %dma_wait3A_56] : memref<128x200xi32, #tpu.memory_space<vmem>> -> memref<1x104xi32, #tpu.memory_space<vmem>>
      %dma_wait3A_58 = tpu.memref_squeeze %dma_wait3A_57 : memref<1x104xi32, #tpu.memory_space<vmem>> -> memref<104xi32, #tpu.memory_space<vmem>>
      %dma_wait3A_59 = arith.constant 0 : i32
      %dma_wait3A_60 = arith.constant 0 : i32
      %dma_wait3A_61 = tpu.memref_slice %arg4[%dma_wait3A_59, %dma_wait3A_60] : memref<1000000x32xf32, #tpu.memory_space<hbm>> -> memref<1000000x32xf32, #tpu.memory_space<hbm>>
      tpu.wait_indirect_dma semaphore(%arg11 : memref<!tpu.dma_semaphore, #tpu.memory_space<semaphore_mem>>) src(%dma_wait3A_61 : memref<1000000x32xf32, #tpu.memory_space<hbm>>) dst(%dma_wait3A_55 : memref<104x32xf32, #tpu.memory_space<vmem>>)
      %dma_wait3A_62 = arith.constant 104 : i32
      %dma_wait3A_63 = arith.constant 0 : i32
      %dma_wait3A_64 = tpu.memref_slice %arg8[%dma_wait3A_62, %dma_wait3A_63] : memref<200x32xf32, #tpu.memory_space<vmem>> -> memref<96x32xf32, #tpu.memory_space<vmem>>
      %dma_wait3A_65 = arith.constant 104 : i32
      %dma_wait3A_66 = tpu.memref_slice %arg6[%mul3A_31, %dma_wait3A_65] : memref<128x200xi32, #tpu.memory_space<vmem>> -> memref<1x96xi32, #tpu.memory_space<vmem>>
      %dma_wait3A_67 = tpu.memref_squeeze %dma_wait3A_66 : memref<1x96xi32, #tpu.memory_space<vmem>> -> memref<96xi32, #tpu.memory_space<vmem>>
      %dma_wait3A_68 = arith.constant 0 : i32
      %dma_wait3A_69 = arith.constant 0 : i32
      %dma_wait3A_70 = tpu.memref_slice %arg4[%dma_wait3A_68, %dma_wait3A_69] : memref<1000000x32xf32, #tpu.memory_space<hbm>> -> memref<1000000x32xf32, #tpu.memory_space<hbm>>
      tpu.wait_indirect_dma semaphore(%arg11 : memref<!tpu.dma_semaphore, #tpu.memory_space<semaphore_mem>>) src(%dma_wait3A_70 : memref<1000000x32xf32, #tpu.memory_space<hbm>>) dst(%dma_wait3A_64 : memref<96x32xf32, #tpu.memory_space<vmem>>)
      %broadcast_in_dim3A = vector.broadcast %mul3A_31 : i32 to vector<16xi32>
      %gather3A = tpu.vector_load_idx %arg7[%broadcast_in_dim3A] : memref<128xi32, #tpu.memory_space<vmem>>[vector<16xi32>], vector<16xi32>,
      %reduce_max3A = arith.constant true
      %reduce_max3A_71 = vector.broadcast %reduce_max3A : i1 to vector<16xi1>
      %reduce_max3A_72 = arith.constant -2147483648 : i32
      %reduce_max3A_73 = vector.broadcast %reduce_max3A_72 : i32 to vector<16xi32>
      %reduce_max3A_74 = arith.xori %gather3A, %reduce_max3A_73 : vector<16xi32>
      %reduce_max3A_75 = tpu.scan <max>, %reduce_max3A_74 masked %reduce_max3A_71 : vector<16xi32>, vector<16xi1> -> vector<16xi32>
      %reduce_max3A_76 = arith.xori %reduce_max3A_75, %reduce_max3A_73 : vector<16xi32>
      %reduce_max3A_77 = vector.extract %reduce_max3A_76[15] : i32 from vector<16xi32>
      %jit3A = arith.constant 8 : i32
      %div3A = arith.divsi %reduce_max3A_77, %jit3A : i32
      %sign3A = arith.constant 0 : i32
      %sign3A_78 = arith.cmpi sgt, %reduce_max3A_77, %sign3A : i32
      %sign3A_79 = arith.extui %sign3A_78 : i1 to i32
      %sign3A_80 = arith.constant 0 : i32
      %sign3A_81 = arith.cmpi slt, %reduce_max3A_77, %sign3A_80 : i32
      %sign3A_82 = arith.extui %sign3A_81 : i1 to i32
      %sign3A_83 = arith.subi %sign3A_79, %sign3A_82 : i32
      %sign3A_84 = arith.constant 0 : i32
      %sign3A_85 = arith.cmpi sgt, %jit3A, %sign3A_84 : i32
      %sign3A_86 = arith.extui %sign3A_85 : i1 to i32
      %sign3A_87 = arith.constant 0 : i32
      %sign3A_88 = arith.cmpi slt, %jit3A, %sign3A_87 : i32
      %sign3A_89 = arith.extui %sign3A_88 : i1 to i32
      %sign3A_90 = arith.subi %sign3A_86, %sign3A_89 : i32
      %ne3A = arith.cmpi ne, %sign3A_83, %sign3A_90 : i32
      %rem3A = arith.remsi %reduce_max3A_77, %jit3A : i32
      %ne3A_91 = arith.constant 0 : i32
      %ne3A_92 = arith.cmpi ne, %rem3A, %ne3A_91 : i32
      %and3A = arith.andi %ne3A, %ne3A_92 : i1
      %sub3A = arith.constant 1 : i32
      %sub3A_93 = arith.subi %div3A, %sub3A : i32
      %select_n3A = arith.select %and3A, %sub3A_93, %div3A : i32
      %broadcast_in_dim3A_94 = arith.constant 0.000000e+00 : f32
      %broadcast_in_dim3A_95 = vector.broadcast %broadcast_in_dim3A_94 : f32 to vector<16xf32>
      %while3A = arith.constant 0 : i32
      %while3A_96 = arith.subi %select_n3A, %while3A : i32
      %while3A_97 = arith.addi %while3A, %while3A_96 : i32
      %while3A_98 = arith.constant 1 : i32
      %while3A_99 = arith.divsi %while3A_96, %while3A_98 : i32
      %while3A_100 = arith.muli %while3A_99, %while3A_98 : i32
      %while3A_101 = arith.addi %while3A, %while3A_100 : i32
      %while3A_102 = arith.constant 1 : i32
      %while3A_103:4 = scf.for %while3A_225 = %while3A to %while3A_101 step %while3A_102 iter_args(%while3A_226 = %broadcast_in_dim3A_95, %while3A_227 = %broadcast_in_dim3A_95, %while3A_228 = %broadcast_in_dim3A_95, %while3A_229 = %broadcast_in_dim3A_95) -> (vector<16xf32>, vector<16xf32>, vector<16xf32>, vector<16xf32>)  : i32 {
        %mul3A_230 = arith.constant 8 : i32
        %mul3A_231 = arith.muli %while3A_225, %mul3A_230 : i32
        %add3A_232 = arith.constant 0 : i32
        %add3A_233 = arith.addi %mul3A_231, %add3A_232 : i32
        %get3A = arith.index_cast %add3A_233 : i32 to index
        %get3A_234 = arith.constant 0 : index
        %get3A_235 = tpu.vector_load %arg8[%get3A, %get3A_234] {strides = array<i32>} : memref<200x32xf32, #tpu.memory_space<vmem>>, vector<16xf32>,
        %add3A_236 = arith.addf %while3A_226, %get3A_235 : vector<16xf32>
        %add3A_237 = arith.constant 0 : i32
        %add3A_238 = arith.addi %mul3A_231, %add3A_237 : i32
        %get3A_239 = arith.index_cast %add3A_238 : i32 to index
        %get3A_240 = arith.constant 16 : index
        %get3A_241 = tpu.vector_load %arg8[%get3A_239, %get3A_240] {strides = array<i32>} : memref<200x32xf32, #tpu.memory_space<vmem>>, vector<16xf32>,
        %add3A_242 = arith.addf %while3A_228, %get3A_241 : vector<16xf32>
        %add3A_243 = arith.constant 0 : i32
        %add3A_244 = arith.addi %mul3A_231, %add3A_243 : i32
        %add3A_245 = arith.constant 1 : i32
        %add3A_246 = arith.addi %add3A_244, %add3A_245 : i32
        %get3A_247 = arith.index_cast %add3A_246 : i32 to index
        %get3A_248 = arith.constant 0 : index
        %get3A_249 = tpu.vector_load %arg8[%get3A_247, %get3A_248] {strides = array<i32>} : memref<200x32xf32, #tpu.memory_space<vmem>>, vector<16xf32>,
        %add3A_250 = arith.addf %while3A_227, %get3A_249 : vector<16xf32>
        %add3A_251 = arith.constant 0 : i32
        %add3A_252 = arith.addi %mul3A_231, %add3A_251 : i32
        %add3A_253 = arith.constant 1 : i32
        %add3A_254 = arith.addi %add3A_252, %add3A_253 : i32
        %get3A_255 = arith.index_cast %add3A_254 : i32 to index
        %get3A_256 = arith.constant 16 : index
        %get3A_257 = tpu.vector_load %arg8[%get3A_255, %get3A_256] {strides = array<i32>} : memref<200x32xf32, #tpu.memory_space<vmem>>, vector<16xf32>,
        %add3A_258 = arith.addf %while3A_229, %get3A_257 : vector<16xf32>
        %add3A_259 = arith.constant 2 : i32
        %add3A_260 = arith.addi %mul3A_231, %add3A_259 : i32
        %get3A_261 = arith.index_cast %add3A_260 : i32 to index
        %get3A_262 = arith.constant 0 : index
        %get3A_263 = tpu.vector_load %arg8[%get3A_261, %get3A_262] {strides = array<i32>} : memref<200x32xf32, #tpu.memory_space<vmem>>, vector<16xf32>,
        %add3A_264 = arith.addf %add3A_236, %get3A_263 : vector<16xf32>
        %add3A_265 = arith.constant 2 : i32
        %add3A_266 = arith.addi %mul3A_231, %add3A_265 : i32
        %get3A_267 = arith.index_cast %add3A_266 : i32 to index
        %get3A_268 = arith.constant 16 : index
        %get3A_269 = tpu.vector_load %arg8[%get3A_267, %get3A_268] {strides = array<i32>} : memref<200x32xf32, #tpu.memory_space<vmem>>, vector<16xf32>,
        %add3A_270 = arith.addf %add3A_242, %get3A_269 : vector<16xf32>
        %add3A_271 = arith.constant 2 : i32
        %add3A_272 = arith.addi %mul3A_231, %add3A_271 : i32
        %add3A_273 = arith.constant 1 : i32
        %add3A_274 = arith.addi %add3A_272, %add3A_273 : i32
        %get3A_275 = arith.index_cast %add3A_274 : i32 to index
        %get3A_276 = arith.constant 0 : index
        %get3A_277 = tpu.vector_load %arg8[%get3A_275, %get3A_276] {strides = array<i32>} : memref<200x32xf32, #tpu.memory_space<vmem>>, vector<16xf32>,
        %add3A_278 = arith.addf %add3A_250, %get3A_277 : vector<16xf32>
        %add3A_279 = arith.constant 2 : i32
        %add3A_280 = arith.addi %mul3A_231, %add3A_279 : i32
        %add3A_281 = arith.constant 1 : i32
        %add3A_282 = arith.addi %add3A_280, %add3A_281 : i32
        %get3A_283 = arith.index_cast %add3A_282 : i32 to index
        %get3A_284 = arith.constant 16 : index
        %get3A_285 = tpu.vector_load %arg8[%get3A_283, %get3A_284] {strides = array<i32>} : memref<200x32xf32, #tpu.memory_space<vmem>>, vector<16xf32>,
        %add3A_286 = arith.addf %add3A_258, %get3A_285 : vector<16xf32>
        %add3A_287 = arith.constant 4 : i32
        %add3A_288 = arith.addi %mul3A_231, %add3A_287 : i32
        %get3A_289 = arith.index_cast %add3A_288 : i32 to index
        %get3A_290 = arith.constant 0 : index
        %get3A_291 = tpu.vector_load %arg8[%get3A_289, %get3A_290] {strides = array<i32>} : memref<200x32xf32, #tpu.memory_space<vmem>>, vector<16xf32>,
        %add3A_292 = arith.addf %add3A_264, %get3A_291 : vector<16xf32>
        %add3A_293 = arith.constant 4 : i32
        %add3A_294 = arith.addi %mul3A_231, %add3A_293 : i32
        %get3A_295 = arith.index_cast %add3A_294 : i32 to index
        %get3A_296 = arith.constant 16 : index
        %get3A_297 = tpu.vector_load %arg8[%get3A_295, %get3A_296] {strides = array<i32>} : memref<200x32xf32, #tpu.memory_space<vmem>>, vector<16xf32>,
        %add3A_298 = arith.addf %add3A_270, %get3A_297 : vector<16xf32>
        %add3A_299 = arith.constant 4 : i32
        %add3A_300 = arith.addi %mul3A_231, %add3A_299 : i32
        %add3A_301 = arith.constant 1 : i32
        %add3A_302 = arith.addi %add3A_300, %add3A_301 : i32
        %get3A_303 = arith.index_cast %add3A_302 : i32 to index
        %get3A_304 = arith.constant 0 : index
        %get3A_305 = tpu.vector_load %arg8[%get3A_303, %get3A_304] {strides = array<i32>} : memref<200x32xf32, #tpu.memory_space<vmem>>, vector<16xf32>,
        %add3A_306 = arith.addf %add3A_278, %get3A_305 : vector<16xf32>
        %add3A_307 = arith.constant 4 : i32
        %add3A_308 = arith.addi %mul3A_231, %add3A_307 : i32
        %add3A_309 = arith.constant 1 : i32
        %add3A_310 = arith.addi %add3A_308, %add3A_309 : i32
        %get3A_311 = arith.index_cast %add3A_310 : i32 to index
        %get3A_312 = arith.constant 16 : index
        %get3A_313 = tpu.vector_load %arg8[%get3A_311, %get3A_312] {strides = array<i32>} : memref<200x32xf32, #tpu.memory_space<vmem>>, vector<16xf32>,
        %add3A_314 = arith.addf %add3A_286, %get3A_313 : vector<16xf32>
        %add3A_315 = arith.constant 6 : i32
        %add3A_316 = arith.addi %mul3A_231, %add3A_315 : i32
        %get3A_317 = arith.index_cast %add3A_316 : i32 to index
        %get3A_318 = arith.constant 0 : index
        %get3A_319 = tpu.vector_load %arg8[%get3A_317, %get3A_318] {strides = array<i32>} : memref<200x32xf32, #tpu.memory_space<vmem>>, vector<16xf32>,
        %add3A_320 = arith.addf %add3A_292, %get3A_319 : vector<16xf32>
        %add3A_321 = arith.constant 6 : i32
        %add3A_322 = arith.addi %mul3A_231, %add3A_321 : i32
        %get3A_323 = arith.index_cast %add3A_322 : i32 to index
        %get3A_324 = arith.constant 16 : index
        %get3A_325 = tpu.vector_load %arg8[%get3A_323, %get3A_324] {strides = array<i32>} : memref<200x32xf32, #tpu.memory_space<vmem>>, vector<16xf32>,
        %add3A_326 = arith.addf %add3A_298, %get3A_325 : vector<16xf32>
        %add3A_327 = arith.constant 6 : i32
        %add3A_328 = arith.addi %mul3A_231, %add3A_327 : i32
        %add3A_329 = arith.constant 1 : i32
        %add3A_330 = arith.addi %add3A_328, %add3A_329 : i32
        %get3A_331 = arith.index_cast %add3A_330 : i32 to index
        %get3A_332 = arith.constant 0 : index
        %get3A_333 = tpu.vector_load %arg8[%get3A_331, %get3A_332] {strides = array<i32>} : memref<200x32xf32, #tpu.memory_space<vmem>>, vector<16xf32>,
        %add3A_334 = arith.addf %add3A_306, %get3A_333 : vector<16xf32>
        %add3A_335 = arith.constant 6 : i32
        %add3A_336 = arith.addi %mul3A_231, %add3A_335 : i32
        %add3A_337 = arith.constant 1 : i32
        %add3A_338 = arith.addi %add3A_336, %add3A_337 : i32
        %get3A_339 = arith.index_cast %add3A_338 : i32 to index
        %get3A_340 = arith.constant 16 : index
        %get3A_341 = tpu.vector_load %arg8[%get3A_339, %get3A_340] {strides = array<i32>} : memref<200x32xf32, #tpu.memory_space<vmem>>, vector<16xf32>,
        %add3A_342 = arith.addf %add3A_314, %get3A_341 : vector<16xf32>
        scf.yield %add3A_320, %add3A_334, %add3A_326, %add3A_342 : vector<16xf32>, vector<16xf32>, vector<16xf32>, vector<16xf32>
      }
      %while3A_104 = arith.constant 1 : i32
      %while3A_105:4 = scf.for %while3A_225 = %while3A_101 to %while3A_97 step %while3A_104 iter_args(%while3A_226 = %while3A_103#0, %while3A_227 = %while3A_103#1, %while3A_228 = %while3A_103#2, %while3A_229 = %while3A_103#3) -> (vector<16xf32>, vector<16xf32>, vector<16xf32>, vector<16xf32>)  : i32 {
        %mul3A_230 = arith.constant 8 : i32
        %mul3A_231 = arith.muli %while3A_225, %mul3A_230 : i32
        %add3A_232 = arith.constant 0 : i32
        %add3A_233 = arith.addi %mul3A_231, %add3A_232 : i32
        %get3A = arith.index_cast %add3A_233 : i32 to index
        %get3A_234 = arith.constant 0 : index
        %get3A_235 = tpu.vector_load %arg8[%get3A, %get3A_234] {strides = array<i32>} : memref<200x32xf32, #tpu.memory_space<vmem>>, vector<16xf32>,
        %add3A_236 = arith.addf %while3A_226, %get3A_235 : vector<16xf32>
        %add3A_237 = arith.constant 0 : i32
        %add3A_238 = arith.addi %mul3A_231, %add3A_237 : i32
        %get3A_239 = arith.index_cast %add3A_238 : i32 to index
        %get3A_240 = arith.constant 16 : index
        %get3A_241 = tpu.vector_load %arg8[%get3A_239, %get3A_240] {strides = array<i32>} : memref<200x32xf32, #tpu.memory_space<vmem>>, vector<16xf32>,
        %add3A_242 = arith.addf %while3A_228, %get3A_241 : vector<16xf32>
        %add3A_243 = arith.constant 0 : i32
        %add3A_244 = arith.addi %mul3A_231, %add3A_243 : i32
        %add3A_245 = arith.constant 1 : i32
        %add3A_246 = arith.addi %add3A_244, %add3A_245 : i32
        %get3A_247 = arith.index_cast %add3A_246 : i32 to index
        %get3A_248 = arith.constant 0 : index
        %get3A_249 = tpu.vector_load %arg8[%get3A_247, %get3A_248] {strides = array<i32>} : memref<200x32xf32, #tpu.memory_space<vmem>>, vector<16xf32>,
        %add3A_250 = arith.addf %while3A_227, %get3A_249 : vector<16xf32>
        %add3A_251 = arith.constant 0 : i32
        %add3A_252 = arith.addi %mul3A_231, %add3A_251 : i32
        %add3A_253 = arith.constant 1 : i32
        %add3A_254 = arith.addi %add3A_252, %add3A_253 : i32
        %get3A_255 = arith.index_cast %add3A_254 : i32 to index
        %get3A_256 = arith.constant 16 : index
        %get3A_257 = tpu.vector_load %arg8[%get3A_255, %get3A_256] {strides = array<i32>} : memref<200x32xf32, #tpu.memory_space<vmem>>, vector<16xf32>,
        %add3A_258 = arith.addf %while3A_229, %get3A_257 : vector<16xf32>
        %add3A_259 = arith.constant 2 : i32
        %add3A_260 = arith.addi %mul3A_231, %add3A_259 : i32
        %get3A_261 = arith.index_cast %add3A_260 : i32 to index
        %get3A_262 = arith.constant 0 : index
        %get3A_263 = tpu.vector_load %arg8[%get3A_261, %get3A_262] {strides = array<i32>} : memref<200x32xf32, #tpu.memory_space<vmem>>, vector<16xf32>,
        %add3A_264 = arith.addf %add3A_236, %get3A_263 : vector<16xf32>
        %add3A_265 = arith.constant 2 : i32
        %add3A_266 = arith.addi %mul3A_231, %add3A_265 : i32
        %get3A_267 = arith.index_cast %add3A_266 : i32 to index
        %get3A_268 = arith.constant 16 : index
        %get3A_269 = tpu.vector_load %arg8[%get3A_267, %get3A_268] {strides = array<i32>} : memref<200x32xf32, #tpu.memory_space<vmem>>, vector<16xf32>,
        %add3A_270 = arith.addf %add3A_242, %get3A_269 : vector<16xf32>
        %add3A_271 = arith.constant 2 : i32
        %add3A_272 = arith.addi %mul3A_231, %add3A_271 : i32
        %add3A_273 = arith.constant 1 : i32
        %add3A_274 = arith.addi %add3A_272, %add3A_273 : i32
        %get3A_275 = arith.index_cast %add3A_274 : i32 to index
        %get3A_276 = arith.constant 0 : index
        %get3A_277 = tpu.vector_load %arg8[%get3A_275, %get3A_276] {strides = array<i32>} : memref<200x32xf32, #tpu.memory_space<vmem>>, vector<16xf32>,
        %add3A_278 = arith.addf %add3A_250, %get3A_277 : vector<16xf32>
        %add3A_279 = arith.constant 2 : i32
        %add3A_280 = arith.addi %mul3A_231, %add3A_279 : i32
        %add3A_281 = arith.constant 1 : i32
        %add3A_282 = arith.addi %add3A_280, %add3A_281 : i32
        %get3A_283 = arith.index_cast %add3A_282 : i32 to index
        %get3A_284 = arith.constant 16 : index
        %get3A_285 = tpu.vector_load %arg8[%get3A_283, %get3A_284] {strides = array<i32>} : memref<200x32xf32, #tpu.memory_space<vmem>>, vector<16xf32>,
        %add3A_286 = arith.addf %add3A_258, %get3A_285 : vector<16xf32>
        %add3A_287 = arith.constant 4 : i32
        %add3A_288 = arith.addi %mul3A_231, %add3A_287 : i32
        %get3A_289 = arith.index_cast %add3A_288 : i32 to index
        %get3A_290 = arith.constant 0 : index
        %get3A_291 = tpu.vector_load %arg8[%get3A_289, %get3A_290] {strides = array<i32>} : memref<200x32xf32, #tpu.memory_space<vmem>>, vector<16xf32>,
        %add3A_292 = arith.addf %add3A_264, %get3A_291 : vector<16xf32>
        %add3A_293 = arith.constant 4 : i32
        %add3A_294 = arith.addi %mul3A_231, %add3A_293 : i32
        %get3A_295 = arith.index_cast %add3A_294 : i32 to index
        %get3A_296 = arith.constant 16 : index
        %get3A_297 = tpu.vector_load %arg8[%get3A_295, %get3A_296] {strides = array<i32>} : memref<200x32xf32, #tpu.memory_space<vmem>>, vector<16xf32>,
        %add3A_298 = arith.addf %add3A_270, %get3A_297 : vector<16xf32>
        %add3A_299 = arith.constant 4 : i32
        %add3A_300 = arith.addi %mul3A_231, %add3A_299 : i32
        %add3A_301 = arith.constant 1 : i32
        %add3A_302 = arith.addi %add3A_300, %add3A_301 : i32
        %get3A_303 = arith.index_cast %add3A_302 : i32 to index
        %get3A_304 = arith.constant 0 : index
        %get3A_305 = tpu.vector_load %arg8[%get3A_303, %get3A_304] {strides = array<i32>} : memref<200x32xf32, #tpu.memory_space<vmem>>, vector<16xf32>,
        %add3A_306 = arith.addf %add3A_278, %get3A_305 : vector<16xf32>
        %add3A_307 = arith.constant 4 : i32
        %add3A_308 = arith.addi %mul3A_231, %add3A_307 : i32
        %add3A_309 = arith.constant 1 : i32
        %add3A_310 = arith.addi %add3A_308, %add3A_309 : i32
        %get3A_311 = arith.index_cast %add3A_310 : i32 to index
        %get3A_312 = arith.constant 16 : index
        %get3A_313 = tpu.vector_load %arg8[%get3A_311, %get3A_312] {strides = array<i32>} : memref<200x32xf32, #tpu.memory_space<vmem>>, vector<16xf32>,
        %add3A_314 = arith.addf %add3A_286, %get3A_313 : vector<16xf32>
        %add3A_315 = arith.constant 6 : i32
        %add3A_316 = arith.addi %mul3A_231, %add3A_315 : i32
        %get3A_317 = arith.index_cast %add3A_316 : i32 to index
        %get3A_318 = arith.constant 0 : index
        %get3A_319 = tpu.vector_load %arg8[%get3A_317, %get3A_318] {strides = array<i32>} : memref<200x32xf32, #tpu.memory_space<vmem>>, vector<16xf32>,
        %add3A_320 = arith.addf %add3A_292, %get3A_319 : vector<16xf32>
        %add3A_321 = arith.constant 6 : i32
        %add3A_322 = arith.addi %mul3A_231, %add3A_321 : i32
        %get3A_323 = arith.index_cast %add3A_322 : i32 to index
        %get3A_324 = arith.constant 16 : index
        %get3A_325 = tpu.vector_load %arg8[%get3A_323, %get3A_324] {strides = array<i32>} : memref<200x32xf32, #tpu.memory_space<vmem>>, vector<16xf32>,
        %add3A_326 = arith.addf %add3A_298, %get3A_325 : vector<16xf32>
        %add3A_327 = arith.constant 6 : i32
        %add3A_328 = arith.addi %mul3A_231, %add3A_327 : i32
        %add3A_329 = arith.constant 1 : i32
        %add3A_330 = arith.addi %add3A_328, %add3A_329 : i32
        %get3A_331 = arith.index_cast %add3A_330 : i32 to index
        %get3A_332 = arith.constant 0 : index
        %get3A_333 = tpu.vector_load %arg8[%get3A_331, %get3A_332] {strides = array<i32>} : memref<200x32xf32, #tpu.memory_space<vmem>>, vector<16xf32>,
        %add3A_334 = arith.addf %add3A_306, %get3A_333 : vector<16xf32>
        %add3A_335 = arith.constant 6 : i32
        %add3A_336 = arith.addi %mul3A_231, %add3A_335 : i32
        %add3A_337 = arith.constant 1 : i32
        %add3A_338 = arith.addi %add3A_336, %add3A_337 : i32
        %get3A_339 = arith.index_cast %add3A_338 : i32 to index
        %get3A_340 = arith.constant 16 : index
        %get3A_341 = tpu.vector_load %arg8[%get3A_339, %get3A_340] {strides = array<i32>} : memref<200x32xf32, #tpu.memory_space<vmem>>, vector<16xf32>,
        %add3A_342 = arith.addf %add3A_314, %get3A_341 : vector<16xf32>
        scf.yield %add3A_320, %add3A_334, %add3A_326, %add3A_342 : vector<16xf32>, vector<16xf32>, vector<16xf32>, vector<16xf32>
      }
      %mul3A_106 = arith.constant 8 : i32
      %mul3A_107 = arith.muli %select_n3A, %mul3A_106 : i32
      %add3A_108 = arith.addf %while3A_105#0, %while3A_105#1 : vector<16xf32>
      %add3A_109 = arith.addf %while3A_105#2, %while3A_105#3 : vector<16xf32>
      %while3A_110 = arith.subi %reduce_max3A_77, %mul3A_107 : i32
      %while3A_111 = arith.addi %mul3A_107, %while3A_110 : i32
      %while3A_112 = arith.constant 1 : i32
      %while3A_113 = arith.divsi %while3A_110, %while3A_112 : i32
      %while3A_114 = arith.muli %while3A_113, %while3A_112 : i32
      %while3A_115 = arith.addi %mul3A_107, %while3A_114 : i32
      %while3A_116 = arith.constant 1 : i32
      %while3A_117:2 = scf.for %while3A_225 = %mul3A_107 to %while3A_115 step %while3A_116 iter_args(%while3A_226 = %add3A_108, %while3A_227 = %add3A_109) -> (vector<16xf32>, vector<16xf32>)  : i32 {
        %get3A = arith.index_cast %while3A_225 : i32 to index
        %get3A_228 = arith.constant 0 : index
        %get3A_229 = tpu.vector_load %arg8[%get3A, %get3A_228] {strides = array<i32>} : memref<200x32xf32, #tpu.memory_space<vmem>>, vector<16xf32>,
        %add3A_230 = arith.addf %while3A_226, %get3A_229 : vector<16xf32>
        %get3A_231 = arith.index_cast %while3A_225 : i32 to index
        %get3A_232 = arith.constant 16 : index
        %get3A_233 = tpu.vector_load %arg8[%get3A_231, %get3A_232] {strides = array<i32>} : memref<200x32xf32, #tpu.memory_space<vmem>>, vector<16xf32>,
        %add3A_234 = arith.addf %while3A_227, %get3A_233 : vector<16xf32>
        scf.yield %add3A_230, %add3A_234 : vector<16xf32>, vector<16xf32>
      }
      %while3A_118 = arith.constant 1 : i32
      %while3A_119:2 = scf.for %while3A_225 = %while3A_115 to %while3A_111 step %while3A_118 iter_args(%while3A_226 = %while3A_117#0, %while3A_227 = %while3A_117#1) -> (vector<16xf32>, vector<16xf32>)  : i32 {
        %get3A = arith.index_cast %while3A_225 : i32 to index
        %get3A_228 = arith.constant 0 : index
        %get3A_229 = tpu.vector_load %arg8[%get3A, %get3A_228] {strides = array<i32>} : memref<200x32xf32, #tpu.memory_space<vmem>>, vector<16xf32>,
        %add3A_230 = arith.addf %while3A_226, %get3A_229 : vector<16xf32>
        %get3A_231 = arith.index_cast %while3A_225 : i32 to index
        %get3A_232 = arith.constant 16 : index
        %get3A_233 = tpu.vector_load %arg8[%get3A_231, %get3A_232] {strides = array<i32>} : memref<200x32xf32, #tpu.memory_space<vmem>>, vector<16xf32>,
        %add3A_234 = arith.addf %while3A_227, %get3A_233 : vector<16xf32>
        scf.yield %add3A_230, %add3A_234 : vector<16xf32>, vector<16xf32>
      }
      %convert_element_type3A = arith.sitofp %gather3A : vector<16xi32> to vector<16xf32>
      %div3A_120 = arith.constant 1.000000e+00 : f32
      %div3A_121 = vector.broadcast %div3A_120 : f32 to vector<16xf32>
      %div3A_122 = arith.divf %div3A_121, %convert_element_type3A : vector<16xf32>
      %mul3A_123 = arith.mulf %while3A_119#0, %div3A_122 : vector<16xf32>
      %swap3A = arith.index_cast %mul3A_31 : i32 to index
      %swap3A_124 = arith.constant 0 : index
      %swap3A_125 = tpu.vector_load %arg10[%swap3A, %swap3A_124] {strides = array<i32>} : memref<128x32xf32, #tpu.memory_space<vmem>>, vector<16xf32>,
      tpu.vector_store %arg10[%swap3A, %swap3A_124], %mul3A_123 {strides = array<i32>} : memref<128x32xf32, #tpu.memory_space<vmem>>, vector<16xf32>,
      %mul3A_126 = arith.mulf %while3A_119#1, %div3A_122 : vector<16xf32>
      %swap3A_127 = arith.index_cast %mul3A_31 : i32 to index
      %swap3A_128 = arith.constant 16 : index
      %swap3A_129 = tpu.vector_load %arg10[%swap3A_127, %swap3A_128] {strides = array<i32>} : memref<128x32xf32, #tpu.memory_space<vmem>>, vector<16xf32>,
      tpu.vector_store %arg10[%swap3A_127, %swap3A_128], %mul3A_126 {strides = array<i32>} : memref<128x32xf32, #tpu.memory_space<vmem>>, vector<16xf32>,
      %lt3A = arith.constant 63 : i32
      %lt3A_130 = arith.cmpi slt, %scan3A_28, %lt3A : i32
      %convert_element_type3A_131 = arith.extui %lt3A_130 : i1 to i32
      %cond3A = arith.constant 0 : i32
      %cond3A_132 = arith.cmpi ne, %convert_element_type3A_131, %cond3A : i32
      scf.if %cond3A_132 {
        %add3A_225 = arith.constant 2 : i32
        %add3A_226 = arith.addi %mul3A_31, %add3A_225 : i32
        %dma_start3A_227 = arith.constant 0 : i32
        %dma_start3A_228 = arith.constant 0 : i32
        %dma_start3A_229 = tpu.memref_slice %arg8[%dma_start3A_227, %dma_start3A_228] : memref<200x32xf32, #tpu.memory_space<vmem>> -> memref<104x32xf32, #tpu.memory_space<vmem>>
        %dma_start3A_230 = arith.constant 0 : i32
        %dma_start3A_231 = tpu.memref_slice %arg6[%add3A_226, %dma_start3A_230] : memref<128x200xi32, #tpu.memory_space<vmem>> -> memref<1x104xi32, #tpu.memory_space<vmem>>
        %dma_start3A_232 = tpu.memref_squeeze %dma_start3A_231 : memref<1x104xi32, #tpu.memory_space<vmem>> -> memref<104xi32, #tpu.memory_space<vmem>>
        %dma_start3A_233 = arith.constant 0 : i32
        %dma_start3A_234 = arith.constant 0 : i32
        %dma_start3A_235 = tpu.memref_slice %arg4[%dma_start3A_233, %dma_start3A_234] : memref<1000000x32xf32, #tpu.memory_space<hbm>> -> memref<1000000x32xf32, #tpu.memory_space<hbm>>
        tpu.enqueue_indirect_dma source(%dma_start3A_235 : memref<1000000x32xf32, #tpu.memory_space<hbm>>) target(%dma_start3A_229 : memref<104x32xf32, #tpu.memory_space<vmem>>) offsets(%dma_start3A_232 : memref<104xi32, #tpu.memory_space<vmem>>) semaphore(%arg11 : memref<!tpu.dma_semaphore, #tpu.memory_space<semaphore_mem>>)
        %dma_start3A_236 = arith.constant 104 : i32
        %dma_start3A_237 = arith.constant 0 : i32
        %dma_start3A_238 = tpu.memref_slice %arg8[%dma_start3A_236, %dma_start3A_237] : memref<200x32xf32, #tpu.memory_space<vmem>> -> memref<96x32xf32, #tpu.memory_space<vmem>>
        %dma_start3A_239 = arith.constant 104 : i32
        %dma_start3A_240 = tpu.memref_slice %arg6[%add3A_226, %dma_start3A_239] : memref<128x200xi32, #tpu.memory_space<vmem>> -> memref<1x96xi32, #tpu.memory_space<vmem>>
        %dma_start3A_241 = tpu.memref_squeeze %dma_start3A_240 : memref<1x96xi32, #tpu.memory_space<vmem>> -> memref<96xi32, #tpu.memory_space<vmem>>
        %dma_start3A_242 = arith.constant 0 : i32
        %dma_start3A_243 = arith.constant 0 : i32
        %dma_start3A_244 = tpu.memref_slice %arg4[%dma_start3A_242, %dma_start3A_243] : memref<1000000x32xf32, #tpu.memory_space<hbm>> -> memref<1000000x32xf32, #tpu.memory_space<hbm>>
        tpu.enqueue_indirect_dma source(%dma_start3A_244 : memref<1000000x32xf32, #tpu.memory_space<hbm>>) target(%dma_start3A_238 : memref<96x32xf32, #tpu.memory_space<vmem>>) offsets(%dma_start3A_241 : memref<96xi32, #tpu.memory_space<vmem>>) semaphore(%arg11 : memref<!tpu.dma_semaphore, #tpu.memory_space<semaphore_mem>>)
      } else {
      }
      %dma_wait3A_133 = arith.constant 0 : i32
      %dma_wait3A_134 = arith.constant 0 : i32
      %dma_wait3A_135 = tpu.memref_slice %arg9[%dma_wait3A_133, %dma_wait3A_134] : memref<200x32xf32, #tpu.memory_space<vmem>> -> memref<104x32xf32, #tpu.memory_space<vmem>>
      %dma_wait3A_136 = arith.constant 0 : i32
      %dma_wait3A_137 = tpu.memref_slice %arg6[%add3A_35, %dma_wait3A_136] : memref<128x200xi32, #tpu.memory_space<vmem>> -> memref<1x104xi32, #tpu.memory_space<vmem>>
      %dma_wait3A_138 = tpu.memref_squeeze %dma_wait3A_137 : memref<1x104xi32, #tpu.memory_space<vmem>> -> memref<104xi32, #tpu.memory_space<vmem>>
      %dma_wait3A_139 = arith.constant 0 : i32
      %dma_wait3A_140 = arith.constant 0 : i32
      %dma_wait3A_141 = tpu.memref_slice %arg4[%dma_wait3A_139, %dma_wait3A_140] : memref<1000000x32xf32, #tpu.memory_space<hbm>> -> memref<1000000x32xf32, #tpu.memory_space<hbm>>
      tpu.wait_indirect_dma semaphore(%arg12 : memref<!tpu.dma_semaphore, #tpu.memory_space<semaphore_mem>>) src(%dma_wait3A_141 : memref<1000000x32xf32, #tpu.memory_space<hbm>>) dst(%dma_wait3A_135 : memref<104x32xf32, #tpu.memory_space<vmem>>)
      %dma_wait3A_142 = arith.constant 104 : i32
      %dma_wait3A_143 = arith.constant 0 : i32
      %dma_wait3A_144 = tpu.memref_slice %arg9[%dma_wait3A_142, %dma_wait3A_143] : memref<200x32xf32, #tpu.memory_space<vmem>> -> memref<96x32xf32, #tpu.memory_space<vmem>>
      %dma_wait3A_145 = arith.constant 104 : i32
      %dma_wait3A_146 = tpu.memref_slice %arg6[%add3A_35, %dma_wait3A_145] : memref<128x200xi32, #tpu.memory_space<vmem>> -> memref<1x96xi32, #tpu.memory_space<vmem>>
      %dma_wait3A_147 = tpu.memref_squeeze %dma_wait3A_146 : memref<1x96xi32, #tpu.memory_space<vmem>> -> memref<96xi32, #tpu.memory_space<vmem>>
      %dma_wait3A_148 = arith.constant 0 : i32
      %dma_wait3A_149 = arith.constant 0 : i32
      %dma_wait3A_150 = tpu.memref_slice %arg4[%dma_wait3A_148, %dma_wait3A_149] : memref<1000000x32xf32, #tpu.memory_space<hbm>> -> memref<1000000x32xf32, #tpu.memory_space<hbm>>
      tpu.wait_indirect_dma semaphore(%arg12 : memref<!tpu.dma_semaphore, #tpu.memory_space<semaphore_mem>>) src(%dma_wait3A_150 : memref<1000000x32xf32, #tpu.memory_space<hbm>>) dst(%dma_wait3A_144 : memref<96x32xf32, #tpu.memory_space<vmem>>)
      %broadcast_in_dim3A_151 = vector.broadcast %add3A_35 : i32 to vector<16xi32>
      %gather3A_152 = tpu.vector_load_idx %arg7[%broadcast_in_dim3A_151] : memref<128xi32, #tpu.memory_space<vmem>>[vector<16xi32>], vector<16xi32>,
      %reduce_max3A_153 = arith.constant true
      %reduce_max3A_154 = vector.broadcast %reduce_max3A_153 : i1 to vector<16xi1>
      %reduce_max3A_155 = arith.constant -2147483648 : i32
      %reduce_max3A_156 = vector.broadcast %reduce_max3A_155 : i32 to vector<16xi32>
      %reduce_max3A_157 = arith.xori %gather3A_152, %reduce_max3A_156 : vector<16xi32>
      %reduce_max3A_158 = tpu.scan <max>, %reduce_max3A_157 masked %reduce_max3A_154 : vector<16xi32>, vector<16xi1> -> vector<16xi32>
      %reduce_max3A_159 = arith.xori %reduce_max3A_158, %reduce_max3A_156 : vector<16xi32>
      %reduce_max3A_160 = vector.extract %reduce_max3A_159[15] : i32 from vector<16xi32>
      %jit3A_161 = arith.constant 8 : i32
      %div3A_162 = arith.divsi %reduce_max3A_160, %jit3A_161 : i32
      %sign3A_163 = arith.constant 0 : i32
      %sign3A_164 = arith.cmpi sgt, %reduce_max3A_160, %sign3A_163 : i32
      %sign3A_165 = arith.extui %sign3A_164 : i1 to i32
      %sign3A_166 = arith.constant 0 : i32
      %sign3A_167 = arith.cmpi slt, %reduce_max3A_160, %sign3A_166 : i32
      %sign3A_168 = arith.extui %sign3A_167 : i1 to i32
      %sign3A_169 = arith.subi %sign3A_165, %sign3A_168 : i32
      %sign3A_170 = arith.constant 0 : i32
      %sign3A_171 = arith.cmpi sgt, %jit3A_161, %sign3A_170 : i32
      %sign3A_172 = arith.extui %sign3A_171 : i1 to i32
      %sign3A_173 = arith.constant 0 : i32
      %sign3A_174 = arith.cmpi slt, %jit3A_161, %sign3A_173 : i32
      %sign3A_175 = arith.extui %sign3A_174 : i1 to i32
      %sign3A_176 = arith.subi %sign3A_172, %sign3A_175 : i32
      %ne3A_177 = arith.cmpi ne, %sign3A_169, %sign3A_176 : i32
      %rem3A_178 = arith.remsi %reduce_max3A_160, %jit3A_161 : i32
      %ne3A_179 = arith.constant 0 : i32
      %ne3A_180 = arith.cmpi ne, %rem3A_178, %ne3A_179 : i32
      %and3A_181 = arith.andi %ne3A_177, %ne3A_180 : i1
      %sub3A_182 = arith.constant 1 : i32
      %sub3A_183 = arith.subi %div3A_162, %sub3A_182 : i32
      %select_n3A_184 = arith.select %and3A_181, %sub3A_183, %div3A_162 : i32
      %broadcast_in_dim3A_185 = arith.constant 0.000000e+00 : f32
      %broadcast_in_dim3A_186 = vector.broadcast %broadcast_in_dim3A_185 : f32 to vector<16xf32>
      %while3A_187 = arith.constant 0 : i32
      %while3A_188 = arith.subi %select_n3A_184, %while3A_187 : i32
      %while3A_189 = arith.addi %while3A_187, %while3A_188 : i32
      %while3A_190 = arith.constant 1 : i32
      %while3A_191 = arith.divsi %while3A_188, %while3A_190 : i32
      %while3A_192 = arith.muli %while3A_191, %while3A_190 : i32
      %while3A_193 = arith.addi %while3A_187, %while3A_192 : i32
      %while3A_194 = arith.constant 1 : i32
      %while3A_195:4 = scf.for %while3A_225 = %while3A_187 to %while3A_193 step %while3A_194 iter_args(%while3A_226 = %broadcast_in_dim3A_186, %while3A_227 = %broadcast_in_dim3A_186, %while3A_228 = %broadcast_in_dim3A_186, %while3A_229 = %broadcast_in_dim3A_186) -> (vector<16xf32>, vector<16xf32>, vector<16xf32>, vector<16xf32>)  : i32 {
        %mul3A_230 = arith.constant 8 : i32
        %mul3A_231 = arith.muli %while3A_225, %mul3A_230 : i32
        %add3A_232 = arith.constant 0 : i32
        %add3A_233 = arith.addi %mul3A_231, %add3A_232 : i32
        %get3A = arith.index_cast %add3A_233 : i32 to index
        %get3A_234 = arith.constant 0 : index
        %get3A_235 = tpu.vector_load %arg9[%get3A, %get3A_234] {strides = array<i32>} : memref<200x32xf32, #tpu.memory_space<vmem>>, vector<16xf32>,
        %add3A_236 = arith.addf %while3A_226, %get3A_235 : vector<16xf32>
        %add3A_237 = arith.constant 0 : i32
        %add3A_238 = arith.addi %mul3A_231, %add3A_237 : i32
        %get3A_239 = arith.index_cast %add3A_238 : i32 to index
        %get3A_240 = arith.constant 16 : index
        %get3A_241 = tpu.vector_load %arg9[%get3A_239, %get3A_240] {strides = array<i32>} : memref<200x32xf32, #tpu.memory_space<vmem>>, vector<16xf32>,
        %add3A_242 = arith.addf %while3A_228, %get3A_241 : vector<16xf32>
        %add3A_243 = arith.constant 0 : i32
        %add3A_244 = arith.addi %mul3A_231, %add3A_243 : i32
        %add3A_245 = arith.constant 1 : i32
        %add3A_246 = arith.addi %add3A_244, %add3A_245 : i32
        %get3A_247 = arith.index_cast %add3A_246 : i32 to index
        %get3A_248 = arith.constant 0 : index
        %get3A_249 = tpu.vector_load %arg9[%get3A_247, %get3A_248] {strides = array<i32>} : memref<200x32xf32, #tpu.memory_space<vmem>>, vector<16xf32>,
        %add3A_250 = arith.addf %while3A_227, %get3A_249 : vector<16xf32>
        %add3A_251 = arith.constant 0 : i32
        %add3A_252 = arith.addi %mul3A_231, %add3A_251 : i32
        %add3A_253 = arith.constant 1 : i32
        %add3A_254 = arith.addi %add3A_252, %add3A_253 : i32
        %get3A_255 = arith.index_cast %add3A_254 : i32 to index
        %get3A_256 = arith.constant 16 : index
        %get3A_257 = tpu.vector_load %arg9[%get3A_255, %get3A_256] {strides = array<i32>} : memref<200x32xf32, #tpu.memory_space<vmem>>, vector<16xf32>,
        %add3A_258 = arith.addf %while3A_229, %get3A_257 : vector<16xf32>
        %add3A_259 = arith.constant 2 : i32
        %add3A_260 = arith.addi %mul3A_231, %add3A_259 : i32
        %get3A_261 = arith.index_cast %add3A_260 : i32 to index
        %get3A_262 = arith.constant 0 : index
        %get3A_263 = tpu.vector_load %arg9[%get3A_261, %get3A_262] {strides = array<i32>} : memref<200x32xf32, #tpu.memory_space<vmem>>, vector<16xf32>,
        %add3A_264 = arith.addf %add3A_236, %get3A_263 : vector<16xf32>
        %add3A_265 = arith.constant 2 : i32
        %add3A_266 = arith.addi %mul3A_231, %add3A_265 : i32
        %get3A_267 = arith.index_cast %add3A_266 : i32 to index
        %get3A_268 = arith.constant 16 : index
        %get3A_269 = tpu.vector_load %arg9[%get3A_267, %get3A_268] {strides = array<i32>} : memref<200x32xf32, #tpu.memory_space<vmem>>, vector<16xf32>,
        %add3A_270 = arith.addf %add3A_242, %get3A_269 : vector<16xf32>
        %add3A_271 = arith.constant 2 : i32
        %add3A_272 = arith.addi %mul3A_231, %add3A_271 : i32
        %add3A_273 = arith.constant 1 : i32
        %add3A_274 = arith.addi %add3A_272, %add3A_273 : i32
        %get3A_275 = arith.index_cast %add3A_274 : i32 to index
        %get3A_276 = arith.constant 0 : index
        %get3A_277 = tpu.vector_load %arg9[%get3A_275, %get3A_276] {strides = array<i32>} : memref<200x32xf32, #tpu.memory_space<vmem>>, vector<16xf32>,
        %add3A_278 = arith.addf %add3A_250, %get3A_277 : vector<16xf32>
        %add3A_279 = arith.constant 2 : i32
        %add3A_280 = arith.addi %mul3A_231, %add3A_279 : i32
        %add3A_281 = arith.constant 1 : i32
        %add3A_282 = arith.addi %add3A_280, %add3A_281 : i32
        %get3A_283 = arith.index_cast %add3A_282 : i32 to index
        %get3A_284 = arith.constant 16 : index
        %get3A_285 = tpu.vector_load %arg9[%get3A_283, %get3A_284] {strides = array<i32>} : memref<200x32xf32, #tpu.memory_space<vmem>>, vector<16xf32>,
        %add3A_286 = arith.addf %add3A_258, %get3A_285 : vector<16xf32>
        %add3A_287 = arith.constant 4 : i32
        %add3A_288 = arith.addi %mul3A_231, %add3A_287 : i32
        %get3A_289 = arith.index_cast %add3A_288 : i32 to index
        %get3A_290 = arith.constant 0 : index
        %get3A_291 = tpu.vector_load %arg9[%get3A_289, %get3A_290] {strides = array<i32>} : memref<200x32xf32, #tpu.memory_space<vmem>>, vector<16xf32>,
        %add3A_292 = arith.addf %add3A_264, %get3A_291 : vector<16xf32>
        %add3A_293 = arith.constant 4 : i32
        %add3A_294 = arith.addi %mul3A_231, %add3A_293 : i32
        %get3A_295 = arith.index_cast %add3A_294 : i32 to index
        %get3A_296 = arith.constant 16 : index
        %get3A_297 = tpu.vector_load %arg9[%get3A_295, %get3A_296] {strides = array<i32>} : memref<200x32xf32, #tpu.memory_space<vmem>>, vector<16xf32>,
        %add3A_298 = arith.addf %add3A_270, %get3A_297 : vector<16xf32>
        %add3A_299 = arith.constant 4 : i32
        %add3A_300 = arith.addi %mul3A_231, %add3A_299 : i32
        %add3A_301 = arith.constant 1 : i32
        %add3A_302 = arith.addi %add3A_300, %add3A_301 : i32
        %get3A_303 = arith.index_cast %add3A_302 : i32 to index
        %get3A_304 = arith.constant 0 : index
        %get3A_305 = tpu.vector_load %arg9[%get3A_303, %get3A_304] {strides = array<i32>} : memref<200x32xf32, #tpu.memory_space<vmem>>, vector<16xf32>,
        %add3A_306 = arith.addf %add3A_278, %get3A_305 : vector<16xf32>
        %add3A_307 = arith.constant 4 : i32
        %add3A_308 = arith.addi %mul3A_231, %add3A_307 : i32
        %add3A_309 = arith.constant 1 : i32
        %add3A_310 = arith.addi %add3A_308, %add3A_309 : i32
        %get3A_311 = arith.index_cast %add3A_310 : i32 to index
        %get3A_312 = arith.constant 16 : index
        %get3A_313 = tpu.vector_load %arg9[%get3A_311, %get3A_312] {strides = array<i32>} : memref<200x32xf32, #tpu.memory_space<vmem>>, vector<16xf32>,
        %add3A_314 = arith.addf %add3A_286, %get3A_313 : vector<16xf32>
        %add3A_315 = arith.constant 6 : i32
        %add3A_316 = arith.addi %mul3A_231, %add3A_315 : i32
        %get3A_317 = arith.index_cast %add3A_316 : i32 to index
        %get3A_318 = arith.constant 0 : index
        %get3A_319 = tpu.vector_load %arg9[%get3A_317, %get3A_318] {strides = array<i32>} : memref<200x32xf32, #tpu.memory_space<vmem>>, vector<16xf32>,
        %add3A_320 = arith.addf %add3A_292, %get3A_319 : vector<16xf32>
        %add3A_321 = arith.constant 6 : i32
        %add3A_322 = arith.addi %mul3A_231, %add3A_321 : i32
        %get3A_323 = arith.index_cast %add3A_322 : i32 to index
        %get3A_324 = arith.constant 16 : index
        %get3A_325 = tpu.vector_load %arg9[%get3A_323, %get3A_324] {strides = array<i32>} : memref<200x32xf32, #tpu.memory_space<vmem>>, vector<16xf32>,
        %add3A_326 = arith.addf %add3A_298, %get3A_325 : vector<16xf32>
        %add3A_327 = arith.constant 6 : i32
        %add3A_328 = arith.addi %mul3A_231, %add3A_327 : i32
        %add3A_329 = arith.constant 1 : i32
        %add3A_330 = arith.addi %add3A_328, %add3A_329 : i32
        %get3A_331 = arith.index_cast %add3A_330 : i32 to index
        %get3A_332 = arith.constant 0 : index
        %get3A_333 = tpu.vector_load %arg9[%get3A_331, %get3A_332] {strides = array<i32>} : memref<200x32xf32, #tpu.memory_space<vmem>>, vector<16xf32>,
        %add3A_334 = arith.addf %add3A_306, %get3A_333 : vector<16xf32>
        %add3A_335 = arith.constant 6 : i32
        %add3A_336 = arith.addi %mul3A_231, %add3A_335 : i32
        %add3A_337 = arith.constant 1 : i32
        %add3A_338 = arith.addi %add3A_336, %add3A_337 : i32
        %get3A_339 = arith.index_cast %add3A_338 : i32 to index
        %get3A_340 = arith.constant 16 : index
        %get3A_341 = tpu.vector_load %arg9[%get3A_339, %get3A_340] {strides = array<i32>} : memref<200x32xf32, #tpu.memory_space<vmem>>, vector<16xf32>,
        %add3A_342 = arith.addf %add3A_314, %get3A_341 : vector<16xf32>
        scf.yield %add3A_320, %add3A_334, %add3A_326, %add3A_342 : vector<16xf32>, vector<16xf32>, vector<16xf32>, vector<16xf32>
      }
      %while3A_196 = arith.constant 1 : i32
      %while3A_197:4 = scf.for %while3A_225 = %while3A_193 to %while3A_189 step %while3A_196 iter_args(%while3A_226 = %while3A_195#0, %while3A_227 = %while3A_195#1, %while3A_228 = %while3A_195#2, %while3A_229 = %while3A_195#3) -> (vector<16xf32>, vector<16xf32>, vector<16xf32>, vector<16xf32>)  : i32 {
        %mul3A_230 = arith.constant 8 : i32
        %mul3A_231 = arith.muli %while3A_225, %mul3A_230 : i32
        %add3A_232 = arith.constant 0 : i32
        %add3A_233 = arith.addi %mul3A_231, %add3A_232 : i32
        %get3A = arith.index_cast %add3A_233 : i32 to index
        %get3A_234 = arith.constant 0 : index
        %get3A_235 = tpu.vector_load %arg9[%get3A, %get3A_234] {strides = array<i32>} : memref<200x32xf32, #tpu.memory_space<vmem>>, vector<16xf32>,
        %add3A_236 = arith.addf %while3A_226, %get3A_235 : vector<16xf32>
        %add3A_237 = arith.constant 0 : i32
        %add3A_238 = arith.addi %mul3A_231, %add3A_237 : i32
        %get3A_239 = arith.index_cast %add3A_238 : i32 to index
        %get3A_240 = arith.constant 16 : index
        %get3A_241 = tpu.vector_load %arg9[%get3A_239, %get3A_240] {strides = array<i32>} : memref<200x32xf32, #tpu.memory_space<vmem>>, vector<16xf32>,
        %add3A_242 = arith.addf %while3A_228, %get3A_241 : vector<16xf32>
        %add3A_243 = arith.constant 0 : i32
        %add3A_244 = arith.addi %mul3A_231, %add3A_243 : i32
        %add3A_245 = arith.constant 1 : i32
        %add3A_246 = arith.addi %add3A_244, %add3A_245 : i32
        %get3A_247 = arith.index_cast %add3A_246 : i32 to index
        %get3A_248 = arith.constant 0 : index
        %get3A_249 = tpu.vector_load %arg9[%get3A_247, %get3A_248] {strides = array<i32>} : memref<200x32xf32, #tpu.memory_space<vmem>>, vector<16xf32>,
        %add3A_250 = arith.addf %while3A_227, %get3A_249 : vector<16xf32>
        %add3A_251 = arith.constant 0 : i32
        %add3A_252 = arith.addi %mul3A_231, %add3A_251 : i32
        %add3A_253 = arith.constant 1 : i32
        %add3A_254 = arith.addi %add3A_252, %add3A_253 : i32
        %get3A_255 = arith.index_cast %add3A_254 : i32 to index
        %get3A_256 = arith.constant 16 : index
        %get3A_257 = tpu.vector_load %arg9[%get3A_255, %get3A_256] {strides = array<i32>} : memref<200x32xf32, #tpu.memory_space<vmem>>, vector<16xf32>,
        %add3A_258 = arith.addf %while3A_229, %get3A_257 : vector<16xf32>
        %add3A_259 = arith.constant 2 : i32
        %add3A_260 = arith.addi %mul3A_231, %add3A_259 : i32
        %get3A_261 = arith.index_cast %add3A_260 : i32 to index
        %get3A_262 = arith.constant 0 : index
        %get3A_263 = tpu.vector_load %arg9[%get3A_261, %get3A_262] {strides = array<i32>} : memref<200x32xf32, #tpu.memory_space<vmem>>, vector<16xf32>,
        %add3A_264 = arith.addf %add3A_236, %get3A_263 : vector<16xf32>
        %add3A_265 = arith.constant 2 : i32
        %add3A_266 = arith.addi %mul3A_231, %add3A_265 : i32
        %get3A_267 = arith.index_cast %add3A_266 : i32 to index
        %get3A_268 = arith.constant 16 : index
        %get3A_269 = tpu.vector_load %arg9[%get3A_267, %get3A_268] {strides = array<i32>} : memref<200x32xf32, #tpu.memory_space<vmem>>, vector<16xf32>,
        %add3A_270 = arith.addf %add3A_242, %get3A_269 : vector<16xf32>
        %add3A_271 = arith.constant 2 : i32
        %add3A_272 = arith.addi %mul3A_231, %add3A_271 : i32
        %add3A_273 = arith.constant 1 : i32
        %add3A_274 = arith.addi %add3A_272, %add3A_273 : i32
        %get3A_275 = arith.index_cast %add3A_274 : i32 to index
        %get3A_276 = arith.constant 0 : index
        %get3A_277 = tpu.vector_load %arg9[%get3A_275, %get3A_276] {strides = array<i32>} : memref<200x32xf32, #tpu.memory_space<vmem>>, vector<16xf32>,
        %add3A_278 = arith.addf %add3A_250, %get3A_277 : vector<16xf32>
        %add3A_279 = arith.constant 2 : i32
        %add3A_280 = arith.addi %mul3A_231, %add3A_279 : i32
        %add3A_281 = arith.constant 1 : i32
        %add3A_282 = arith.addi %add3A_280, %add3A_281 : i32
        %get3A_283 = arith.index_cast %add3A_282 : i32 to index
        %get3A_284 = arith.constant 16 : index
        %get3A_285 = tpu.vector_load %arg9[%get3A_283, %get3A_284] {strides = array<i32>} : memref<200x32xf32, #tpu.memory_space<vmem>>, vector<16xf32>,
        %add3A_286 = arith.addf %add3A_258, %get3A_285 : vector<16xf32>
        %add3A_287 = arith.constant 4 : i32
        %add3A_288 = arith.addi %mul3A_231, %add3A_287 : i32
        %get3A_289 = arith.index_cast %add3A_288 : i32 to index
        %get3A_290 = arith.constant 0 : index
        %get3A_291 = tpu.vector_load %arg9[%get3A_289, %get3A_290] {strides = array<i32>} : memref<200x32xf32, #tpu.memory_space<vmem>>, vector<16xf32>,
        %add3A_292 = arith.addf %add3A_264, %get3A_291 : vector<16xf32>
        %add3A_293 = arith.constant 4 : i32
        %add3A_294 = arith.addi %mul3A_231, %add3A_293 : i32
        %get3A_295 = arith.index_cast %add3A_294 : i32 to index
        %get3A_296 = arith.constant 16 : index
        %get3A_297 = tpu.vector_load %arg9[%get3A_295, %get3A_296] {strides = array<i32>} : memref<200x32xf32, #tpu.memory_space<vmem>>, vector<16xf32>,
        %add3A_298 = arith.addf %add3A_270, %get3A_297 : vector<16xf32>
        %add3A_299 = arith.constant 4 : i32
        %add3A_300 = arith.addi %mul3A_231, %add3A_299 : i32
        %add3A_301 = arith.constant 1 : i32
        %add3A_302 = arith.addi %add3A_300, %add3A_301 : i32
        %get3A_303 = arith.index_cast %add3A_302 : i32 to index
        %get3A_304 = arith.constant 0 : index
        %get3A_305 = tpu.vector_load %arg9[%get3A_303, %get3A_304] {strides = array<i32>} : memref<200x32xf32, #tpu.memory_space<vmem>>, vector<16xf32>,
        %add3A_306 = arith.addf %add3A_278, %get3A_305 : vector<16xf32>
        %add3A_307 = arith.constant 4 : i32
        %add3A_308 = arith.addi %mul3A_231, %add3A_307 : i32
        %add3A_309 = arith.constant 1 : i32
        %add3A_310 = arith.addi %add3A_308, %add3A_309 : i32
        %get3A_311 = arith.index_cast %add3A_310 : i32 to index
        %get3A_312 = arith.constant 16 : index
        %get3A_313 = tpu.vector_load %arg9[%get3A_311, %get3A_312] {strides = array<i32>} : memref<200x32xf32, #tpu.memory_space<vmem>>, vector<16xf32>,
        %add3A_314 = arith.addf %add3A_286, %get3A_313 : vector<16xf32>
        %add3A_315 = arith.constant 6 : i32
        %add3A_316 = arith.addi %mul3A_231, %add3A_315 : i32
        %get3A_317 = arith.index_cast %add3A_316 : i32 to index
        %get3A_318 = arith.constant 0 : index
        %get3A_319 = tpu.vector_load %arg9[%get3A_317, %get3A_318] {strides = array<i32>} : memref<200x32xf32, #tpu.memory_space<vmem>>, vector<16xf32>,
        %add3A_320 = arith.addf %add3A_292, %get3A_319 : vector<16xf32>
        %add3A_321 = arith.constant 6 : i32
        %add3A_322 = arith.addi %mul3A_231, %add3A_321 : i32
        %get3A_323 = arith.index_cast %add3A_322 : i32 to index
        %get3A_324 = arith.constant 16 : index
        %get3A_325 = tpu.vector_load %arg9[%get3A_323, %get3A_324] {strides = array<i32>} : memref<200x32xf32, #tpu.memory_space<vmem>>, vector<16xf32>,
        %add3A_326 = arith.addf %add3A_298, %get3A_325 : vector<16xf32>
        %add3A_327 = arith.constant 6 : i32
        %add3A_328 = arith.addi %mul3A_231, %add3A_327 : i32
        %add3A_329 = arith.constant 1 : i32
        %add3A_330 = arith.addi %add3A_328, %add3A_329 : i32
        %get3A_331 = arith.index_cast %add3A_330 : i32 to index
        %get3A_332 = arith.constant 0 : index
        %get3A_333 = tpu.vector_load %arg9[%get3A_331, %get3A_332] {strides = array<i32>} : memref<200x32xf32, #tpu.memory_space<vmem>>, vector<16xf32>,
        %add3A_334 = arith.addf %add3A_306, %get3A_333 : vector<16xf32>
        %add3A_335 = arith.constant 6 : i32
        %add3A_336 = arith.addi %mul3A_231, %add3A_335 : i32
        %add3A_337 = arith.constant 1 : i32
        %add3A_338 = arith.addi %add3A_336, %add3A_337 : i32
        %get3A_339 = arith.index_cast %add3A_338 : i32 to index
        %get3A_340 = arith.constant 16 : index
        %get3A_341 = tpu.vector_load %arg9[%get3A_339, %get3A_340] {strides = array<i32>} : memref<200x32xf32, #tpu.memory_space<vmem>>, vector<16xf32>,
        %add3A_342 = arith.addf %add3A_314, %get3A_341 : vector<16xf32>
        scf.yield %add3A_320, %add3A_334, %add3A_326, %add3A_342 : vector<16xf32>, vector<16xf32>, vector<16xf32>, vector<16xf32>
      }
      %mul3A_198 = arith.constant 8 : i32
      %mul3A_199 = arith.muli %select_n3A_184, %mul3A_198 : i32
      %add3A_200 = arith.addf %while3A_197#0, %while3A_197#1 : vector<16xf32>
      %add3A_201 = arith.addf %while3A_197#2, %while3A_197#3 : vector<16xf32>
      %while3A_202 = arith.subi %reduce_max3A_160, %mul3A_199 : i32
      %while3A_203 = arith.addi %mul3A_199, %while3A_202 : i32
      %while3A_204 = arith.constant 1 : i32
      %while3A_205 = arith.divsi %while3A_202, %while3A_204 : i32
      %while3A_206 = arith.muli %while3A_205, %while3A_204 : i32
      %while3A_207 = arith.addi %mul3A_199, %while3A_206 : i32
      %while3A_208 = arith.constant 1 : i32
      %while3A_209:2 = scf.for %while3A_225 = %mul3A_199 to %while3A_207 step %while3A_208 iter_args(%while3A_226 = %add3A_200, %while3A_227 = %add3A_201) -> (vector<16xf32>, vector<16xf32>)  : i32 {
        %get3A = arith.index_cast %while3A_225 : i32 to index
        %get3A_228 = arith.constant 0 : index
        %get3A_229 = tpu.vector_load %arg9[%get3A, %get3A_228] {strides = array<i32>} : memref<200x32xf32, #tpu.memory_space<vmem>>, vector<16xf32>,
        %add3A_230 = arith.addf %while3A_226, %get3A_229 : vector<16xf32>
        %get3A_231 = arith.index_cast %while3A_225 : i32 to index
        %get3A_232 = arith.constant 16 : index
        %get3A_233 = tpu.vector_load %arg9[%get3A_231, %get3A_232] {strides = array<i32>} : memref<200x32xf32, #tpu.memory_space<vmem>>, vector<16xf32>,
        %add3A_234 = arith.addf %while3A_227, %get3A_233 : vector<16xf32>
        scf.yield %add3A_230, %add3A_234 : vector<16xf32>, vector<16xf32>
      }
      %while3A_210 = arith.constant 1 : i32
      %while3A_211:2 = scf.for %while3A_225 = %while3A_207 to %while3A_203 step %while3A_210 iter_args(%while3A_226 = %while3A_209#0, %while3A_227 = %while3A_209#1) -> (vector<16xf32>, vector<16xf32>)  : i32 {
        %get3A = arith.index_cast %while3A_225 : i32 to index
        %get3A_228 = arith.constant 0 : index
        %get3A_229 = tpu.vector_load %arg9[%get3A, %get3A_228] {strides = array<i32>} : memref<200x32xf32, #tpu.memory_space<vmem>>, vector<16xf32>,
        %add3A_230 = arith.addf %while3A_226, %get3A_229 : vector<16xf32>
        %get3A_231 = arith.index_cast %while3A_225 : i32 to index
        %get3A_232 = arith.constant 16 : index
        %get3A_233 = tpu.vector_load %arg9[%get3A_231, %get3A_232] {strides = array<i32>} : memref<200x32xf32, #tpu.memory_space<vmem>>, vector<16xf32>,
        %add3A_234 = arith.addf %while3A_227, %get3A_233 : vector<16xf32>
        scf.yield %add3A_230, %add3A_234 : vector<16xf32>, vector<16xf32>
      }
      %convert_element_type3A_212 = arith.sitofp %gather3A_152 : vector<16xi32> to vector<16xf32>
      %div3A_213 = arith.constant 1.000000e+00 : f32
      %div3A_214 = vector.broadcast %div3A_213 : f32 to vector<16xf32>
      %div3A_215 = arith.divf %div3A_214, %convert_element_type3A_212 : vector<16xf32>
      %mul3A_216 = arith.mulf %while3A_211#0, %div3A_215 : vector<16xf32>
      %swap3A_217 = arith.index_cast %add3A_35 : i32 to index
      %swap3A_218 = arith.constant 0 : index
      %swap3A_219 = tpu.vector_load %arg10[%swap3A_217, %swap3A_218] {strides = array<i32>} : memref<128x32xf32, #tpu.memory_space<vmem>>, vector<16xf32>,
      tpu.vector_store %arg10[%swap3A_217, %swap3A_218], %mul3A_216 {strides = array<i32>} : memref<128x32xf32, #tpu.memory_space<vmem>>, vector<16xf32>,
      %mul3A_220 = arith.mulf %while3A_211#1, %div3A_215 : vector<16xf32>
      %swap3A_221 = arith.index_cast %add3A_35 : i32 to index
      %swap3A_222 = arith.constant 16 : index
      %swap3A_223 = tpu.vector_load %arg10[%swap3A_221, %swap3A_222] {strides = array<i32>} : memref<128x32xf32, #tpu.memory_space<vmem>>, vector<16xf32>,
      tpu.vector_store %arg10[%swap3A_221, %swap3A_222], %mul3A_220 {strides = array<i32>} : memref<128x32xf32, #tpu.memory_space<vmem>>, vector<16xf32>,
      %scan3A_224 = arith.constant 0 : i32
      scf.yield %scan3A_224 : i32
    }
    %scan3A_27 = arith.constant 64 : i32
    "tpu.region"() ({
      %run_scoped3A = tpu.sem_alloc : memref<!tpu.dma_semaphore, #tpu.memory_space<semaphore_mem>>
      %dma_start3A_28 = arith.constant 0 : i32
      %dma_start3A_29 = tpu.memref_slice %arg5[%mul3A_2, %dma_start3A_28] : memref<4096x32xf32, #tpu.memory_space<hbm>> -> memref<128x32xf32, #tpu.memory_space<hbm>>
      %dma_start3A_30 = arith.constant 0 : i32
      %dma_start3A_31 = tpu.memref_slice %arg5[%mul3A_2, %dma_start3A_30] : memref<4096x32xf32, #tpu.memory_space<hbm>> -> memref<128x32xf32, #tpu.memory_space<hbm>>
      tpu.enqueue_dma source(%arg10 : memref<128x32xf32, #tpu.memory_space<vmem>>) target(%dma_start3A_31 : memref<128x32xf32, #tpu.memory_space<hbm>>) target_semaphore(%run_scoped3A : memref<!tpu.dma_semaphore, #tpu.memory_space<semaphore_mem>>)
      %dma_wait3A = arith.constant 0 : i32
      %dma_wait3A_32 = tpu.memref_slice %arg5[%mul3A_2, %dma_wait3A] : memref<4096x32xf32, #tpu.memory_space<hbm>> -> memref<128x32xf32, #tpu.memory_space<hbm>>
      %dma_wait3A_33 = arith.constant 0 : i32
      %dma_wait3A_34 = tpu.memref_slice %arg5[%mul3A_2, %dma_wait3A_33] : memref<4096x32xf32, #tpu.memory_space<hbm>> -> memref<128x32xf32, #tpu.memory_space<hbm>>
      tpu.wait_dma2 semaphore(%run_scoped3A : memref<!tpu.dma_semaphore, #tpu.memory_space<semaphore_mem>>) src(%arg10 : memref<128x32xf32, #tpu.memory_space<vmem>>) dst(%dma_wait3A_34 : memref<128x32xf32, #tpu.memory_space<hbm>>)
      tpu.yield
    }) : () -> ()
    return
  }
}

</mosaic_0001>

<sc_bundles>
// kernel: kernel.4.cloned.1.call-start
scs
__scs_entry_jumppad:
0x0: {  	(pc) =	sbr.rel $0x88, $3  }
0x1: {  	(tag) =	ssettag $0x0;
	lr =	simm.s32 $0x1  }
0x2: {  	[smem:$0x3F9E] =	sst lr;
	_ =	strace $0xD0000000  }
0x3: {  	_ = 	snop  }
0x4: {  	_ = 	snop  }
0x5: {  	_ = 	snop  }
0x6: {  	_ = 	snop  }
0x7: {  	_ = 	snop  }
__scs_overlays_trampoline_lowered:
0x8: {  	[smem:$0x3FAD] =	sst s0  }
0x9: {  	[smem:$0x3FAE] =	sst s1  }
0xa: {  	[smem:$0x3FAF] =	sst s2  }
0xb: {  	[smem:$0x3FB0] =	sst s3  }
0xc: {  	[smem:$0x3FB1] =	sst s4  }
0xd: {  	[smem:$0x3FB2] =	sst s5  }
0xe: {  	[smem:$0x3FB3] =	sst s6  }
0xf: {  	[smem:$0x3FB4] =	sst s7  }
0x10: {  	[smem:$0x3FB5] =	sst s8  }
0x11: {  	[smem:$0x3FB6] =	sst s9;
	s0 =	simm.s32 @!p0 $0x0  }
0x12: {  	s1 =	sld [smem:$0x3F9C];
	s0 =	simm.s32 @p0 $0x1  }
0x13: {  	[smem:$0x3FB7] =	sst s0;
	s0 =	simm.s32 @!p1 $0x0  }
0x14: {  	s2 =	sld [smem:$0x3F9B];
	s0 =	simm.s32 @p1 $0x1  }
0x15: {  	[smem:$0x3FB8] =	sst s0;
	s0 =	simm.s32 @!p2 $0x0  }
0x16: {  	s3 =	sld [smem:$0x3FDB];
	s0 =	simm.s32 @p2 $0x1  }
0x17: {  	s4 =	simm.s32 $0x1BF5;
	[smem:$0x3FBA] =	sst s0  }
0x18: {  	s0 =	sld [smem:$0x3F9D];
	_ =	swait.ge [sflag:s4], $0x0  }
0x19: {  	s7 =	sld [smem:$0x3F9E]  }
0x1a: {  	s8 =	sadd.s32 $0xFFFFE003, lr  }
0x1b: {  	s9 =	sadd.s32 $0xFFFFFEF7, lr;
	s5 =	simm.s32 $0xFFFFFFFF;
	p2 =	slt.u32 s8, $0xFFFFF086  }
0x1c: {  	p1 =	slt.u32 s9, $0xF7A;
	s5 =	simm.s32 @!p2 $0x0  }
0x1d: {  	s5 =	simm.s32 @p1 $0x1;
	p0 =	seq.s32 s7, s2  }
0x1e: {  	s7 =	smul.u32 @!p0 $0xF7A, s2;
	p2 =	seq.s32 @!p0 s5, $0x0  }
0x1f: {  	s9 =	smul.u32 $0xF7A, s1;
	s8 =	simm.s32 @!p0 $0x1BF5;
	p2 =	por !p2, p0  }
0x20: {  	[sflag:s8] =	ssyncset.s32 @!p0 $0xFFFFF086;
	s6 =	sadd.s32 @!p0 s3, s7;
	s7 =	simm.s32 @!p0 $0x108  }
0x21: {  	s3 =	sadd.s32 s3, s9;
	s6 =	sadd.s32 @!p0 $0x88, s6;
	s7 =	simm.s32 @p2 $0x1082  }
0x22: {  	[simem:s7], [sflag:s8] =	dma.local @!p0 [hbm:s6], $0xF7A  }
0x23: {  	s9 =	sor.u32 $0xD0000000, s2;
	s6 =	simm.s32 $0x108;
	_ =	swait.ge @!p0 [sflag:s8], $0x0  }
0x24: {  	s3 =	sadd.s32 $0x88, s3;
	s6 =	simm.s32 @!p1 $0x1082;
	[sflag:s4] =	ssyncset.s32 $0xFFFFF086  }
0x25: {  	[simem:s6], [sflag:s4] =	dma.local [hbm:s3], $0xF7A  }
0x26: {  	[smem:$0x3F9E] =	sst s1;
	(tag) =	ssettag s2;
	_ =	strace s9  }
0x27: {  	s1 =	sld [smem:$0x3FAE]  }
0x28: {  	s2 =	sld [smem:$0x3FAF]  }
0x29: {  	s4 =	sld [smem:$0x3FB1]  }
0x2a: {  	p0 =	seq.s32 s5, $0x0;
	s5 =	sld [smem:$0x3FB2]  }
0x2b: {  	s6 =	sld [smem:$0x3FB3]  }
0x2c: {  	s7 =	sld [smem:$0x3FB4]  }
0x2d: {  	s3 =	simm.s32 $0x108;
	s8 =	sld [smem:$0x3FB5]  }
0x2e: {  	s3 =	simm.s32 @!p0 $0x1082;
	s9 =	sld [smem:$0x3FB6]  }
0x2f: {  	lr =	sadd.s32 s0, s3;
	s0 =	sld [smem:$0x3FAD]  }
0x30: {  	s3 =	sld [smem:$0x3FB0]  }
0x31: {  	[smem:$0x3FB9] =	sst s10  }
0x32: {  	s10 =	sld [smem:$0x3FB7];
	_ =	sdelay $0x3  }
0x33: {  	p0 =	seq.s32 s10, $0x1;
	s10 =	sld [smem:$0x3FB9];
	_ =	sdelay $0x3  }
0x34: {  	[smem:$0x3FB9] =	sst s10  }
0x35: {  	s10 =	sld [smem:$0x3FB8];
	_ =	sdelay $0x3  }
0x36: {  	p1 =	seq.s32 s10, $0x1;
	s10 =	sld [smem:$0x3FB9];
	_ =	sdelay $0x3  }
0x37: {  	[smem:$0x3FB9] =	sst s10  }
0x38: {  	s10 =	sld [smem:$0x3FBA]  }
0x39: {  	_ = 	snop;
	(pc) =	sbr.ind lr, $3  }
0x3a: {  	_ = 	snop  }
0x3b: {  	_ = 	snop  }
0x3c: {  	p2 =	seq.s32 s10, $0x1;
	s10 =	sld [smem:$0x3FB9]  }
0x3d: {  	_ =	shalt  }
0x3e: {  	_ =	shalt  }
0x3f: {  	_ =	shalt  }
0x40: {  	_ =	shalt  }
0x41: {  	_ =	shalt  }
0x42: {  	_ =	shalt  }
0x43: {  	_ =	shalt  }
0x44: {  	_ =	shalt  }
0x45: {  	_ =	shalt  }
0x46: {  	_ =	shalt  }
0x47: {  	_ =	shalt  }
0x48: {  	_ =	shalt  }
0x49: {  	_ =	shalt  }
0x4a: {  	_ =	shalt  }
0x4b: {  	_ =	shalt  }
0x4c: {  	_ =	shalt  }
0x4d: {  	_ =	shalt  }
0x4e: {  	_ =	shalt  }
0x4f: {  	_ =	shalt  }
0x50: {  	_ =	shalt  }
0x51: {  	_ =	shalt  }
0x52: {  	_ =	shalt  }
0x53: {  	_ =	shalt  }
0x54: {  	_ =	shalt  }
0x55: {  	_ =	shalt  }
0x56: {  	_ =	shalt  }
0x57: {  	_ =	shalt  }
0x58: {  	_ =	shalt  }
0x59: {  	_ =	shalt  }
0x5a: {  	_ =	shalt  }
0x5b: {  	_ =	shalt  }
0x5c: {  	_ =	shalt  }
0x5d: {  	_ =	shalt  }
0x5e: {  	_ =	shalt  }
0x5f: {  	_ =	shalt  }
0x60: {  	_ =	shalt  }
0x61: {  	_ =	shalt  }
0x62: {  	_ =	shalt  }
0x63: {  	_ =	shalt  }
0x64: {  	_ =	shalt  }
0x65: {  	_ =	shalt  }
0x66: {  	_ =	shalt  }
0x67: {  	_ =	shalt  }
0x68: {  	_ =	shalt  }
0x69: {  	_ =	shalt  }
0x6a: {  	_ =	shalt  }
0x6b: {  	_ =	shalt  }
0x6c: {  	_ =	shalt  }
0x6d: {  	_ =	shalt  }
0x6e: {  	_ =	shalt  }
0x6f: {  	_ =	shalt  }
0x70: {  	_ =	shalt  }
0x71: {  	_ =	shalt  }
0x72: {  	_ =	shalt  }
0x73: {  	_ =	shalt  }
0x74: {  	_ =	shalt  }
0x75: {  	_ =	shalt  }
0x76: {  	_ =	shalt  }
0x77: {  	_ =	shalt  }
0x78: {  	_ =	shalt  }
0x79: {  	_ =	shalt  }
0x7a: {  	_ =	shalt  }
0x7b: {  	_ =	shalt  }
0x7c: {  	_ =	shalt  }
0x7d: {  	_ =	shalt  }
0x7e: {  	_ =	shalt  }
0x7f: {  	_ =	shalt  }
0x80: {  	_ =	shalt  }
0x81: {  	_ =	shalt  }
0x82: {  	_ =	shalt  }
0x83: {  	_ =	shalt  }
0x84: {  	_ =	shalt  }
0x85: {  	_ =	shalt  }
0x86: {  	_ =	shalt  }
0x87: {  	_ =	shalt  }
.Lfunc_end0:
.L_simem_size_0:
called_computation_lowered:
.L_overlay_start_0:
0x88: {  	s2 =	sld [smem:$0x3FD9]  }
0x89: {  	s3 =	sld [smem:$0x3FFE];
	_ =	sdelay $0x1  }
0x8a: {  	s1 =	srdreg.scid  }
0x8b: {  	s0 =	sand.u32 $0x1, s1  }
0x8c: {  	s17 =	sshll.u32 s0, $0xA;
	s2 =	sadd.s32 s3, s2  }
0x8d: {  	s2 =	sadd.s32 s2, s17  }
0x8e: {  	[smem:$0x3FC5] =	sst s2  }
0x8f: {  	_ = 	snop  }
0x90: {  	s2 =	sld [smem:$0x3FC7];
	(tm) =	ssettm $0x1  }
0x91: {  	s18 =	sld [smem:$0x3FFB];
	_ =	sdelay $0x3  }
0x92: {  	_ =	strace s18  }
0x93: {  	s3 =	sld [smem:$0x3FFC];
	_ =	sdelay $0x3  }
0x94: {  	_ =	strace s3  }
0x95: {  	s3 =	sld [smem:$0x3FFD];
	_ =	sdelay $0x3  }
0x96: {  	_ =	strace s3  }
0x97: {  	_ =	strace $0x8FFFFFFF  }
0x98: {  	s19 =	sld [smem:$0x3FDB];
	_ =	sdelay $0x1  }
0x99: {  	s4 =	simm.s32 $_scs_section_size  }
0x9a: {  	s5 =	simm.s32 $_size__tile_overlayer_lowered;
	s6 =	simm.s32 $_tile_overlayer_lowered  }
0x9b: {  	s22 =	simm.s32 $0x1BFF;
	s21 =	sshll.u32 s6, $0x1;
	s3 =	sadd.s32 s4, s19  }
0x9c: {  	s7 =	simm.s32 $0x0;
	s20 =	sshll.u32 s5, $0x1;
	s5 =	sadd.s32 s21, s3  }
0x9d: {  	[timem:s7], [sflag:s22] =	dma.local [hbm:s5], s20  }
0x9e: {  	_ =	swait.ge [sflag:s22], s20  }
0x9f: {  	s4 =	ssub.s32 $0x0, s20;
	[sflag:s22] =	ssyncset.done $0x0  }
0xa0: {  	[sflag:s22] =	ssyncadd.s32 s4;
	_ =	sdelay $0x1  }
0xa1: {  	s23 =	simm.s32 $0x1B8B  }
0xa2: {  	_ =	swait.ge [sflag:s23], $0x1  }
0xa3: {  	[sflag:s23] =	ssyncset.done $0x0  }
0xa4: {  	s25 =	simm.s32 $0x1B8E;
	s24 =	sld [smem:$0x3FFE];
	[sflag:s23] =	ssyncadd.s32 $0xFFFFFFFF  }
0xa5: {  	s26 =	simm.s32 $execute0_lowered;
	[smem:$0x3FD2] =	sst s25  }
0xa6: {  	s5 =	sshll.u32 s26, $0x1;
	_ =	strace $0x80000046;
	[dreg:$0x1] =	wrdreg $0xFFFFFFFF  }
0xa7: {  	s28 =	simm.s32 $_size_execute0_lowered;
	s3 =	sadd.s32 s3, s5;
	[dreg:$0x0] =	wrdreg $0x0  }
0xa8: {  	s5 =	sshll.u32 s28, $0x1;
	[dreg:$0x2] =	wrdreg s3  }
0xa9: {  	[dreg:$0x3] =	wrdreg s5  }
0xaa: {  	[dreg:$0x4] =	wrdreg $0xC0  }
0xab: {  	_ =	task [dreg:s7], $0x5FFFF  }
0xac: {  	[dreg:$0x1] =	wrdreg $0xFFFFFFFF  }
0xad: {  	[dreg:$0x0] =	wrdreg $0x60  }
0xae: {  	[dreg:$0x2] =	wrdreg s2  }
0xaf: {  	[dreg:$0x3] =	wrdreg s24  }
0xb0: {  	[dreg:$0x4] =	wrdreg $0x9  }
0xb1: {  	_ =	task.clear_ibuf [dreg:s7], $0x5FFFF;
	_ =	strace $0x90000046  }
0xb2: {  	s29 =	simm.s32 $0x9;
	_ =	strace $0x80000048  }
0xb3: {  	_ =	swait.ge [sflag:s29], $0x1  }
0xb4: {  	[sflag:s29] =	ssyncadd.s32 $0xFFFFFFFF  }
0xb5: {  	_ =	strace $0x90000048  }
0xb6: {  	_ =	sfence  }
0xb7: {  	s30 =	sld [smem:$0x0];
	_ =	sdelay $0x2  }
0xb8: {  	s31 =	sshll.u32 s1, $0xD;
	s1 =	sshrl.u32 s1, $0x2  }
0xb9: {  	s3 =	sand.u32 $0x4000, s31;
	s1 =	sadd.s32 s1, s30  }
0xba: {  	s0 =	sor.u32 s3, s0;
	s1 =	sshll.u32 s1, $0x11  }
0xbb: {  	s0 =	sor.u32 s1, s0  }
0xbc: {  	s0 =	sadd.s32 $0x8F2B, s0  }
0xbd: {  	[sflag:s0] =	ssyncadd.remote.s32 $0x1  }
0xbe: {  	_ =	sfence.sel $0xFFFF  }
0xbf: {  	[dreg:$0x0] =	wrdreg $0xFFFFFFFF;
	(pc) =	sbr.abs _section_cstart, $3  }
0xc0: {  	[dreg:$0x1] =	wrdreg $0xFFFFFFFF  }
0xc1: {  	_ =	task.clear_ibuf [dreg:s7], $0x2FFFF;
	_ =	strace $0x9FFFFFFF  }
0xc2: {  	(tm) =	ssettm $0x7FFFFFFF  }
0xc3: {  	_ =	shalt  }
tec
execute0_lowered:
.L_overlay_start_1:
0x0: {  	(tag) =	ssettag $0x1  }
0x1: {  	s6 =	rddreg [dreg:$0x0]  }
0x2: {  	v0 =	vlaneseq.u32;
	s7 =	rddreg [dreg:$0x1];
	s2 =	simm.s32 $0x0  }
0x3: {  	[smem:$0x7FF] =	sst s2;
	v24 =	vor.u32 $0x400, v0  }
0x4: {  	s0 =	rddreg [dreg:$0x2];
	v17 =	vmul.u32 $0x20, v0;
	v25 =	vor.u32 $0x800, v0;
	_ =	strace $0x80000047;
	[tilespmem:$0x1FFB0] =	vst v24  }
0x5: {  	[tilespmem:$0x1FFF0] =	vst v25  }
0x6: {  	v1 =	vor.u32 $0x1200, v17;
	[tilespmem:$0x1FF40] =	vst v17  }
0x7: {  	v20 =	vor.u32 $0x200, v17;
	[tilespmem:$0x1FEE0] =	vst v1  }
0x8: {  	v21 =	vor.u32 $0x600, v17;
	[tilespmem:$0x1FF50] =	vst v20  }
0x9: {  	s11 =	simm.s32 $0x1000;
	v22 =	vor.u32 $0x800, v17;
	[tilespmem:$0x1FF60] =	vst v21  }
0xa: {  	s3 =	srdreg.scid;
	s1 =	stileid.u32;
	s12 =	simm.s32 $0x7A1400;
	v2 =	vor.u32 $0x10, v0;
	v4 =	vor.u32 $0x20, v0;
	v23 =	vor.u32 $0xA00, v17;
	[tilespmem:$0x1FF70] =	vst v22  }
0xb: {  	s13 =	simm.s32 $0x1;
	s14 =	simm.s32 $0x8000;
	s16 =	simm.s32 $0x4000;
	v6 =	vor.u32 $0x30, v0;
	v8 =	vor.u32 $0x40, v0;
	v57 =	vor.u32 $0xC00, v17;
	[tilespmem:$0x1FF80] =	vst v23  }
0xc: {  	s15 =	simm.s32 $0x2;
	s17 =	simm.s32 $0xC000;
	s19 =	simm.s32 $0x3000;
	v10 =	vor.u32 $0x50, v0;
	v12 =	vor.u32 $0x60, v0;
	v58 =	vor.u32 $0xE00, v17;
	[tilespmem:$0x1FF90] =	vst v57  }
0xd: {  	s20 =	simm.s32 $0x5;
	s3 =	sand.u32 $0x1, s3;
	s4 =	sshll.u32 s1, $0x1;
	v14 =	vor.u32 $0x70, v0;
	v34 =	vor.u32 $0xC00, v0;
	v18 =	vor.u32 $0x1000, v17;
	[tilespmem:$0x1FFA0] =	vst v58  }
0xe: {  	s21 =	simm.s32 $0x0;
	s18 =	sor.u32 s3, s4;
	s29 =	ssub.s32 $0x2, s3;
	v13 =	vor.u32 $0x400, v17;
	v15 =	vor.u32 $0x1800, v17;
	v26 =	vor.u32 $0x2000, v17;
	[tilespmem:$0x1FFC0] =	vst v18  }
0xf: {  	s4 =	sshll.u32 s18, $0xB;
	s30 =	ssub.s32 $0x7C0, s18;
	s8 =	sshrl.u32 s29, $0x1;
	v27 =	vor.u32 $0x2200, v17;
	v28 =	vor.u32 $0x2400, v17;
	v29 =	vor.u32 $0x2600, v17;
	[tilespmem:$0x1FFD0] =	vst v15  }
0x10: {  	s9 =	sshll.u32 s18, $0x9;
	v30 =	vor.u32 $0x2800, v17;
	v31 =	vor.u32 $0x2A00, v17;
	s5 =	sadd.s32 s4, s7;
	s3 =	sshrl.u32 s30, $0x5;
	v1 =	vor.u32 $0x1400, v17;
	[tilespmem:$0x1FFE0] =	vst v13  }
.Ltmp0:
0x11: {  	v32 =	vor.u32 $0x2C00, v17;
	v33 =	vor.u32 $0x2E00, v17;
	s10 =	ssub.s32 s29, s8;
	s4 =	sadd.s32 s6, s9;
	[tilespmem:$0x1FEF0] =	vst v1;
	v1 =	vor.u32 $0x1600, v17;
	(pc) =	sbr.rel .LBB2_1-.Ltmp0, $4  }
0x12: {  	v35 =	vor.u32 $0x3000, v17;
	s6 =	sadd.s32 $0xF4200, s6;
	s7 =	sadd.s32 $0x3D1200, s7;
	s31 =	sand.u32 $0x1, s3;
	[tilespmem:$0x1FF00] =	vst v1;
	v1 =	vor.u32 $0x1A00, v17  }
0x13: {  	v36 =	vor.u32 $0x3200, v17;
	v37 =	vor.u32 $0x3400, v17;
	s8 =	simm.s32 $0x4;
	s9 =	simm.s32 $0x3;
	p0 =	seq.s32 s31, $0x1;
	[tilespmem:$0x1FF10] =	vst v1;
	v1 =	vor.u32 $0x1C00, v17  }
0x14: {  	v38 =	vor.u32 $0x3600, v17;
	v39 =	vor.u32 $0x3800, v17;
	s5 =	sadd.s32 $0xA00, s5;
	s10 =	smax.u32 s10, $0x1;
	s8 =	simm.s32 @!p0 $0x3;
	[tilespmem:$0x1FF20] =	vst v1;
	v1 =	vor.u32 $0x1E00, v17  }
0x15: {  	v40 =	vor.u32 $0x3A00, v17;
	v41 =	vor.u32 $0x3C00, v17;
	v42 =	vor.u32 $0x3E00, v17;
	s9 =	simm.s32 @!p0 $0x4;
	p0 =	sne.s32 s18, $0x0;
	s18 =	simm.s32 $0x2000;
	[tilespmem:$0x1FF30] =	vst v1  }
.LBB2_21:
0x16: {  	_ =	swait.ge [sflag:s8], $0x4000  }
.Ltmp1:
0x17: {  	[sflag:s8] =	ssyncset.done $0x0;
	(pc) =	sbr.rel @!p0 .LBB2_22-.Ltmp1, $4  }
0x18: {  	[sflag:s8] =	ssyncadd.s32 $0xFFFFC000  }
0x19: {  	_ =	swait.ge [sflag:s9], $0x4000  }
0x1a: {  	[sflag:s9] =	ssyncset.done $0x0  }
0x1b: {  	[sflag:s9] =	ssyncadd.s32 $0xFFFFC000  }
.LBB2_25:
0x1c: {  	s21 =	sadd.s32 $0x1, s21  }
0x1d: {  	p1 =	sne.s32 s21, s10  }
.Ltmp2:
0x1e: {  	_ = 	snop;
	(pc) =	sbr.rel @!p1 .LBB2_26-.Ltmp2, $1  }
0x1f: {  	_ =	sdelay $0x3  }
.LBB2_1:
.Ltmp3:
0x20: {  	(pc) =	sbr.rel .LBB2_2-.Ltmp3, $3  }
0x21: {  	_ =	sdelay $0x1  }
0x22: {  	[tilespmem:s2], [sflag:$0x1] =	stream.strided.gather [hbm4b:s4+s11], $0x4000, s12, s11, $0x38;
	[tilespmem:$0x10000] =	vst v63  }
0x23: {  	s22 =	simm.s32 $0x0  }
.LBB2_20:
0x24: {  	s22 =	sadd.s32 $0x1, s22  }
0x25: {  	p1 =	sne.s32 s22, $0x1F  }
.Ltmp4:
0x26: {  	_ = 	snop;
	(pc) =	sbr.rel @!p1 .LBB2_21-.Ltmp4, $4  }
0x27: {  	v17 =	vld [tilespmem:$0x1FF40]  }
0x28: {  	v18 =	vld [tilespmem:$0x1FFC0]  }
0x29: {  	v57 =	vld [tilespmem:$0x1FF90]  }
0x2a: {  	v58 =	vld [tilespmem:$0x1FFA0]  }
.LBB2_2:
0x2b: {  	s23 =	sshllo.u32 s22, $0x1  }
0x2c: {  	s25 =	simm.s32 $0x0;
	p2 =	sge.u32 s23, s3  }
0x2d: {  	v43 =	vadd.s32 s25, v0;
	s24 =	sshll.u32 @!p2 s23, $0xE;
	s26 =	simm.s32 @!p2 $0x1000  }
0x2e: {  	s28 =	simm.s32 @!p2 $0x7A1400;
	s29 =	simm.s32 @!p2 $0x4000;
	v44 =	vshll.u32 v43, $0x9;
	v45 =	vshll.u32 v43, $0x7;
	s24 =	sadd.s32 @!p2 s24, s4  }
0x2f: {  	v1 =	vand.u32 $0x3000, v44;
	v3 =	vand.u32 $0x380, v45;
	[tilespmem:s29], [sflag:$0x2] =	stream.strided.gather @!p2 [hbm4b:s24+s26], $0x4000, s28, s26, $0x38;
	[tilespmem:$0x10000] =	vst v63  }
0x30: {  	v44 =	vor.u32 v3, v1;
	_ =	swait.ge [sflag:s13], $0x4000  }
0x31: {  	p1 =	seq.s32 s22, $0x0;
	v61 =	vor.u32 v0, v44;
	[tilespmem:$0x1FEB0] =	vst v1;
	[sflag:s13] =	ssyncset.done $0x0  }
0x32: {  	s24 =	simm.s32 @!p1 $0x3;
	v50 =	vor.u32 v14, v44;
	[tilespmem:$0x1FEC0] =	vst v3;
	[sflag:s13] =	ssyncadd.s32 $0xFFFFC000  }
0x33: {  	v54 =	vor.u32 v2, v44;
	_ =	swait.ge @!p1 [sflag:s24], $0x4000  }
0x34: {  	v49 =	vor.u32 v4, v44;
	v1 =	vand.u32 $0x1F, v43;
	v43 =	vor.u32 v10, v44;
	[sflag:s24] =	ssyncset.done @!p1 $0x0  }
0x35: {  	s26 =	simm.s32 $0x1;
	v55 =	vor.u32 v6, v44;
	v56 =	vor.u32 v12, v44;
	v52 =	vor.u32 v8, v44;
	[sflag:s24] =	ssyncadd.s32 @!p1 $0xFFFFC000  }
0x36: {  	v44 =	vadd.s32 s26, v0;
	v48 =	vor.u32 v57, v1;
	v46 =	vor.u32 v22, v1;
	v53 =	vld.idx.msk [tilespmem:v61+s25+$0x0], $0xffff  }
0x37: {  	v19 =	vmovc v57;
	v15 =	vmovc v58;
	v60 =	vor.u32 v58, v1;
	v45 =	vshll.u32 v44, $0x9;
	v58 =	vshll.u32 v44, $0x7;
	v57 =	vld.idx.msk [tilespmem:v50+s25+$0x0], $0xffff  }
0x38: {  	v47 =	vor.u32 v21, v1;
	v62 =	vand.u32 $0x3000, v45;
	v63 =	vand.u32 $0x380, v58;
	v61 =	vld.idx.msk [tilespmem:v54+s25+$0x0], $0xffff  }
0x39: {  	v51 =	vor.u32 v23, v1;
	v63 =	vor.u32 v63, v62;
	v58 =	vld.idx.msk [tilespmem:v43+s25+$0x0], $0xffff;
	v43 =	vor.u32 v20, v1  }
0x3a: {  	v45 =	vor.u32 v17, v1;
	v62 =	vor.u32 v0, v63;
	v59 =	vor.u32 v2, v63;
	v54 =	vld.idx.msk [tilespmem:v56+s25+$0x0], $0xffff  }
0x3b: {  	s28 =	simm.s32 $0x8;
	s24 =	sshll.u32 s22, $0x1;
	v50 =	vand.u32 $0x1F, v44;
	v44 =	vor.u32 v14, v63;
	v55 =	vld.idx.msk [tilespmem:v55+s25+$0x0], $0xffff;
	[tilespmem:$0x1FED0] =	vst v1;
	v56 =	vmov v1  }
.LBB2_3:
0x3c: {  	s28 =	sadd.s32 $0x8, s28;
	v1 =	vor.u32 v6, v63;
	v3 =	vor.u32 v10, v63;
	v5 =	vld.idx.msk [tilespmem:v49+s25+$0x0], $0xffff;
	v49 =	vor.u32 v4, v63  }
0x3d: {  	v7 =	vor.u32 v12, v63;
	p3 =	slt.u32 s28, $0xF8;
	v9 =	vld.idx.msk [tilespmem:v52+s25+$0x0], $0xffff;
	v52 =	vor.u32 v8, v63;
	[tilespmem:v60+s14+$0x0] =	vst.idx.msk $0xffff, v57  }
0x3e: {  	v16 =	vor.u32 v13, v56;
	v11 =	vmov v46;
	v63 =	vor.u32 v19, v50;
	[tilespmem:v43+s14+$0x0] =	vst.idx.msk $0xffff, v61  }
0x3f: {  	v46 =	vor.u32 v22, v50;
	v56 =	vmov v50;
	[tilespmem:v45+s14+$0x0] =	vst.idx.msk $0xffff, v53  }
0x40: {  	s26 =	sadd.s32 $0x1, s26;
	v43 =	vor.u32 v21, v56;
	v53 =	vld.idx.msk [tilespmem:v62+s25+$0x0], $0xffff;
	[tilespmem:v51+s14+$0x0] =	vst.idx.msk $0xffff, v58;
	v51 =	vor.u32 v23, v56  }
.Ltmp5:
0x41: {  	v60 =	vor.u32 v15, v56;
	v45 =	vadd.s32 s26, v0;
	v57 =	vld.idx.msk [tilespmem:v44+s25+$0x0], $0xffff;
	[tilespmem:v48+s14+$0x0] =	vst.idx.msk $0xffff, v54;
	v48 =	vmov v63;
	(pc) =	sbr.rel @p3 .LBB2_3-.Ltmp5, $4  }
0x42: {  	v50 =	vand.u32 $0x1F, v45;
	v44 =	vshll.u32 v45, $0x9;
	v45 =	vshll.u32 v45, $0x7;
	v61 =	vld.idx.msk [tilespmem:v59+s25+$0x0], $0xffff;
	[tilespmem:v47+s14+$0x0] =	vst.idx.msk $0xffff, v55;
	v47 =	vmovc v43  }
0x43: {  	v44 =	vand.u32 $0x3000, v44;
	v45 =	vand.u32 $0x380, v45;
	v43 =	vor.u32 v20, v56;
	v58 =	vld.idx.msk [tilespmem:v3+s25+$0x0], $0xffff;
	[tilespmem:v11+s14+$0x0] =	vst.idx.msk $0xffff, v9  }
0x44: {  	v63 =	vor.u32 v45, v44;
	v45 =	vor.u32 v17, v56;
	v54 =	vld.idx.msk [tilespmem:v7+s25+$0x0], $0xffff;
	[tilespmem:v16+s14+$0x0] =	vst.idx.msk $0xffff, v5  }
0x45: {  	v62 =	vor.u32 v0, v63;
	v59 =	vor.u32 v2, v63;
	v44 =	vor.u32 v14, v63;
	v55 =	vld.idx.msk [tilespmem:v1+s25+$0x0], $0xffff  }
0x46: {  	_ =	sdelay $0x3  }
0x47: {  	[tilespmem:v60+s14+$0x0] =	vst.idx.msk $0xffff, v57  }
0x48: {  	v1 =	vor.u32 v10, v63;
	v3 =	vld.idx.msk [tilespmem:v52+s25+$0x0], $0xffff;
	[tilespmem:v45+s14+$0x0] =	vst.idx.msk $0xffff, v53  }
0x49: {  	v5 =	vld.idx.msk [tilespmem:v49+s25+$0x0], $0xffff;
	v7 =	vor.u32 v12, v63;
	v9 =	vor.u32 v13, v56;
	[tilespmem:v43+s14+$0x0] =	vst.idx.msk $0xffff, v61  }
0x4a: {  	v11 =	vor.u32 v6, v63;
	v16 =	vld.idx.msk [tilespmem:v44+s25+$0x0], $0xffff;
	v57 =	vor.u32 v15, v50;
	[tilespmem:v51+s14+$0x0] =	vst.idx.msk $0xffff, v58  }
0x4b: {  	v59 =	vld.idx.msk [tilespmem:v59+s25+$0x0], $0xffff;
	v60 =	vor.u32 v20, v50;
	v61 =	vor.u32 v4, v63;
	[tilespmem:v48+s14+$0x0] =	vst.idx.msk $0xffff, v54  }
0x4c: {  	v62 =	vld.idx.msk [tilespmem:v62+s25+$0x0], $0xffff;
	v58 =	vor.u32 v8, v63;
	v63 =	vor.u32 v17, v50;
	[tilespmem:v47+s14+$0x0] =	vst.idx.msk $0xffff, v55  }
0x4d: {  	v56 =	vor.u32 v23, v50;
	v1 =	vld.idx.msk [tilespmem:v1+s25+$0x0], $0xffff;
	[tilespmem:v46+s14+$0x0] =	vst.idx.msk $0xffff, v3  }
0x4e: {  	[tilespmem:v9+s14+$0x0] =	vst.idx.msk $0xffff, v5  }
0x4f: {  	v3 =	vor.u32 v19, v50;
	v7 =	vld.idx.msk [tilespmem:v7+s25+$0x0], $0xffff;
	[tilespmem:v57+s14+$0x0] =	vst.idx.msk $0xffff, v16  }
0x50: {  	v5 =	vor.u32 v21, v50;
	v9 =	vld.idx.msk [tilespmem:v11+s25+$0x0], $0xffff;
	[tilespmem:v60+s14+$0x0] =	vst.idx.msk $0xffff, v59  }
0x51: {  	v11 =	vor.u32 v22, v50;
	v16 =	vld.idx.msk [tilespmem:v58+s25+$0x0], $0xffff;
	[tilespmem:v63+s14+$0x0] =	vst.idx.msk $0xffff, v62  }
0x52: {  	v57 =	vld.idx.msk [tilespmem:v61+s25+$0x0], $0xffff;
	v58 =	vor.u32 v13, v50;
	[tilespmem:v56+s14+$0x0] =	vst.idx.msk $0xffff, v1  }
0x53: {  	v1 =	vld [tilespmem:$0x1FEB0]  }
0x54: {  	v13 =	vld [tilespmem:$0x1FEC0];
	[tilespmem:v3+s14+$0x0] =	vst.idx.msk $0xffff, v7  }
0x55: {  	[tilespmem:v5+s14+$0x0] =	vst.idx.msk $0xffff, v9  }
0x56: {  	[tilespmem:v11+s14+$0x0] =	vst.idx.msk $0xffff, v16  }
0x57: {  	[tilespmem:v58+s14+$0x0] =	vst.idx.msk $0xffff, v57  }
0x58: {  	v15 =	vld [tilespmem:$0x1FFD0]  }
0x59: {  	v17 =	vld [tilespmem:$0x1FED0]  }
0x5a: {  	v22 =	vld [tilespmem:$0x1FF20];
	v1 =	vor.u32 v1, v13  }
0x5b: {  	v20 =	vld [tilespmem:$0x1FF00];
	v3 =	vor.u32 $0x400, v1;
	v1 =	vor.u32 v24, v1  }
0x5c: {  	v19 =	vld [tilespmem:$0x1FF30];
	v5 =	vor.u32 v2, v3  }
0x5d: {  	s26 =	simm.s32 $0x1;
	v23 =	vld [tilespmem:$0x1FEE0];
	v7 =	vor.u32 v14, v3  }
0x5e: {  	v59 =	vadd.s32 s26, v0;
	v21 =	vld [tilespmem:$0x1FF10];
	v9 =	vor.u32 v4, v3  }
0x5f: {  	v46 =	vand.u32 $0x1F, v59;
	s25 =	simm.s32 $0x0;
	v13 =	vld [tilespmem:$0x1FEF0];
	v16 =	vor.u32 v10, v3  }
0x60: {  	v48 =	vor.u32 v6, v3;
	v11 =	vor.u32 v8, v3;
	v3 =	vor.u32 v12, v3;
	v1 =	vld.idx.msk [tilespmem:v1+s25+$0x0], $0xffff  }
0x61: {  	v63 =	vshll.u32 v59, $0x7;
	v44 =	vor.u32 v15, v17;
	v62 =	vor.u32 v18, v17;
	v50 =	vld.idx.msk [tilespmem:v5+s25+$0x0], $0xffff  }
0x62: {  	v45 =	vor.u32 v22, v17;
	v49 =	vor.u32 v20, v17;
	v5 =	vshll.u32 v59, $0x9;
	v54 =	vld.idx.msk [tilespmem:v7+s25+$0x0], $0xffff  }
0x63: {  	v7 =	vand.u32 $0x380, v63;
	v51 =	vld.idx.msk [tilespmem:v9+s25+$0x0], $0xffff;
	v59 =	vor.u32 v19, v17;
	v5 =	vand.u32 $0x3000, v5  }
0x64: {  	v57 =	vor.u32 v23, v17;
	v58 =	vor.u32 v21, v17;
	v55 =	vld.idx.msk [tilespmem:v16+s25+$0x0], $0xffff;
	v5 =	vor.u32 v5, v7  }
0x65: {  	v47 =	vor.u32 v13, v17;
	v53 =	vld.idx.msk [tilespmem:v3+s25+$0x0], $0xffff;
	v60 =	vor.u32 $0x400, v5;
	v61 =	vor.u32 v24, v5  }
0x66: {  	s28 =	simm.s32 $0x8;
	v43 =	vld.idx.msk [tilespmem:v11+s25+$0x0], $0xffff;
	v56 =	vor.u32 v2, v60;
	v52 =	vor.u32 v4, v60;
	[tilespmem:v62+s14+$0x0] =	vst.idx.msk $0xffff, v1  }
.LBB2_5:
0x67: {  	s28 =	sadd.s32 $0x8, s28;
	v1 =	vor.u32 v8, v60;
	v3 =	vor.u32 v14, v60;
	v5 =	vld.idx.msk [tilespmem:v48+s25+$0x0], $0xffff;
	v48 =	vor.u32 v6, v60  }
0x68: {  	v7 =	vor.u32 v10, v60;
	v9 =	vor.u32 v12, v60;
	v11 =	vmov v49;
	p3 =	slt.u32 s28, $0xF8;
	[tilespmem:v59+s14+$0x0] =	vst.idx.msk $0xffff, v54  }
0x69: {  	v16 =	vor.u32 v15, v46;
	v62 =	vmov v46;
	v59 =	vor.u32 v22, v46;
	[tilespmem:v57+s14+$0x0] =	vst.idx.msk $0xffff, v50  }
0x6a: {  	s26 =	sadd.s32 $0x1, s26;
	v46 =	vor.u32 v13, v62;
	v49 =	vor.u32 v20, v62;
	v63 =	vld.idx.msk [tilespmem:v61+s25+$0x0], $0xffff;
	[tilespmem:v58+s14+$0x0] =	vst.idx.msk $0xffff, v55  }
0x6b: {  	v54 =	vadd.s32 s26, v0;
	v17 =	vor.u32 v18, v62;
	v50 =	vld.idx.msk [tilespmem:v56+s25+$0x0], $0xffff;
	[tilespmem:v47+s14+$0x0] =	vst.idx.msk $0xffff, v51;
	v47 =	vmov v46  }
.Ltmp6:
0x6c: {  	v55 =	vshll.u32 v54, $0x7;
	v46 =	vand.u32 $0x1F, v54;
	v51 =	vshll.u32 v54, $0x9;
	v54 =	vld.idx.msk [tilespmem:v3+s25+$0x0], $0xffff;
	[tilespmem:v45+s14+$0x0] =	vst.idx.msk $0xffff, v53;
	v45 =	vmovc v59;
	(pc) =	sbr.rel @p3 .LBB2_5-.Ltmp6, $4  }
0x6d: {  	v3 =	vand.u32 $0x3000, v51;
	v53 =	vand.u32 $0x380, v55;
	v59 =	vor.u32 v19, v62;
	v51 =	vld.idx.msk [tilespmem:v52+s25+$0x0], $0xffff;
	[tilespmem:v11+s14+$0x0] =	vst.idx.msk $0xffff, v5  }
0x6e: {  	v57 =	vor.u32 v23, v62;
	v3 =	vor.u32 v3, v53;
	v55 =	vld.idx.msk [tilespmem:v7+s25+$0x0], $0xffff;
	[tilespmem:v44+s14+$0x0] =	vst.idx.msk $0xffff, v43  }
0x6f: {  	v58 =	vor.u32 v21, v62;
	v60 =	vor.u32 $0x400, v3;
	v61 =	vor.u32 v24, v3;
	v44 =	vmovc v16;
	v53 =	vld.idx.msk [tilespmem:v9+s25+$0x0], $0xffff  }
0x70: {  	v56 =	vor.u32 v2, v60;
	v52 =	vor.u32 v4, v60;
	[tilespmem:v17+s14+$0x0] =	vst.idx.msk $0xffff, v63;
	v43 =	vld.idx.msk [tilespmem:v1+s25+$0x0], $0xffff  }
0x71: {  	_ = 	snop  }
0x72: {  	v1 =	vor.u32 v14, v60;
	_ =	sdelay $0x2  }
0x73: {  	v3 =	vld.idx.msk [tilespmem:v48+s25+$0x0], $0xffff;
	v5 =	vor.u32 v10, v60;
	[tilespmem:v59+s14+$0x0] =	vst.idx.msk $0xffff, v54;
	s25 =	simm.s32 $0x0  }
0x74: {  	[tilespmem:v57+s14+$0x0] =	vst.idx.msk $0xffff, v50;
	v11 =	vor.u32 v18, v46;
	v9 =	vld.idx.msk [tilespmem:v61+s25+$0x0], $0xffff  }
0x75: {  	v7 =	vor.u32 v12, v60;
	v17 =	vor.u32 v19, v46;
	[tilespmem:v47+s14+$0x0] =	vst.idx.msk $0xffff, v51;
	v1 =	vld.idx.msk [tilespmem:v1+s25+$0x0], $0xffff  }
0x76: {  	v16 =	vor.u32 v6, v60;
	v60 =	vor.u32 v8, v60;
	[tilespmem:v58+s14+$0x0] =	vst.idx.msk $0xffff, v55  }
0x77: {  	v62 =	vor.u32 v23, v46;
	v61 =	vld.idx.msk [tilespmem:v56+s25+$0x0], $0xffff;
	[tilespmem:v45+s14+$0x0] =	vst.idx.msk $0xffff, v53  }
0x78: {  	[tilespmem:v49+s14+$0x0] =	vst.idx.msk $0xffff, v3;
	v3 =	vld.idx.msk [tilespmem:v5+s25+$0x0], $0xffff;
	v5 =	vor.u32 v21, v46  }
0x79: {  	v63 =	vor.u32 v13, v46;
	v21 =	vld.idx.msk [tilespmem:v52+s25+$0x0], $0xffff;
	[tilespmem:v11+s14+$0x0] =	vst.idx.msk $0xffff, v9;
	v9 =	vadd.s32 s25, v0  }
0x7a: {  	v22 =	vor.u32 v22, v46;
	v7 =	vld.idx.msk [tilespmem:v7+s25+$0x0], $0xffff;
	[tilespmem:v17+s14+$0x0] =	vst.idx.msk $0xffff, v1;
	v1 =	vshll.u32 v9, $0x9;
	v17 =	vshll.u32 v9, $0x7  }
0x7b: {  	v23 =	vor.u32 v15, v46;
	[tilespmem:v44+s14+$0x0] =	vst.idx.msk $0xffff, v43;
	v47 =	vld.idx.msk [tilespmem:v60+s25+$0x0], $0xffff;
	v1 =	vand.u32 $0x3000, v1;
	v17 =	vand.u32 $0x380, v17  }
0x7c: {  	v16 =	vld.idx.msk [tilespmem:v16+s25+$0x0], $0xffff;
	v11 =	vor.u32 v20, v46;
	[tilespmem:v62+s14+$0x0] =	vst.idx.msk $0xffff, v61;
	v19 =	vor.u32 v1, v17  }
0x7d: {  	[tilespmem:v5+s14+$0x0] =	vst.idx.msk $0xffff, v3;
	v1 =	vor.u32 $0x800, v19;
	v3 =	vor.u32 v25, v19  }
0x7e: {  	[tilespmem:v63+s14+$0x0] =	vst.idx.msk $0xffff, v21;
	v5 =	vor.u32 v2, v1  }
0x7f: {  	v13 =	vand.u32 $0x1F, v9;
	[tilespmem:v22+s14+$0x0] =	vst.idx.msk $0xffff, v7;
	v7 =	vor.u32 v14, v1  }
0x80: {  	v45 =	vor.u32 v30, v13;
	[tilespmem:v23+s14+$0x0] =	vst.idx.msk $0xffff, v47;
	v9 =	vor.u32 v4, v1  }
0x81: {  	v46 =	vor.u32 v32, v13;
	[tilespmem:v11+s14+$0x0] =	vst.idx.msk $0xffff, v16;
	v16 =	vor.u32 v10, v1  }
0x82: {  	s26 =	simm.s32 $0x1;
	v48 =	vor.u32 v6, v1;
	v11 =	vor.u32 v8, v1;
	v1 =	vor.u32 v12, v1;
	v3 =	vld.idx.msk [tilespmem:v3+s25+$0x0], $0xffff  }
0x83: {  	v44 =	vor.u32 v26, v13;
	v50 =	vor.u32 v29, v13;
	v17 =	vadd.s32 s26, v0;
	v51 =	vld.idx.msk [tilespmem:v5+s25+$0x0], $0xffff  }
0x84: {  	v59 =	vor.u32 v33, v13;
	v63 =	vshll.u32 v17, $0x7;
	v5 =	vshll.u32 v17, $0x9;
	v56 =	vld.idx.msk [tilespmem:v7+s25+$0x0], $0xffff  }
0x85: {  	v60 =	vor.u32 v27, v13;
	v7 =	vand.u32 $0x380, v63;
	v52 =	vld.idx.msk [tilespmem:v9+s25+$0x0], $0xffff;
	v5 =	vand.u32 $0x3000, v5  }
0x86: {  	v61 =	vor.u32 v31, v13;
	v47 =	vor.u32 v28, v13;
	v57 =	vld.idx.msk [tilespmem:v16+s25+$0x0], $0xffff;
	v5 =	vor.u32 v5, v7  }
0x87: {  	v49 =	vand.u32 $0x1F, v17;
	v55 =	vld.idx.msk [tilespmem:v1+s25+$0x0], $0xffff;
	v62 =	vor.u32 $0x800, v5;
	v63 =	vor.u32 v25, v5  }
0x88: {  	s28 =	simm.s32 $0x8;
	v53 =	vld.idx.msk [tilespmem:v11+s25+$0x0], $0xffff;
	v58 =	vor.u32 v2, v62;
	v54 =	vor.u32 v4, v62;
	[tilespmem:v44+s14+$0x0] =	vst.idx.msk $0xffff, v3  }
.LBB2_7:
0x89: {  	s28 =	sadd.s32 $0x8, s28;
	v1 =	vor.u32 v8, v62;
	v3 =	vor.u32 v14, v62;
	v5 =	vld.idx.msk [tilespmem:v48+s25+$0x0], $0xffff;
	v48 =	vor.u32 v6, v62  }
0x8a: {  	v7 =	vor.u32 v10, v62;
	v9 =	vor.u32 v12, v62;
	v11 =	vmov v50;
	p3 =	slt.u32 s28, $0xF8;
	[tilespmem:v59+s14+$0x0] =	vst.idx.msk $0xffff, v56  }
0x8b: {  	v16 =	vor.u32 v30, v49;
	v17 =	vor.u32 v32, v49;
	v44 =	vmov v49;
	[tilespmem:v60+s14+$0x0] =	vst.idx.msk $0xffff, v51  }
0x8c: {  	s26 =	sadd.s32 $0x1, s26;
	v49 =	vor.u32 v28, v44;
	v50 =	vor.u32 v29, v44;
	v43 =	vld.idx.msk [tilespmem:v63+s25+$0x0], $0xffff;
	[tilespmem:v61+s14+$0x0] =	vst.idx.msk $0xffff, v57  }
0x8d: {  	v56 =	vadd.s32 s26, v0;
	v18 =	vor.u32 v26, v44;
	v51 =	vld.idx.msk [tilespmem:v58+s25+$0x0], $0xffff;
	[tilespmem:v47+s14+$0x0] =	vst.idx.msk $0xffff, v52;
	v47 =	vmov v49  }
.Ltmp7:
0x8e: {  	v57 =	vshll.u32 v56, $0x7;
	v49 =	vand.u32 $0x1F, v56;
	v52 =	vshll.u32 v56, $0x9;
	v56 =	vld.idx.msk [tilespmem:v3+s25+$0x0], $0xffff;
	[tilespmem:v46+s14+$0x0] =	vst.idx.msk $0xffff, v55;
	v46 =	vmovc v17;
	(pc) =	sbr.rel @p3 .LBB2_7-.Ltmp7, $4  }
0x8f: {  	v59 =	vor.u32 v33, v44;
	v3 =	vand.u32 $0x3000, v52;
	v17 =	vand.u32 $0x380, v57;
	v52 =	vld.idx.msk [tilespmem:v54+s25+$0x0], $0xffff;
	[tilespmem:v11+s14+$0x0] =	vst.idx.msk $0xffff, v5  }
0x90: {  	v60 =	vor.u32 v27, v44;
	v3 =	vor.u32 v3, v17;
	v57 =	vld.idx.msk [tilespmem:v7+s25+$0x0], $0xffff;
	[tilespmem:v45+s14+$0x0] =	vst.idx.msk $0xffff, v53  }
0x91: {  	v61 =	vor.u32 v31, v44;
	v62 =	vor.u32 $0x800, v3;
	v63 =	vor.u32 v25, v3;
	v45 =	vmovc v16;
	v55 =	vld.idx.msk [tilespmem:v9+s25+$0x0], $0xffff  }
0x92: {  	v58 =	vor.u32 v2, v62;
	v54 =	vor.u32 v4, v62;
	[tilespmem:v18+s14+$0x0] =	vst.idx.msk $0xffff, v43;
	v53 =	vld.idx.msk [tilespmem:v1+s25+$0x0], $0xffff  }
0x93: {  	_ =	sdelay $0x2  }
0x94: {  	v1 =	vor.u32 v14, v62  }
0x95: {  	v3 =	vld.idx.msk [tilespmem:v48+s25+$0x0], $0xffff;
	v5 =	vor.u32 v10, v62;
	[tilespmem:v59+s14+$0x0] =	vst.idx.msk $0xffff, v56  }
0x96: {  	[tilespmem:v60+s14+$0x0] =	vst.idx.msk $0xffff, v51;
	v7 =	vor.u32 v12, v62  }
0x97: {  	v9 =	vld.idx.msk [tilespmem:v63+s25+$0x0], $0xffff;
	v11 =	vor.u32 v26, v49;
	v16 =	vor.u32 v6, v62;
	[tilespmem:v47+s14+$0x0] =	vst.idx.msk $0xffff, v52  }
0x98: {  	v43 =	vld.idx.msk [tilespmem:v58+s25+$0x0], $0xffff;
	v44 =	vor.u32 v27, v49;
	[tilespmem:v61+s14+$0x0] =	vst.idx.msk $0xffff, v57  }
0x99: {  	v17 =	vor.u32 v33, v49;
	v18 =	vor.u32 v8, v62;
	[tilespmem:v46+s14+$0x0] =	vst.idx.msk $0xffff, v55;
	v1 =	vld.idx.msk [tilespmem:v1+s25+$0x0], $0xffff  }
0x9a: {  	[tilespmem:v50+s14+$0x0] =	vst.idx.msk $0xffff, v3;
	v3 =	vld.idx.msk [tilespmem:v5+s25+$0x0], $0xffff;
	v5 =	vor.u32 v31, v49  }
0x9b: {  	v59 =	vor.u32 v32, v49;
	[tilespmem:v45+s14+$0x0] =	vst.idx.msk $0xffff, v53;
	v7 =	vld.idx.msk [tilespmem:v7+s25+$0x0], $0xffff  }
0x9c: {  	[tilespmem:v11+s14+$0x0] =	vst.idx.msk $0xffff, v9;
	v9 =	vor.u32 v29, v49;
	v11 =	vld.idx.msk [tilespmem:v16+s25+$0x0], $0xffff  }
0x9d: {  	v58 =	vld.idx.msk [tilespmem:v54+s25+$0x0], $0xffff;
	v57 =	vor.u32 v28, v49;
	[tilespmem:v44+s14+$0x0] =	vst.idx.msk $0xffff, v43  }
0x9e: {  	v60 =	vld.idx.msk [tilespmem:v18+s25+$0x0], $0xffff;
	[tilespmem:v17+s14+$0x0] =	vst.idx.msk $0xffff, v1;
	v1 =	vor.u32 v30, v49  }
0x9f: {  	[tilespmem:v5+s14+$0x0] =	vst.idx.msk $0xffff, v3;
	v3 =	vor.u32 $0xC00, v19;
	v5 =	vor.u32 v34, v19  }
0xa0: {  	[tilespmem:v59+s14+$0x0] =	vst.idx.msk $0xffff, v7;
	v7 =	vor.u32 v2, v3  }
0xa1: {  	[tilespmem:v9+s14+$0x0] =	vst.idx.msk $0xffff, v11;
	v9 =	vor.u32 v14, v3  }
0xa2: {  	[tilespmem:v57+s14+$0x0] =	vst.idx.msk $0xffff, v58;
	v61 =	vor.u32 v10, v3  }
0xa3: {  	v11 =	vor.u32 v8, v3;
	[tilespmem:v1+s14+$0x0] =	vst.idx.msk $0xffff, v60  }
0xa4: {  	v1 =	vor.u32 v4, v3;
	v5 =	vld.idx.msk [tilespmem:v5+s2+$0x0], $0xffff  }
0xa5: {  	v18 =	vor.u32 v35, v13;
	v47 =	vor.u32 v6, v3;
	v3 =	vor.u32 v12, v3;
	v50 =	vld.idx.msk [tilespmem:v7+s2+$0x0], $0xffff  }
0xa6: {  	v54 =	vld.idx.msk [tilespmem:v9+s2+$0x0], $0xffff  }
0xa7: {  	s25 =	simm.s32 $0x1;
	v55 =	vld.idx.msk [tilespmem:v61+s2+$0x0], $0xffff  }
0xa8: {  	v46 =	vor.u32 v37, v13;
	v62 =	vadd.s32 s25, v0;
	v43 =	vld.idx.msk [tilespmem:v11+s2+$0x0], $0xffff  }
0xa9: {  	v45 =	vor.u32 v41, v13;
	v44 =	vor.u32 v39, v13;
	v63 =	vshll.u32 v62, $0x7;
	v51 =	vld.idx.msk [tilespmem:v1+s2+$0x0], $0xffff  }
0xaa: {  	v57 =	vor.u32 v42, v13;
	v58 =	vor.u32 v36, v13;
	v53 =	vld.idx.msk [tilespmem:v3+s2+$0x0], $0xffff;
	[tilespmem:v18+s14+$0x0] =	vst.idx.msk $0xffff, v5  }
0xab: {  	v49 =	vor.u32 v38, v13;
	v59 =	vor.u32 v40, v13;
	v7 =	vshll.u32 v62, $0x9;
	v13 =	vld [tilespmem:$0x1FFE0]  }
0xac: {  	v9 =	vand.u32 $0x380, v63;
	v7 =	vand.u32 $0x3000, v7;
	v20 =	vld [tilespmem:$0x1FF50]  }
0xad: {  	v1 =	vor.u32 v7, v9;
	v21 =	vld [tilespmem:$0x1FF60]  }
0xae: {  	v60 =	vor.u32 $0xC00, v1;
	v61 =	vor.u32 v34, v1;
	v22 =	vld [tilespmem:$0x1FF70]  }
0xaf: {  	s26 =	simm.s32 $0x8;
	v48 =	vand.u32 $0x1F, v62;
	v56 =	vor.u32 v2, v60;
	v52 =	vor.u32 v4, v60;
	v23 =	vld [tilespmem:$0x1FF80]  }
.LBB2_9:
0xb0: {  	s26 =	sadd.s32 $0x8, s26;
	v1 =	vor.u32 v8, v60;
	v3 =	vor.u32 v14, v60;
	v5 =	vld.idx.msk [tilespmem:v47+s2+$0x0], $0xffff;
	v47 =	vor.u32 v6, v60  }
0xb1: {  	v7 =	vor.u32 v10, v60;
	v9 =	vor.u32 v12, v60;
	v11 =	vmov v49;
	p3 =	slt.u32 s26, $0xF8;
	[tilespmem:v57+s14+$0x0] =	vst.idx.msk $0xffff, v54  }
0xb2: {  	v16 =	vor.u32 v39, v48;
	v17 =	vor.u32 v41, v48;
	v18 =	vmov v48;
	[tilespmem:v58+s14+$0x0] =	vst.idx.msk $0xffff, v50  }
0xb3: {  	s25 =	sadd.s32 $0x1, s25;
	v48 =	vor.u32 v37, v18;
	v49 =	vor.u32 v38, v18;
	v62 =	vld.idx.msk [tilespmem:v61+s2+$0x0], $0xffff;
	[tilespmem:v59+s14+$0x0] =	vst.idx.msk $0xffff, v55  }
0xb4: {  	v54 =	vadd.s32 s25, v0;
	v63 =	vor.u32 v35, v18;
	v50 =	vld.idx.msk [tilespmem:v56+s2+$0x0], $0xffff;
	[tilespmem:v46+s14+$0x0] =	vst.idx.msk $0xffff, v51;
	v46 =	vmov v48  }
.Ltmp8:
0xb5: {  	v55 =	vshll.u32 v54, $0x7;
	v48 =	vand.u32 $0x1F, v54;
	v51 =	vshll.u32 v54, $0x9;
	v54 =	vld.idx.msk [tilespmem:v3+s2+$0x0], $0xffff;
	[tilespmem:v45+s14+$0x0] =	vst.idx.msk $0xffff, v53;
	v45 =	vmovc v17;
	(pc) =	sbr.rel @p3 .LBB2_9-.Ltmp8, $4  }
0xb6: {  	v57 =	vor.u32 v42, v18;
	v3 =	vand.u32 $0x3000, v51;
	v17 =	vand.u32 $0x380, v55;
	v51 =	vld.idx.msk [tilespmem:v52+s2+$0x0], $0xffff;
	[tilespmem:v11+s14+$0x0] =	vst.idx.msk $0xffff, v5  }
0xb7: {  	v58 =	vor.u32 v36, v18;
	v3 =	vor.u32 v3, v17;
	v55 =	vld.idx.msk [tilespmem:v7+s2+$0x0], $0xffff;
	[tilespmem:v44+s14+$0x0] =	vst.idx.msk $0xffff, v43  }
0xb8: {  	v59 =	vor.u32 v40, v18;
	v60 =	vor.u32 $0xC00, v3;
	v61 =	vor.u32 v34, v3;
	v44 =	vmovc v16;
	v53 =	vld.idx.msk [tilespmem:v9+s2+$0x0], $0xffff  }
0xb9: {  	v56 =	vor.u32 v2, v60;
	v52 =	vor.u32 v4, v60;
	[tilespmem:v63+s14+$0x0] =	vst.idx.msk $0xffff, v62;
	v43 =	vld.idx.msk [tilespmem:v1+s2+$0x0], $0xffff  }
0xba: {  	_ =	sdelay $0x2  }
0xbb: {  	v1 =	vor.u32 v14, v60  }
0xbc: {  	[tilespmem:v57+s14+$0x0] =	vst.idx.msk $0xffff, v54  }
0xbd: {  	v3 =	vld.idx.msk [tilespmem:v47+s2+$0x0], $0xffff;
	v5 =	vor.u32 v10, v60;
	[tilespmem:v58+s14+$0x0] =	vst.idx.msk $0xffff, v50;
	v7 =	vor.u32 v12, v60  }
0xbe: {  	v9 =	vld.idx.msk [tilespmem:v61+s2+$0x0], $0xffff;
	v11 =	vor.u32 v35, v48;
	v16 =	vor.u32 v6, v60;
	[tilespmem:v46+s14+$0x0] =	vst.idx.msk $0xffff, v51  }
0xbf: {  	v18 =	vor.u32 v8, v60;
	v60 =	vor.u32 v37, v48;
	v61 =	vld.idx.msk [tilespmem:v52+s2+$0x0], $0xffff;
	[tilespmem:v59+s14+$0x0] =	vst.idx.msk $0xffff, v55  }
0xc0: {  	v17 =	vor.u32 v42, v48;
	[tilespmem:v45+s14+$0x0] =	vst.idx.msk $0xffff, v53;
	v1 =	vld.idx.msk [tilespmem:v1+s2+$0x0], $0xffff  }
0xc1: {  	v58 =	vld.idx.msk [tilespmem:v56+s2+$0x0], $0xffff;
	v59 =	vor.u32 v36, v48;
	[tilespmem:v44+s14+$0x0] =	vst.idx.msk $0xffff, v43  }
0xc2: {  	[tilespmem:v49+s14+$0x0] =	vst.idx.msk $0xffff, v3;
	v3 =	vld.idx.msk [tilespmem:v5+s2+$0x0], $0xffff;
	v5 =	vor.u32 v40, v48  }
0xc3: {  	v62 =	vor.u32 v41, v48;
	v7 =	vld.idx.msk [tilespmem:v7+s2+$0x0], $0xffff;
	[tilespmem:v11+s14+$0x0] =	vst.idx.msk $0xffff, v9  }
0xc4: {  	v9 =	vor.u32 v38, v48;
	v11 =	vld.idx.msk [tilespmem:v16+s2+$0x0], $0xffff;
	[tilespmem:v60+s14+$0x0] =	vst.idx.msk $0xffff, v61  }
0xc5: {  	v63 =	vld.idx.msk [tilespmem:v18+s2+$0x0], $0xffff;
	[tilespmem:v17+s14+$0x0] =	vst.idx.msk $0xffff, v1;
	v1 =	vor.u32 v39, v48  }
0xc6: {  	[tilespmem:v59+s14+$0x0] =	vst.idx.msk $0xffff, v58  }
0xc7: {  	[tilespmem:v5+s14+$0x0] =	vst.idx.msk $0xffff, v3  }
0xc8: {  	s24 =	sadd.s32 $0x2, s24;
	[tilespmem:v62+s14+$0x0] =	vst.idx.msk $0xffff, v7  }
.Ltmp9:
0xc9: {  	s25 =	sshll.u32 s22, $0x11;
	p3 =	sge.u32 s24, s3;
	[tilespmem:v9+s14+$0x0] =	vst.idx.msk $0xffff, v11;
	(pc) =	sbr.rel @p2 .LBB2_20-.Ltmp9, $4  }
0xca: {  	s25 =	sadd.s32 s25, s5;
	s24 =	sshll.u32 @!p3 s24, $0xE;
	s26 =	simm.s32 @!p3 $0x7A1400;
	[tilespmem:v1+s14+$0x0] =	vst.idx.msk $0xffff, v63  }
0xcb: {  	[hbm4b:s25+s2] =	stream.linear.scatter [tilespmem:s14], [sflag:$0x3], $0x4000, $0x38;
	[tilespmem:$0x10000] =	vst v63  }
0xcc: {  	s28 =	simm.s32 @!p3 $0x0;
	s24 =	sadd.s32 @!p3 s24, s4;
	s25 =	simm.s32 @!p3 $0x1000  }
0xcd: {  	[tilespmem:s28], [sflag:$0x1] =	stream.strided.gather @!p3 [hbm4b:s24+s25], $0x4000, s26, s25, $0x38;
	[tilespmem:$0x10000] =	vst v63  }
0xce: {  	s24 =	simm.s32 $0x0  }
0xcf: {  	v1 =	vadd.s32 s24, v0  }
0xd0: {  	v3 =	vshll.u32 v1, $0x9;
	v5 =	vshll.u32 v1, $0x7  }
0xd1: {  	_ =	swait.ge [sflag:s15], $0x4000;
	v3 =	vand.u32 $0x3000, v3;
	v5 =	vand.u32 $0x380, v5  }
0xd2: {  	[sflag:s15] =	ssyncset.done $0x0;
	[tilespmem:$0x1FE90] =	vst v3;
	v3 =	vor.u32 v5, v3  }
0xd3: {  	s24 =	simm.s32 @!p1 $0x4;
	[sflag:s15] =	ssyncadd.s32 $0xFFFFC000;
	[tilespmem:$0x1FEA0] =	vst v5;
	v5 =	vor.u32 v0, v3  }
0xd4: {  	v7 =	vor.u32 v14, v3;
	_ =	swait.ge @!p1 [sflag:s24], $0x4000  }
0xd5: {  	v9 =	vor.u32 v2, v3;
	v17 =	vld [tilespmem:$0x1FF90]  }
0xd6: {  	v25 =	vand.u32 $0x1F, v1;
	v1 =	vor.u32 v10, v3;
	[sflag:s24] =	ssyncset.done @!p1 $0x0;
	v18 =	vld [tilespmem:$0x1FFA0]  }
0xd7: {  	v16 =	vor.u32 v12, v3;
	v19 =	vld [tilespmem:$0x1FF40];
	[sflag:s24] =	ssyncadd.s32 @!p1 $0xFFFFC000  }
0xd8: {  	v11 =	vor.u32 v6, v3;
	v53 =	vld.idx.msk [tilespmem:v5+s16+$0x0], $0xffff  }
0xd9: {  	v24 =	vmov v13;
	v46 =	vor.u32 v22, v25;
	v58 =	vld.idx.msk [tilespmem:v7+s16+$0x0], $0xffff  }
0xda: {  	v47 =	vor.u32 v21, v25;
	v51 =	vor.u32 v23, v25;
	v43 =	vor.u32 v20, v25;
	s24 =	simm.s32 $0x1;
	v61 =	vld.idx.msk [tilespmem:v9+s16+$0x0], $0xffff  }
0xdb: {  	v13 =	vmovc v20;
	v49 =	vor.u32 v4, v3;
	v52 =	vor.u32 v8, v3;
	v3 =	vadd.s32 s24, v0;
	v59 =	vld.idx.msk [tilespmem:v1+s16+$0x0], $0xffff  }
0xdc: {  	v15 =	vmovc v22;
	v20 =	vmovc v21;
	v5 =	vshll.u32 v3, $0x9;
	v7 =	vshll.u32 v3, $0x7;
	v56 =	vld.idx.msk [tilespmem:v16+s16+$0x0], $0xffff;
	v60 =	vor.u32 v18, v25  }
0xdd: {  	v21 =	vmovc v23;
	v55 =	vmovc v25;
	v50 =	vand.u32 $0x1F, v3;
	v54 =	vld.idx.msk [tilespmem:v11+s16+$0x0], $0xffff;
	v3 =	vand.u32 $0x3000, v5;
	v5 =	vand.u32 $0x380, v7  }
0xde: {  	v48 =	vor.u32 v17, v25;
	v22 =	vmovc v17;
	v45 =	vor.u32 v19, v25;
	v63 =	vor.u32 v5, v3  }
0xdf: {  	s25 =	simm.s32 $0x8;
	v23 =	vmovc v18;
	v62 =	vor.u32 v0, v63;
	v57 =	vor.u32 v2, v63;
	v44 =	vor.u32 v14, v63  }
.LBB2_12:
0xe0: {  	s25 =	sadd.s32 $0x8, s25;
	v1 =	vor.u32 v6, v63;
	v3 =	vor.u32 v10, v63;
	v5 =	vld.idx.msk [tilespmem:v49+s16+$0x0], $0xffff;
	v49 =	vor.u32 v4, v63  }
0xe1: {  	v7 =	vor.u32 v12, v63;
	p1 =	slt.u32 s25, $0xF8;
	v9 =	vld.idx.msk [tilespmem:v52+s16+$0x0], $0xffff;
	v52 =	vor.u32 v8, v63;
	[tilespmem:v60+s17+$0x0] =	vst.idx.msk $0xffff, v58  }
0xe2: {  	v11 =	vor.u32 v22, v50;
	v16 =	vor.u32 v24, v55;
	v17 =	vmov v46;
	[tilespmem:v43+s17+$0x0] =	vst.idx.msk $0xffff, v61  }
0xe3: {  	v46 =	vor.u32 v15, v50;
	v55 =	vmov v50;
	[tilespmem:v45+s17+$0x0] =	vst.idx.msk $0xffff, v53  }
0xe4: {  	s24 =	sadd.s32 $0x1, s24;
	v18 =	vor.u32 v20, v55;
	v53 =	vld.idx.msk [tilespmem:v62+s16+$0x0], $0xffff;
	[tilespmem:v51+s17+$0x0] =	vst.idx.msk $0xffff, v59;
	v51 =	vor.u32 v21, v55  }
.Ltmp10:
0xe5: {  	v60 =	vor.u32 v23, v55;
	v43 =	vadd.s32 s24, v0;
	v58 =	vld.idx.msk [tilespmem:v44+s16+$0x0], $0xffff;
	[tilespmem:v48+s17+$0x0] =	vst.idx.msk $0xffff, v56;
	v48 =	vmov v11;
	(pc) =	sbr.rel @p1 .LBB2_12-.Ltmp10, $4  }
0xe6: {  	v50 =	vand.u32 $0x1F, v43;
	v11 =	vshll.u32 v43, $0x9;
	v43 =	vshll.u32 v43, $0x7;
	v61 =	vld.idx.msk [tilespmem:v57+s16+$0x0], $0xffff;
	[tilespmem:v47+s17+$0x0] =	vst.idx.msk $0xffff, v54;
	v47 =	vmovc v18  }
0xe7: {  	v11 =	vand.u32 $0x3000, v11;
	v18 =	vand.u32 $0x380, v43;
	v43 =	vor.u32 v13, v55;
	v59 =	vld.idx.msk [tilespmem:v3+s16+$0x0], $0xffff;
	[tilespmem:v17+s17+$0x0] =	vst.idx.msk $0xffff, v9  }
0xe8: {  	v45 =	vor.u32 v19, v55;
	v63 =	vor.u32 v18, v11;
	v56 =	vld.idx.msk [tilespmem:v7+s16+$0x0], $0xffff;
	[tilespmem:v16+s17+$0x0] =	vst.idx.msk $0xffff, v5  }
0xe9: {  	v62 =	vor.u32 v0, v63;
	v57 =	vor.u32 v2, v63;
	v44 =	vor.u32 v14, v63;
	v54 =	vld.idx.msk [tilespmem:v1+s16+$0x0], $0xffff  }
0xea: {  	_ =	sdelay $0x3  }
0xeb: {  	[tilespmem:v60+s17+$0x0] =	vst.idx.msk $0xffff, v58  }
0xec: {  	v1 =	vor.u32 v10, v63;
	v3 =	vld.idx.msk [tilespmem:v52+s16+$0x0], $0xffff;
	[tilespmem:v45+s17+$0x0] =	vst.idx.msk $0xffff, v53  }
0xed: {  	v5 =	vld.idx.msk [tilespmem:v49+s16+$0x0], $0xffff;
	v9 =	vor.u32 v24, v55;
	[tilespmem:v43+s17+$0x0] =	vst.idx.msk $0xffff, v61  }
0xee: {  	v7 =	vor.u32 v12, v63;
	v16 =	vld.idx.msk [tilespmem:v44+s16+$0x0], $0xffff;
	v17 =	vor.u32 v23, v50;
	[tilespmem:v51+s17+$0x0] =	vst.idx.msk $0xffff, v59  }
0xef: {  	v11 =	vor.u32 v6, v63;
	v57 =	vld.idx.msk [tilespmem:v57+s16+$0x0], $0xffff;
	v58 =	vor.u32 v13, v50;
	[tilespmem:v48+s17+$0x0] =	vst.idx.msk $0xffff, v56  }
0xf0: {  	v18 =	vor.u32 v8, v63;
	v60 =	vld.idx.msk [tilespmem:v62+s16+$0x0], $0xffff;
	v61 =	vor.u32 v19, v50;
	[tilespmem:v47+s17+$0x0] =	vst.idx.msk $0xffff, v54  }
0xf1: {  	v62 =	vor.u32 v21, v50;
	v59 =	vor.u32 v4, v63;
	v1 =	vld.idx.msk [tilespmem:v1+s16+$0x0], $0xffff;
	[tilespmem:v46+s17+$0x0] =	vst.idx.msk $0xffff, v3  }
0xf2: {  	[tilespmem:v9+s17+$0x0] =	vst.idx.msk $0xffff, v5  }
0xf3: {  	v3 =	vor.u32 v22, v50;
	v7 =	vld.idx.msk [tilespmem:v7+s16+$0x0], $0xffff;
	[tilespmem:v17+s17+$0x0] =	vst.idx.msk $0xffff, v16  }
0xf4: {  	v5 =	vor.u32 v20, v50;
	v9 =	vld.idx.msk [tilespmem:v11+s16+$0x0], $0xffff;
	[tilespmem:v58+s17+$0x0] =	vst.idx.msk $0xffff, v57  }
0xf5: {  	v11 =	vor.u32 v15, v50;
	v16 =	vld.idx.msk [tilespmem:v18+s16+$0x0], $0xffff;
	[tilespmem:v61+s17+$0x0] =	vst.idx.msk $0xffff, v60  }
0xf6: {  	v18 =	vor.u32 v24, v50;
	v17 =	vld.idx.msk [tilespmem:v59+s16+$0x0], $0xffff;
	[tilespmem:v62+s17+$0x0] =	vst.idx.msk $0xffff, v1  }
0xf7: {  	v1 =	vld [tilespmem:$0x1FE90]  }
0xf8: {  	v13 =	vld [tilespmem:$0x1FEA0];
	[tilespmem:v3+s17+$0x0] =	vst.idx.msk $0xffff, v7  }
0xf9: {  	v24 =	vld [tilespmem:$0x1FFB0];
	[tilespmem:v5+s17+$0x0] =	vst.idx.msk $0xffff, v9  }
0xfa: {  	[tilespmem:v11+s17+$0x0] =	vst.idx.msk $0xffff, v16  }
0xfb: {  	[tilespmem:v18+s17+$0x0] =	vst.idx.msk $0xffff, v17  }
0xfc: {  	v22 =	vld [tilespmem:$0x1FFD0]  }
0xfd: {  	v62 =	vld [tilespmem:$0x1FF20]  }
0xfe: {  	v20 =	vld [tilespmem:$0x1FEF0];
	v1 =	vor.u32 v1, v13  }
0xff: {  	v15 =	vld [tilespmem:$0x1FFC0];
	v3 =	vor.u32 $0x400, v1;
	v1 =	vor.u32 v24, v1  }
0x100: {  	v21 =	vld [tilespmem:$0x1FF00];
	v5 =	vor.u32 v2, v3  }
0x101: {  	s24 =	simm.s32 $0x1;
	v19 =	vld [tilespmem:$0x1FEE0];
	v7 =	vor.u32 v14, v3  }
0x102: {  	v17 =	vadd.s32 s24, v0;
	v13 =	vld [tilespmem:$0x1FF30];
	v9 =	vor.u32 v4, v3  }
0x103: {  	v63 =	vshll.u32 v17, $0x7;
	v23 =	vld [tilespmem:$0x1FF10];
	v16 =	vor.u32 v10, v3  }
0x104: {  	v48 =	vor.u32 v6, v3;
	v11 =	vor.u32 v8, v3;
	v3 =	vor.u32 v12, v3;
	v1 =	vld.idx.msk [tilespmem:v1+s16+$0x0], $0xffff  }
0x105: {  	v44 =	vor.u32 v22, v25;
	v45 =	vor.u32 v62, v25;
	v18 =	vor.u32 v15, v25;
	v50 =	vld.idx.msk [tilespmem:v5+s16+$0x0], $0xffff  }
0x106: {  	v47 =	vor.u32 v20, v25;
	v49 =	vor.u32 v21, v25;
	v5 =	vshll.u32 v17, $0x9;
	v54 =	vld.idx.msk [tilespmem:v7+s16+$0x0], $0xffff  }
0x107: {  	v57 =	vor.u32 v13, v25;
	v7 =	vand.u32 $0x380, v63;
	v51 =	vld.idx.msk [tilespmem:v9+s16+$0x0], $0xffff;
	v5 =	vand.u32 $0x3000, v5  }
0x108: {  	v58 =	vor.u32 v19, v25;
	v59 =	vor.u32 v23, v25;
	v55 =	vld.idx.msk [tilespmem:v16+s16+$0x0], $0xffff;
	v5 =	vor.u32 v5, v7  }
0x109: {  	v46 =	vand.u32 $0x1F, v17;
	v25 =	vmovc v22;
	v22 =	vmovc v62;
	v53 =	vld.idx.msk [tilespmem:v3+s16+$0x0], $0xffff;
	v60 =	vor.u32 $0x400, v5;
	v61 =	vor.u32 v24, v5  }
0x10a: {  	s25 =	simm.s32 $0x8;
	v43 =	vld.idx.msk [tilespmem:v11+s16+$0x0], $0xffff;
	v56 =	vor.u32 v2, v60;
	v52 =	vor.u32 v4, v60;
	[tilespmem:v18+s17+$0x0] =	vst.idx.msk $0xffff, v1  }
.LBB2_14:
0x10b: {  	s25 =	sadd.s32 $0x8, s25;
	v1 =	vor.u32 v8, v60;
	v3 =	vor.u32 v14, v60;
	v5 =	vld.idx.msk [tilespmem:v48+s16+$0x0], $0xffff;
	v48 =	vor.u32 v6, v60  }
0x10c: {  	v7 =	vor.u32 v10, v60;
	v9 =	vor.u32 v12, v60;
	v11 =	vmov v49;
	p1 =	slt.u32 s25, $0xF8;
	[tilespmem:v57+s17+$0x0] =	vst.idx.msk $0xffff, v54  }
0x10d: {  	v16 =	vor.u32 v25, v46;
	v17 =	vor.u32 v22, v46;
	v18 =	vmov v46;
	[tilespmem:v58+s17+$0x0] =	vst.idx.msk $0xffff, v50  }
0x10e: {  	s24 =	sadd.s32 $0x1, s24;
	v46 =	vor.u32 v20, v18;
	v49 =	vor.u32 v21, v18;
	v62 =	vld.idx.msk [tilespmem:v61+s16+$0x0], $0xffff;
	[tilespmem:v59+s17+$0x0] =	vst.idx.msk $0xffff, v55  }
0x10f: {  	v54 =	vadd.s32 s24, v0;
	v63 =	vor.u32 v15, v18;
	v50 =	vld.idx.msk [tilespmem:v56+s16+$0x0], $0xffff;
	[tilespmem:v47+s17+$0x0] =	vst.idx.msk $0xffff, v51;
	v47 =	vmov v46  }
.Ltmp11:
0x110: {  	v55 =	vshll.u32 v54, $0x7;
	v46 =	vand.u32 $0x1F, v54;
	v51 =	vshll.u32 v54, $0x9;
	v54 =	vld.idx.msk [tilespmem:v3+s16+$0x0], $0xffff;
	[tilespmem:v45+s17+$0x0] =	vst.idx.msk $0xffff, v53;
	v45 =	vmovc v17;
	(pc) =	sbr.rel @p1 .LBB2_14-.Ltmp11, $4  }
0x111: {  	v57 =	vor.u32 v13, v18;
	v3 =	vand.u32 $0x3000, v51;
	v17 =	vand.u32 $0x380, v55;
	v51 =	vld.idx.msk [tilespmem:v52+s16+$0x0], $0xffff;
	[tilespmem:v11+s17+$0x0] =	vst.idx.msk $0xffff, v5  }
0x112: {  	v58 =	vor.u32 v19, v18;
	v3 =	vor.u32 v3, v17;
	v55 =	vld.idx.msk [tilespmem:v7+s16+$0x0], $0xffff;
	[tilespmem:v44+s17+$0x0] =	vst.idx.msk $0xffff, v43  }
0x113: {  	v59 =	vor.u32 v23, v18;
	v60 =	vor.u32 $0x400, v3;
	v61 =	vor.u32 v24, v3;
	v44 =	vmovc v16;
	v53 =	vld.idx.msk [tilespmem:v9+s16+$0x0], $0xffff  }
0x114: {  	v56 =	vor.u32 v2, v60;
	v52 =	vor.u32 v4, v60;
	[tilespmem:v63+s17+$0x0] =	vst.idx.msk $0xffff, v62;
	v43 =	vld.idx.msk [tilespmem:v1+s16+$0x0], $0xffff  }
0x115: {  	_ =	sdelay $0x3  }
0x116: {  	v1 =	vor.u32 v14, v60;
	[tilespmem:v57+s17+$0x0] =	vst.idx.msk $0xffff, v54  }
0x117: {  	v3 =	vld.idx.msk [tilespmem:v48+s16+$0x0], $0xffff;
	v5 =	vor.u32 v10, v60;
	[tilespmem:v58+s17+$0x0] =	vst.idx.msk $0xffff, v50  }
0x118: {  	v7 =	vor.u32 v12, v60;
	v9 =	vld.idx.msk [tilespmem:v61+s16+$0x0], $0xffff;
	v11 =	vor.u32 v15, v46;
	[tilespmem:v47+s17+$0x0] =	vst.idx.msk $0xffff, v51  }
0x119: {  	v16 =	vor.u32 v6, v60;
	v57 =	vld.idx.msk [tilespmem:v56+s16+$0x0], $0xffff;
	v58 =	vor.u32 v19, v46;
	[tilespmem:v59+s17+$0x0] =	vst.idx.msk $0xffff, v55  }
0x11a: {  	v18 =	vor.u32 v8, v60;
	v60 =	vld.idx.msk [tilespmem:v52+s16+$0x0], $0xffff;
	v59 =	vor.u32 v20, v46;
	[tilespmem:v45+s17+$0x0] =	vst.idx.msk $0xffff, v53  }
0x11b: {  	v17 =	vor.u32 v13, v46;
	[tilespmem:v44+s17+$0x0] =	vst.idx.msk $0xffff, v43;
	v1 =	vld.idx.msk [tilespmem:v1+s16+$0x0], $0xffff  }
0x11c: {  	[tilespmem:v49+s17+$0x0] =	vst.idx.msk $0xffff, v3;
	v3 =	vld.idx.msk [tilespmem:v5+s16+$0x0], $0xffff;
	v5 =	vor.u32 v23, v46  }
0x11d: {  	[tilespmem:v11+s17+$0x0] =	vst.idx.msk $0xffff, v9  }
0x11e: {  	[tilespmem:v58+s17+$0x0] =	vst.idx.msk $0xffff, v57  }
0x11f: {  	[tilespmem:v59+s17+$0x0] =	vst.idx.msk $0xffff, v60  }
0x120: {  	s24 =	simm.s32 $0x0;
	[tilespmem:v17+s17+$0x0] =	vst.idx.msk $0xffff, v1  }
0x121: {  	v9 =	vadd.s32 s24, v0;
	[tilespmem:v5+s17+$0x0] =	vst.idx.msk $0xffff, v3  }
0x122: {  	v62 =	vor.u32 v25, v46;
	v1 =	vshll.u32 v9, $0x9;
	v17 =	vshll.u32 v9, $0x7;
	v25 =	vld [tilespmem:$0x1FFF0]  }
0x123: {  	v61 =	vor.u32 v22, v46;
	v7 =	vld.idx.msk [tilespmem:v7+s16+$0x0], $0xffff;
	v1 =	vand.u32 $0x3000, v1;
	v17 =	vand.u32 $0x380, v17  }
0x124: {  	v11 =	vor.u32 v21, v46;
	v16 =	vld.idx.msk [tilespmem:v16+s16+$0x0], $0xffff;
	v20 =	vor.u32 v1, v17  }
0x125: {  	v18 =	vld.idx.msk [tilespmem:v18+s16+$0x0], $0xffff;
	v1 =	vor.u32 $0x800, v20  }
0x126: {  	v5 =	vor.u32 v2, v1  }
0x127: {  	v3 =	vor.u32 v25, v20  }
0x128: {  	v19 =	vand.u32 $0x1F, v9;
	[tilespmem:v61+s17+$0x0] =	vst.idx.msk $0xffff, v7;
	v7 =	vor.u32 v14, v1  }
0x129: {  	v45 =	vor.u32 v30, v19;
	[tilespmem:v11+s17+$0x0] =	vst.idx.msk $0xffff, v16;
	v9 =	vor.u32 v4, v1  }
0x12a: {  	v46 =	vor.u32 v32, v19;
	[tilespmem:v62+s17+$0x0] =	vst.idx.msk $0xffff, v18;
	v16 =	vor.u32 v10, v1  }
0x12b: {  	s24 =	simm.s32 $0x1;
	v48 =	vor.u32 v6, v1;
	v11 =	vor.u32 v8, v1;
	v1 =	vor.u32 v12, v1;
	v51 =	vld.idx.msk [tilespmem:v5+s16+$0x0], $0xffff  }
0x12c: {  	v47 =	vor.u32 v28, v19;
	v18 =	vor.u32 v26, v19;
	v17 =	vadd.s32 s24, v0;
	v3 =	vld.idx.msk [tilespmem:v3+s16+$0x0], $0xffff  }
0x12d: {  	v50 =	vor.u32 v29, v19;
	v63 =	vshll.u32 v17, $0x7;
	v5 =	vshll.u32 v17, $0x9;
	v56 =	vld.idx.msk [tilespmem:v7+s16+$0x0], $0xffff  }
0x12e: {  	v59 =	vor.u32 v33, v19;
	v7 =	vand.u32 $0x380, v63;
	v52 =	vld.idx.msk [tilespmem:v9+s16+$0x0], $0xffff;
	v5 =	vand.u32 $0x3000, v5  }
0x12f: {  	v60 =	vor.u32 v27, v19;
	v61 =	vor.u32 v31, v19;
	v57 =	vld.idx.msk [tilespmem:v16+s16+$0x0], $0xffff;
	v5 =	vor.u32 v5, v7  }
0x130: {  	v49 =	vand.u32 $0x1F, v17;
	v55 =	vld.idx.msk [tilespmem:v1+s16+$0x0], $0xffff;
	v62 =	vor.u32 $0x800, v5;
	v63 =	vor.u32 v25, v5  }
0x131: {  	s25 =	simm.s32 $0x8;
	v53 =	vld.idx.msk [tilespmem:v11+s16+$0x0], $0xffff;
	v58 =	vor.u32 v2, v62;
	v54 =	vor.u32 v4, v62;
	[tilespmem:v18+s17+$0x0] =	vst.idx.msk $0xffff, v3  }
.LBB2_16:
0x132: {  	s25 =	sadd.s32 $0x8, s25;
	v1 =	vor.u32 v8, v62;
	v3 =	vor.u32 v14, v62;
	v5 =	vld.idx.msk [tilespmem:v48+s16+$0x0], $0xffff;
	v48 =	vor.u32 v6, v62  }
0x133: {  	v7 =	vor.u32 v10, v62;
	v9 =	vor.u32 v12, v62;
	v11 =	vmov v50;
	p1 =	slt.u32 s25, $0xF8;
	[tilespmem:v59+s17+$0x0] =	vst.idx.msk $0xffff, v56  }
0x134: {  	v16 =	vor.u32 v30, v49;
	v17 =	vor.u32 v32, v49;
	v18 =	vmov v49;
	[tilespmem:v60+s17+$0x0] =	vst.idx.msk $0xffff, v51  }
0x135: {  	s24 =	sadd.s32 $0x1, s24;
	v49 =	vor.u32 v28, v18;
	v50 =	vor.u32 v29, v18;
	v44 =	vld.idx.msk [tilespmem:v63+s16+$0x0], $0xffff;
	[tilespmem:v61+s17+$0x0] =	vst.idx.msk $0xffff, v57  }
0x136: {  	v56 =	vadd.s32 s24, v0;
	v43 =	vor.u32 v26, v18;
	v51 =	vld.idx.msk [tilespmem:v58+s16+$0x0], $0xffff;
	[tilespmem:v47+s17+$0x0] =	vst.idx.msk $0xffff, v52;
	v47 =	vmov v49  }
.Ltmp12:
0x137: {  	v57 =	vshll.u32 v56, $0x7;
	v49 =	vand.u32 $0x1F, v56;
	v52 =	vshll.u32 v56, $0x9;
	v56 =	vld.idx.msk [tilespmem:v3+s16+$0x0], $0xffff;
	[tilespmem:v46+s17+$0x0] =	vst.idx.msk $0xffff, v55;
	v46 =	vmovc v17;
	(pc) =	sbr.rel @p1 .LBB2_16-.Ltmp12, $4  }
0x138: {  	v59 =	vor.u32 v33, v18;
	v3 =	vand.u32 $0x3000, v52;
	v17 =	vand.u32 $0x380, v57;
	v52 =	vld.idx.msk [tilespmem:v54+s16+$0x0], $0xffff;
	[tilespmem:v11+s17+$0x0] =	vst.idx.msk $0xffff, v5  }
0x139: {  	v60 =	vor.u32 v27, v18;
	v3 =	vor.u32 v3, v17;
	v57 =	vld.idx.msk [tilespmem:v7+s16+$0x0], $0xffff;
	[tilespmem:v45+s17+$0x0] =	vst.idx.msk $0xffff, v53  }
0x13a: {  	v61 =	vor.u32 v31, v18;
	v62 =	vor.u32 $0x800, v3;
	v63 =	vor.u32 v25, v3;
	v45 =	vmovc v16;
	v55 =	vld.idx.msk [tilespmem:v9+s16+$0x0], $0xffff  }
0x13b: {  	v58 =	vor.u32 v2, v62;
	v54 =	vor.u32 v4, v62;
	[tilespmem:v43+s17+$0x0] =	vst.idx.msk $0xffff, v44;
	v53 =	vld.idx.msk [tilespmem:v1+s16+$0x0], $0xffff  }
0x13c: {  	_ =	sdelay $0x2  }
0x13d: {  	v1 =	vor.u32 v14, v62  }
0x13e: {  	v3 =	vld.idx.msk [tilespmem:v48+s16+$0x0], $0xffff;
	v5 =	vor.u32 v10, v62;
	[tilespmem:v59+s17+$0x0] =	vst.idx.msk $0xffff, v56  }
0x13f: {  	[tilespmem:v60+s17+$0x0] =	vst.idx.msk $0xffff, v51;
	v7 =	vor.u32 v12, v62  }
0x140: {  	v9 =	vld.idx.msk [tilespmem:v63+s16+$0x0], $0xffff;
	v11 =	vor.u32 v26, v49;
	v16 =	vor.u32 v6, v62;
	[tilespmem:v47+s17+$0x0] =	vst.idx.msk $0xffff, v52  }
0x141: {  	v43 =	vld.idx.msk [tilespmem:v58+s16+$0x0], $0xffff;
	v44 =	vor.u32 v27, v49;
	[tilespmem:v61+s17+$0x0] =	vst.idx.msk $0xffff, v57  }
0x142: {  	v17 =	vor.u32 v33, v49;
	v18 =	vor.u32 v8, v62;
	[tilespmem:v46+s17+$0x0] =	vst.idx.msk $0xffff, v55;
	v1 =	vld.idx.msk [tilespmem:v1+s16+$0x0], $0xffff  }
0x143: {  	[tilespmem:v50+s17+$0x0] =	vst.idx.msk $0xffff, v3;
	v3 =	vld.idx.msk [tilespmem:v5+s16+$0x0], $0xffff;
	v5 =	vor.u32 v31, v49  }
0x144: {  	v59 =	vor.u32 v32, v49;
	[tilespmem:v45+s17+$0x0] =	vst.idx.msk $0xffff, v53;
	v7 =	vld.idx.msk [tilespmem:v7+s16+$0x0], $0xffff  }
0x145: {  	[tilespmem:v11+s17+$0x0] =	vst.idx.msk $0xffff, v9;
	v9 =	vor.u32 v29, v49;
	v11 =	vld.idx.msk [tilespmem:v16+s16+$0x0], $0xffff  }
0x146: {  	v58 =	vld.idx.msk [tilespmem:v54+s16+$0x0], $0xffff;
	v57 =	vor.u32 v28, v49;
	[tilespmem:v44+s17+$0x0] =	vst.idx.msk $0xffff, v43  }
0x147: {  	v60 =	vld.idx.msk [tilespmem:v18+s16+$0x0], $0xffff;
	[tilespmem:v17+s17+$0x0] =	vst.idx.msk $0xffff, v1;
	v1 =	vor.u32 v30, v49  }
0x148: {  	[tilespmem:v5+s17+$0x0] =	vst.idx.msk $0xffff, v3;
	v3 =	vor.u32 $0xC00, v20;
	v5 =	vor.u32 v34, v20  }
0x149: {  	[tilespmem:v59+s17+$0x0] =	vst.idx.msk $0xffff, v7;
	v7 =	vor.u32 v2, v3  }
0x14a: {  	[tilespmem:v9+s17+$0x0] =	vst.idx.msk $0xffff, v11;
	v9 =	vor.u32 v14, v3  }
0x14b: {  	[tilespmem:v57+s17+$0x0] =	vst.idx.msk $0xffff, v58;
	v61 =	vor.u32 v10, v3  }
0x14c: {  	v11 =	vor.u32 v8, v3;
	[tilespmem:v1+s17+$0x0] =	vst.idx.msk $0xffff, v60  }
0x14d: {  	v1 =	vor.u32 v4, v3;
	v5 =	vld.idx.msk [tilespmem:v5+s16+$0x0], $0xffff  }
0x14e: {  	v18 =	vor.u32 v35, v19;
	v47 =	vor.u32 v6, v3;
	v3 =	vor.u32 v12, v3;
	v50 =	vld.idx.msk [tilespmem:v7+s16+$0x0], $0xffff  }
0x14f: {  	v54 =	vld.idx.msk [tilespmem:v9+s16+$0x0], $0xffff  }
0x150: {  	v55 =	vld.idx.msk [tilespmem:v61+s16+$0x0], $0xffff  }
0x151: {  	s24 =	simm.s32 $0x1;
	v43 =	vld.idx.msk [tilespmem:v11+s16+$0x0], $0xffff  }
0x152: {  	v62 =	vadd.s32 s24, v0;
	v51 =	vld.idx.msk [tilespmem:v1+s16+$0x0], $0xffff  }
0x153: {  	v63 =	vshll.u32 v62, $0x7;
	v48 =	vand.u32 $0x1F, v62;
	v53 =	vld.idx.msk [tilespmem:v3+s16+$0x0], $0xffff;
	[tilespmem:v18+s17+$0x0] =	vst.idx.msk $0xffff, v5  }
0x154: {  	v46 =	vor.u32 v37, v19;
	v45 =	vor.u32 v41, v19;
	v7 =	vshll.u32 v62, $0x9;
	v20 =	vld [tilespmem:$0x1FF50]  }
0x155: {  	v57 =	vor.u32 v42, v19;
	v9 =	vand.u32 $0x380, v63;
	v7 =	vand.u32 $0x3000, v7;
	v21 =	vld [tilespmem:$0x1FF60]  }
0x156: {  	v44 =	vor.u32 v39, v19;
	v58 =	vor.u32 v36, v19;
	v1 =	vor.u32 v7, v9;
	v13 =	vld [tilespmem:$0x1FFE0]  }
0x157: {  	v59 =	vor.u32 v40, v19;
	v60 =	vor.u32 $0xC00, v1;
	v61 =	vor.u32 v34, v1;
	v22 =	vld [tilespmem:$0x1FF70]  }
0x158: {  	s25 =	simm.s32 $0x8;
	v49 =	vor.u32 v38, v19;
	v56 =	vor.u32 v2, v60;
	v52 =	vor.u32 v4, v60;
	v23 =	vld [tilespmem:$0x1FF80]  }
.LBB2_18:
0x159: {  	s25 =	sadd.s32 $0x8, s25;
	v1 =	vor.u32 v8, v60;
	v3 =	vor.u32 v14, v60;
	v5 =	vld.idx.msk [tilespmem:v47+s16+$0x0], $0xffff;
	v47 =	vor.u32 v6, v60  }
0x15a: {  	v7 =	vor.u32 v10, v60;
	v9 =	vor.u32 v12, v60;
	v11 =	vmov v49;
	p1 =	slt.u32 s25, $0xF8;
	[tilespmem:v57+s17+$0x0] =	vst.idx.msk $0xffff, v54  }
0x15b: {  	v16 =	vor.u32 v39, v48;
	v17 =	vor.u32 v41, v48;
	v18 =	vmov v48;
	[tilespmem:v58+s17+$0x0] =	vst.idx.msk $0xffff, v50  }
0x15c: {  	s24 =	sadd.s32 $0x1, s24;
	v48 =	vor.u32 v37, v18;
	v49 =	vor.u32 v38, v18;
	v62 =	vld.idx.msk [tilespmem:v61+s16+$0x0], $0xffff;
	[tilespmem:v59+s17+$0x0] =	vst.idx.msk $0xffff, v55  }
0x15d: {  	v54 =	vadd.s32 s24, v0;
	v63 =	vor.u32 v35, v18;
	v50 =	vld.idx.msk [tilespmem:v56+s16+$0x0], $0xffff;
	[tilespmem:v46+s17+$0x0] =	vst.idx.msk $0xffff, v51;
	v46 =	vmov v48  }
.Ltmp13:
0x15e: {  	v55 =	vshll.u32 v54, $0x7;
	v48 =	vand.u32 $0x1F, v54;
	v51 =	vshll.u32 v54, $0x9;
	v54 =	vld.idx.msk [tilespmem:v3+s16+$0x0], $0xffff;
	[tilespmem:v45+s17+$0x0] =	vst.idx.msk $0xffff, v53;
	v45 =	vmovc v17;
	(pc) =	sbr.rel @p1 .LBB2_18-.Ltmp13, $4  }
0x15f: {  	v57 =	vor.u32 v42, v18;
	v3 =	vand.u32 $0x3000, v51;
	v17 =	vand.u32 $0x380, v55;
	v51 =	vld.idx.msk [tilespmem:v52+s16+$0x0], $0xffff;
	[tilespmem:v11+s17+$0x0] =	vst.idx.msk $0xffff, v5  }
0x160: {  	v58 =	vor.u32 v36, v18;
	v3 =	vor.u32 v3, v17;
	v55 =	vld.idx.msk [tilespmem:v7+s16+$0x0], $0xffff;
	[tilespmem:v44+s17+$0x0] =	vst.idx.msk $0xffff, v43  }
0x161: {  	v59 =	vor.u32 v40, v18;
	v60 =	vor.u32 $0xC00, v3;
	v61 =	vor.u32 v34, v3;
	v44 =	vmovc v16;
	v53 =	vld.idx.msk [tilespmem:v9+s16+$0x0], $0xffff  }
0x162: {  	v56 =	vor.u32 v2, v60;
	v52 =	vor.u32 v4, v60;
	[tilespmem:v63+s17+$0x0] =	vst.idx.msk $0xffff, v62;
	v43 =	vld.idx.msk [tilespmem:v1+s16+$0x0], $0xffff  }
0x163: {  	_ =	sdelay $0x2  }
0x164: {  	v1 =	vor.u32 v14, v60  }
0x165: {  	[tilespmem:v57+s17+$0x0] =	vst.idx.msk $0xffff, v54  }
0x166: {  	v3 =	vld.idx.msk [tilespmem:v47+s16+$0x0], $0xffff;
	v5 =	vor.u32 v10, v60;
	[tilespmem:v58+s17+$0x0] =	vst.idx.msk $0xffff, v50;
	v7 =	vor.u32 v12, v60  }
0x167: {  	v9 =	vld.idx.msk [tilespmem:v61+s16+$0x0], $0xffff;
	v11 =	vor.u32 v35, v48;
	v16 =	vor.u32 v6, v60;
	[tilespmem:v46+s17+$0x0] =	vst.idx.msk $0xffff, v51  }
0x168: {  	v18 =	vor.u32 v8, v60;
	v60 =	vor.u32 v37, v48;
	v61 =	vld.idx.msk [tilespmem:v52+s16+$0x0], $0xffff;
	[tilespmem:v59+s17+$0x0] =	vst.idx.msk $0xffff, v55  }
0x169: {  	v17 =	vor.u32 v42, v48;
	[tilespmem:v45+s17+$0x0] =	vst.idx.msk $0xffff, v53;
	v1 =	vld.idx.msk [tilespmem:v1+s16+$0x0], $0xffff  }
0x16a: {  	v58 =	vld.idx.msk [tilespmem:v56+s16+$0x0], $0xffff;
	v59 =	vor.u32 v36, v48;
	[tilespmem:v44+s17+$0x0] =	vst.idx.msk $0xffff, v43  }
0x16b: {  	[tilespmem:v49+s17+$0x0] =	vst.idx.msk $0xffff, v3;
	v3 =	vld.idx.msk [tilespmem:v5+s16+$0x0], $0xffff;
	v5 =	vor.u32 v40, v48  }
0x16c: {  	v62 =	vor.u32 v41, v48;
	v7 =	vld.idx.msk [tilespmem:v7+s16+$0x0], $0xffff;
	[tilespmem:v11+s17+$0x0] =	vst.idx.msk $0xffff, v9  }
0x16d: {  	v9 =	vor.u32 v38, v48;
	v11 =	vld.idx.msk [tilespmem:v16+s16+$0x0], $0xffff;
	[tilespmem:v60+s17+$0x0] =	vst.idx.msk $0xffff, v61  }
0x16e: {  	v63 =	vld.idx.msk [tilespmem:v18+s16+$0x0], $0xffff;
	[tilespmem:v17+s17+$0x0] =	vst.idx.msk $0xffff, v1;
	v1 =	vor.u32 v39, v48  }
0x16f: {  	[tilespmem:v59+s17+$0x0] =	vst.idx.msk $0xffff, v58  }
.Ltmp14:
0x170: {  	[tilespmem:v5+s17+$0x0] =	vst.idx.msk $0xffff, v3;
	(pc) =	sbr.rel .LBB2_20-.Ltmp14, $4  }
0x171: {  	[tilespmem:v62+s17+$0x0] =	vst.idx.msk $0xffff, v7  }
0x172: {  	s23 =	sshll.u32 s23, $0x10;
	[tilespmem:v9+s17+$0x0] =	vst.idx.msk $0xffff, v11  }
0x173: {  	s23 =	sadd.s32 s23, s5;
	[tilespmem:v1+s17+$0x0] =	vst.idx.msk $0xffff, v63  }
0x174: {  	[hbm4b:s23+s2] =	stream.linear.scatter [tilespmem:s17], [sflag:$0x4], $0x4000, $0x38;
	[tilespmem:$0x10000] =	vst v63  }
.LBB2_22:
0x175: {  	s22 =	simm.s32 $0x0  }
0x176: {  	[tilespmem:s22], [sflag:$0x5] =	stream.linear.gather [hbm4b:s6+s22], $0x400, $0x38;
	[tilespmem:$0x10000] =	vst v63  }
0x177: {  	s23 =	sadd.s32 $0xF4280, s6;
	v1 =	vadd.s32 s22, v0  }
0x178: {  	v3 =	vshll.u32 v1, $0x9;
	v5 =	vshll.u32 v1, $0x7;
	[tilespmem:s11], [sflag:$0x5] =	stream.linear.gather [hbm4b:s23+s22], $0x400, $0x38;
	[tilespmem:$0x10000] =	vst v63  }
0x179: {  	s30 =	sadd.s32 $0x1E8500, s6;
	v3 =	vand.u32 $0x3000, v3;
	v5 =	vand.u32 $0x380, v5  }
0x17a: {  	v3 =	vor.u32 v5, v3;
	[tilespmem:s18], [sflag:$0x5] =	stream.linear.gather [hbm4b:s30+s22], $0x400, $0x38;
	[tilespmem:$0x10000] =	vst v63  }
0x17b: {  	s31 =	sadd.s32 $0x2DC780, s6;
	v5 =	vor.u32 v0, v3  }
0x17c: {  	v7 =	vor.u32 v14, v3;
	[tilespmem:s19], [sflag:$0x5] =	stream.linear.gather [hbm4b:s31+s22], $0x400, $0x38;
	[tilespmem:$0x10000] =	vst v63  }
0x17d: {  	v9 =	vor.u32 v2, v3;
	_ =	swait.ge [sflag:s20], $0x1000  }
0x17e: {  	v46 =	vand.u32 $0x1F, v1;
	v1 =	vor.u32 v10, v3;
	[sflag:s20] =	ssyncset.done $0x0  }
0x17f: {  	v45 =	vor.u32 v57, v46;
	v43 =	vor.u32 v22, v46;
	v16 =	vor.u32 v12, v3;
	[sflag:s20] =	ssyncadd.s32 $0xFFFFF000  }
0x180: {  	v44 =	vor.u32 v21, v46;
	v49 =	vor.u32 v23, v46;
	v11 =	vor.u32 v6, v3;
	s22 =	simm.s32 $0x1;
	v51 =	vld.idx.msk [tilespmem:v5+s2+$0x0], $0xffff  }
0x181: {  	v47 =	vor.u32 v4, v3;
	v50 =	vor.u32 v8, v3;
	v3 =	vadd.s32 s22, v0;
	v55 =	vld.idx.msk [tilespmem:v7+s2+$0x0], $0xffff  }
0x182: {  	v19 =	vmovc v58;
	v57 =	vor.u32 v58, v46;
	v5 =	vshll.u32 v3, $0x9;
	v7 =	vshll.u32 v3, $0x7;
	v58 =	vld.idx.msk [tilespmem:v9+s2+$0x0], $0xffff  }
0x183: {  	v15 =	vmovc v17;
	v48 =	vand.u32 $0x1F, v3;
	v56 =	vld.idx.msk [tilespmem:v1+s2+$0x0], $0xffff;
	v3 =	vand.u32 $0x3000, v5;
	v5 =	vand.u32 $0x380, v7  }
0x184: {  	v63 =	vor.u32 v20, v46;
	v62 =	vor.u32 v17, v46;
	v53 =	vld.idx.msk [tilespmem:v16+s2+$0x0], $0xffff;
	v60 =	vor.u32 v5, v3  }
0x185: {  	s23 =	simm.s32 $0x8;
	v52 =	vld.idx.msk [tilespmem:v11+s2+$0x0], $0xffff;
	v59 =	vor.u32 v0, v60;
	v54 =	vor.u32 v2, v60;
	v61 =	vor.u32 v14, v60  }
.LBB2_23:
0x186: {  	_ = 	snop  }
0x187: {  	v1 =	vor.u32 v6, v60;
	v5 =	vld.idx.msk [tilespmem:v47+s2+$0x0], $0xffff  }
0x188: {  	v3 =	vor.u32 v10, v60;
	v47 =	vor.u32 v4, v60;
	v11 =	vld [tilespmem:$0x1FF90];
	[tilespmem:v57+s14+$0x0] =	vst.idx.msk $0xffff, v55  }
0x189: {  	v7 =	vor.u32 v12, v60;
	v9 =	vld.idx.msk [tilespmem:v50+s2+$0x0], $0xffff;
	v17 =	vmov v43;
	[tilespmem:v63+s14+$0x0] =	vst.idx.msk $0xffff, v58  }
0x18a: {  	v50 =	vor.u32 v8, v60;
	v16 =	vor.u32 v13, v46;
	v46 =	vmov v48;
	[tilespmem:v62+s14+$0x0] =	vst.idx.msk $0xffff, v51  }
0x18b: {  	s23 =	sadd.s32 $0x8, s23;
	v43 =	vor.u32 v22, v48;
	s22 =	sadd.s32 $0x1, s22;
	v18 =	vor.u32 v21, v46;
	[tilespmem:v49+s14+$0x0] =	vst.idx.msk $0xffff, v56  }
0x18c: {  	p1 =	slt.u32 s23, $0xF8;
	v49 =	vor.u32 v23, v46;
	v62 =	vadd.s32 s22, v0;
	[tilespmem:v45+s14+$0x0] =	vst.idx.msk $0xffff, v53;
	v51 =	vld.idx.msk [tilespmem:v59+s2+$0x0], $0xffff  }
.Ltmp15:
0x18d: {  	v57 =	vor.u32 v19, v46;
	[tilespmem:v44+s14+$0x0] =	vst.idx.msk $0xffff, v52;
	v11 =	vor.u32 v11, v48;
	v55 =	vld.idx.msk [tilespmem:v61+s2+$0x0], $0xffff;
	(pc) =	sbr.rel @p1 .LBB2_23-.Ltmp15, $4  }
0x18e: {  	v63 =	vshll.u32 v62, $0x7;
	v58 =	vld.idx.msk [tilespmem:v54+s2+$0x0], $0xffff;
	[tilespmem:v17+s14+$0x0] =	vst.idx.msk $0xffff, v9;
	v45 =	vmov v11;
	v11 =	vshll.u32 v62, $0x9  }
0x18f: {  	v44 =	vmovc v18;
	v48 =	vand.u32 $0x1F, v62;
	v56 =	vld.idx.msk [tilespmem:v3+s2+$0x0], $0xffff;
	[tilespmem:v16+s14+$0x0] =	vst.idx.msk $0xffff, v5;
	v18 =	vand.u32 $0x380, v63;
	v11 =	vand.u32 $0x3000, v11  }
0x190: {  	v53 =	vld.idx.msk [tilespmem:v7+s2+$0x0], $0xffff;
	v63 =	vor.u32 v20, v46;
	v62 =	vor.u32 v15, v46;
	v60 =	vor.u32 v18, v11  }
0x191: {  	v52 =	vld.idx.msk [tilespmem:v1+s2+$0x0], $0xffff;
	v59 =	vor.u32 v0, v60;
	v54 =	vor.u32 v2, v60;
	v61 =	vor.u32 v14, v60  }
0x192: {  	_ =	sdelay $0x3  }
0x193: {  	[tilespmem:v57+s14+$0x0] =	vst.idx.msk $0xffff, v55  }
0x194: {  	v3 =	vld.idx.msk [tilespmem:v50+s2+$0x0], $0xffff;
	[tilespmem:v62+s14+$0x0] =	vst.idx.msk $0xffff, v51  }
0x195: {  	[tilespmem:v63+s14+$0x0] =	vst.idx.msk $0xffff, v58  }
0x196: {  	v1 =	vor.u32 v10, v60;
	v5 =	vld.idx.msk [tilespmem:v47+s2+$0x0], $0xffff;
	v7 =	vor.u32 v12, v60;
	[tilespmem:v49+s14+$0x0] =	vst.idx.msk $0xffff, v56  }
0x197: {  	v9 =	vor.u32 v13, v46;
	v11 =	vor.u32 v6, v60;
	v16 =	vld.idx.msk [tilespmem:v61+s2+$0x0], $0xffff;
	[tilespmem:v45+s14+$0x0] =	vst.idx.msk $0xffff, v53  }
0x198: {  	v17 =	vor.u32 v19, v48;
	v18 =	vor.u32 v8, v60;
	v54 =	vld.idx.msk [tilespmem:v54+s2+$0x0], $0xffff;
	[tilespmem:v44+s14+$0x0] =	vst.idx.msk $0xffff, v52  }
0x199: {  	v55 =	vor.u32 v20, v48;
	v60 =	vor.u32 v4, v60;
	v61 =	vld.idx.msk [tilespmem:v59+s2+$0x0], $0xffff;
	[tilespmem:v43+s14+$0x0] =	vst.idx.msk $0xffff, v3  }
0x19a: {  	v62 =	vor.u32 v15, v48;
	v57 =	vld [tilespmem:$0x1FF90]  }
0x19b: {  	v63 =	vor.u32 v23, v48;
	v1 =	vld.idx.msk [tilespmem:v1+s2+$0x0], $0xffff  }
0x19c: {  	[tilespmem:v9+s14+$0x0] =	vst.idx.msk $0xffff, v5;
	v5 =	vor.u32 v21, v48;
	v9 =	vld.idx.msk [tilespmem:v11+s2+$0x0], $0xffff  }
0x19d: {  	[tilespmem:v17+s14+$0x0] =	vst.idx.msk $0xffff, v16;
	v11 =	vor.u32 v22, v48;
	v16 =	vld.idx.msk [tilespmem:v18+s2+$0x0], $0xffff  }
0x19e: {  	[tilespmem:v55+s14+$0x0] =	vst.idx.msk $0xffff, v54;
	v17 =	vld.idx.msk [tilespmem:v60+s2+$0x0], $0xffff;
	v18 =	vor.u32 v13, v48  }
0x19f: {  	v7 =	vld.idx.msk [tilespmem:v7+s2+$0x0], $0xffff;
	[tilespmem:v62+s14+$0x0] =	vst.idx.msk $0xffff, v61;
	v3 =	vor.u32 v57, v48  }
0x1a0: {  	[tilespmem:v63+s14+$0x0] =	vst.idx.msk $0xffff, v1  }
0x1a1: {  	[tilespmem:v5+s14+$0x0] =	vst.idx.msk $0xffff, v9  }
0x1a2: {  	[tilespmem:v11+s14+$0x0] =	vst.idx.msk $0xffff, v16  }
0x1a3: {  	[tilespmem:v18+s14+$0x0] =	vst.idx.msk $0xffff, v17  }
.Ltmp16:
0x1a4: {  	[tilespmem:v3+s14+$0x0] =	vst.idx.msk $0xffff, v7;
	(pc) =	sbr.rel .LBB2_25-.Ltmp16, $4  }
0x1a5: {  	[hbm4b:s7+s2] =	stream.linear.scatter [tilespmem:s14], [sflag:$0x5], $0x800, $0x38;
	[tilespmem:$0x10000] =	vst v63  }
0x1a6: {  	_ =	swait.ge [sflag:s20], $0x800  }
0x1a7: {  	[sflag:s20] =	ssyncset.done $0x0  }
0x1a8: {  	v58 =	vmov v19;
	v17 =	vmov v15;
	v18 =	vld [tilespmem:$0x1FFC0];
	[sflag:s20] =	ssyncadd.s32 $0xFFFFF800  }
.LBB2_26:
0x1a9: {  	_ =	sfence.sel $0x180000  }
0x1aa: {  	[bflag:$0x0] =	sbarrier.arrive $0xFFFF  }
0x1ab: {  	p0 =	sne.s32 s1, $0x0;
	_ =	strace $0x90000047  }
0x1ac: {  	s0 =	sadd.s32 @!p0 $0x100000, s0;
	[bflag:$0x2] =	sbarrier.arrive $0xFFFF  }
0x1ad: {  	[sflag:s0] =	ssyncadd.tile.s32 @!p0 $0x1;
	_ =	shalt  }
.Lfunc_end2:
_tile_overlayer_lowered:
.L_overlay_start_2:
0x1ae: {  	(tag) =	ssettag $0x2  }
0x1af: {  	s0 =	rddreg [dreg:$0x0];
	s2 =	stileid.u32  }
0x1b0: {  	s1 =	rddreg [dreg:$0x1];
	p0 =	sne.s32 s2, $0x0  }
0x1b1: {  	s3 =	rddreg [dreg:$0x2];
	[bflag:$0x3] =	sbarrier.arrive $0xFFFF;
	s2 =	simm.s32 @!p0 $0x1C05  }
0x1b2: {  	[timem:s3], [sflag:s2] =	dma.local @!p0 [hbm:s0], s1  }
0x1b3: {  	s0 =	simm.s32 @!p0 $0x5  }
0x1b4: {  	_ =	swait.ge @!p0 [sflag:s0], s1  }
0x1b5: {  	s1 =	ssub.s32 @!p0 $0x0, s1;
	[sflag:s0] =	ssyncset.done @!p0 $0x0  }
0x1b6: {  	[sflag:s0] =	ssyncadd.s32 @!p0 s1  }
0x1b7: {  	[bflag:$0x3] =	sbarrier.arrive $0xFFFF  }
0x1b8: {  	_ =	shalt  }

// kernel: kernel.7.cloned.1.call-start
scs
__scs_entry_jumppad:
0x0: {  	(pc) =	sbr.rel $0x88, $3  }
0x1: {  	(tag) =	ssettag $0x0;
	lr =	simm.s32 $0x1  }
0x2: {  	[smem:$0x3F9E] =	sst lr;
	_ =	strace $0xD0000000  }
0x3: {  	_ = 	snop  }
0x4: {  	_ = 	snop  }
0x5: {  	_ = 	snop  }
0x6: {  	_ = 	snop  }
0x7: {  	_ = 	snop  }
__scs_overlays_trampoline_lowered:
0x8: {  	[smem:$0x3FAD] =	sst s0  }
0x9: {  	[smem:$0x3FAE] =	sst s1  }
0xa: {  	[smem:$0x3FAF] =	sst s2  }
0xb: {  	[smem:$0x3FB0] =	sst s3  }
0xc: {  	[smem:$0x3FB1] =	sst s4  }
0xd: {  	[smem:$0x3FB2] =	sst s5  }
0xe: {  	[smem:$0x3FB3] =	sst s6  }
0xf: {  	[smem:$0x3FB4] =	sst s7  }
0x10: {  	[smem:$0x3FB5] =	sst s8  }
0x11: {  	[smem:$0x3FB6] =	sst s9;
	s0 =	simm.s32 @!p0 $0x0  }
0x12: {  	s1 =	sld [smem:$0x3F9C];
	s0 =	simm.s32 @p0 $0x1  }
0x13: {  	[smem:$0x3FB7] =	sst s0;
	s0 =	simm.s32 @!p1 $0x0  }
0x14: {  	s2 =	sld [smem:$0x3F9B];
	s0 =	simm.s32 @p1 $0x1  }
0x15: {  	[smem:$0x3FB8] =	sst s0;
	s0 =	simm.s32 @!p2 $0x0  }
0x16: {  	s3 =	sld [smem:$0x3FDB];
	s0 =	simm.s32 @p2 $0x1  }
0x17: {  	s4 =	simm.s32 $0x1BF5;
	[smem:$0x3FBA] =	sst s0  }
0x18: {  	s0 =	sld [smem:$0x3F9D];
	_ =	swait.ge [sflag:s4], $0x0  }
0x19: {  	s7 =	sld [smem:$0x3F9E]  }
0x1a: {  	s8 =	sadd.s32 $0xFFFFE003, lr  }
0x1b: {  	s9 =	sadd.s32 $0xFFFFFEF7, lr;
	s5 =	simm.s32 $0xFFFFFFFF;
	p2 =	slt.u32 s8, $0xFFFFF086  }
0x1c: {  	p1 =	slt.u32 s9, $0xF7A;
	s5 =	simm.s32 @!p2 $0x0  }
0x1d: {  	s5 =	simm.s32 @p1 $0x1;
	p0 =	seq.s32 s7, s2  }
0x1e: {  	s7 =	smul.u32 @!p0 $0xF7A, s2;
	p2 =	seq.s32 @!p0 s5, $0x0  }
0x1f: {  	s9 =	smul.u32 $0xF7A, s1;
	s8 =	simm.s32 @!p0 $0x1BF5;
	p2 =	por !p2, p0  }
0x20: {  	[sflag:s8] =	ssyncset.s32 @!p0 $0xFFFFF086;
	s6 =	sadd.s32 @!p0 s3, s7;
	s7 =	simm.s32 @!p0 $0x108  }
0x21: {  	s3 =	sadd.s32 s3, s9;
	s6 =	sadd.s32 @!p0 $0x88, s6;
	s7 =	simm.s32 @p2 $0x1082  }
0x22: {  	[simem:s7], [sflag:s8] =	dma.local @!p0 [hbm:s6], $0xF7A  }
0x23: {  	s9 =	sor.u32 $0xD0000000, s2;
	s6 =	simm.s32 $0x108;
	_ =	swait.ge @!p0 [sflag:s8], $0x0  }
0x24: {  	s3 =	sadd.s32 $0x88, s3;
	s6 =	simm.s32 @!p1 $0x1082;
	[sflag:s4] =	ssyncset.s32 $0xFFFFF086  }
0x25: {  	[simem:s6], [sflag:s4] =	dma.local [hbm:s3], $0xF7A  }
0x26: {  	[smem:$0x3F9E] =	sst s1;
	(tag) =	ssettag s2;
	_ =	strace s9  }
0x27: {  	s1 =	sld [smem:$0x3FAE]  }
0x28: {  	s2 =	sld [smem:$0x3FAF]  }
0x29: {  	s4 =	sld [smem:$0x3FB1]  }
0x2a: {  	p0 =	seq.s32 s5, $0x0;
	s5 =	sld [smem:$0x3FB2]  }
0x2b: {  	s6 =	sld [smem:$0x3FB3]  }
0x2c: {  	s7 =	sld [smem:$0x3FB4]  }
0x2d: {  	s3 =	simm.s32 $0x108;
	s8 =	sld [smem:$0x3FB5]  }
0x2e: {  	s3 =	simm.s32 @!p0 $0x1082;
	s9 =	sld [smem:$0x3FB6]  }
0x2f: {  	lr =	sadd.s32 s0, s3;
	s0 =	sld [smem:$0x3FAD]  }
0x30: {  	s3 =	sld [smem:$0x3FB0]  }
0x31: {  	[smem:$0x3FB9] =	sst s10  }
0x32: {  	s10 =	sld [smem:$0x3FB7];
	_ =	sdelay $0x3  }
0x33: {  	p0 =	seq.s32 s10, $0x1;
	s10 =	sld [smem:$0x3FB9];
	_ =	sdelay $0x3  }
0x34: {  	[smem:$0x3FB9] =	sst s10  }
0x35: {  	s10 =	sld [smem:$0x3FB8];
	_ =	sdelay $0x3  }
0x36: {  	p1 =	seq.s32 s10, $0x1;
	s10 =	sld [smem:$0x3FB9];
	_ =	sdelay $0x3  }
0x37: {  	[smem:$0x3FB9] =	sst s10  }
0x38: {  	s10 =	sld [smem:$0x3FBA]  }
0x39: {  	_ = 	snop;
	(pc) =	sbr.ind lr, $3  }
0x3a: {  	_ = 	snop  }
0x3b: {  	_ = 	snop  }
0x3c: {  	p2 =	seq.s32 s10, $0x1;
	s10 =	sld [smem:$0x3FB9]  }
0x3d: {  	_ =	shalt  }
0x3e: {  	_ =	shalt  }
0x3f: {  	_ =	shalt  }
0x40: {  	_ =	shalt  }
0x41: {  	_ =	shalt  }
0x42: {  	_ =	shalt  }
0x43: {  	_ =	shalt  }
0x44: {  	_ =	shalt  }
0x45: {  	_ =	shalt  }
0x46: {  	_ =	shalt  }
0x47: {  	_ =	shalt  }
0x48: {  	_ =	shalt  }
0x49: {  	_ =	shalt  }
0x4a: {  	_ =	shalt  }
0x4b: {  	_ =	shalt  }
0x4c: {  	_ =	shalt  }
0x4d: {  	_ =	shalt  }
0x4e: {  	_ =	shalt  }
0x4f: {  	_ =	shalt  }
0x50: {  	_ =	shalt  }
0x51: {  	_ =	shalt  }
0x52: {  	_ =	shalt  }
0x53: {  	_ =	shalt  }
0x54: {  	_ =	shalt  }
0x55: {  	_ =	shalt  }
0x56: {  	_ =	shalt  }
0x57: {  	_ =	shalt  }
0x58: {  	_ =	shalt  }
0x59: {  	_ =	shalt  }
0x5a: {  	_ =	shalt  }
0x5b: {  	_ =	shalt  }
0x5c: {  	_ =	shalt  }
0x5d: {  	_ =	shalt  }
0x5e: {  	_ =	shalt  }
0x5f: {  	_ =	shalt  }
0x60: {  	_ =	shalt  }
0x61: {  	_ =	shalt  }
0x62: {  	_ =	shalt  }
0x63: {  	_ =	shalt  }
0x64: {  	_ =	shalt  }
0x65: {  	_ =	shalt  }
0x66: {  	_ =	shalt  }
0x67: {  	_ =	shalt  }
0x68: {  	_ =	shalt  }
0x69: {  	_ =	shalt  }
0x6a: {  	_ =	shalt  }
0x6b: {  	_ =	shalt  }
0x6c: {  	_ =	shalt  }
0x6d: {  	_ =	shalt  }
0x6e: {  	_ =	shalt  }
0x6f: {  	_ =	shalt  }
0x70: {  	_ =	shalt  }
0x71: {  	_ =	shalt  }
0x72: {  	_ =	shalt  }
0x73: {  	_ =	shalt  }
0x74: {  	_ =	shalt  }
0x75: {  	_ =	shalt  }
0x76: {  	_ =	shalt  }
0x77: {  	_ =	shalt  }
0x78: {  	_ =	shalt  }
0x79: {  	_ =	shalt  }
0x7a: {  	_ =	shalt  }
0x7b: {  	_ =	shalt  }
0x7c: {  	_ =	shalt  }
0x7d: {  	_ =	shalt  }
0x7e: {  	_ =	shalt  }
0x7f: {  	_ =	shalt  }
0x80: {  	_ =	shalt  }
0x81: {  	_ =	shalt  }
0x82: {  	_ =	shalt  }
0x83: {  	_ =	shalt  }
0x84: {  	_ =	shalt  }
0x85: {  	_ =	shalt  }
0x86: {  	_ =	shalt  }
0x87: {  	_ =	shalt  }
.Lfunc_end0:
.L_simem_size_0:
called_computation.1_lowered:
.L_overlay_start_0:
0x88: {  	s2 =	sld [smem:$0x3FD9]  }
0x89: {  	s3 =	sld [smem:$0x3FFE];
	_ =	sdelay $0x1  }
0x8a: {  	s1 =	srdreg.scid  }
0x8b: {  	s0 =	sand.u32 $0x1, s1  }
0x8c: {  	s17 =	sshll.u32 s0, $0xA;
	s2 =	sadd.s32 s3, s2  }
0x8d: {  	s2 =	sadd.s32 s2, s17  }
0x8e: {  	[smem:$0x3FC5] =	sst s2  }
0x8f: {  	_ = 	snop  }
0x90: {  	s2 =	sld [smem:$0x3FC8]  }
0x91: {  	s18 =	sld [smem:$0x3FD0];
	(tm) =	ssettm $0x1  }
0x92: {  	s4 =	sld [smem:$0x3FFB];
	_ =	sdelay $0x3  }
0x93: {  	_ =	strace s4  }
0x94: {  	s4 =	sld [smem:$0x3FFC];
	_ =	sdelay $0x3  }
0x95: {  	_ =	strace s4  }
0x96: {  	s4 =	sld [smem:$0x3FFD];
	_ =	sdelay $0x3  }
0x97: {  	_ =	strace s4  }
0x98: {  	_ =	strace $0x8FFFFFFF  }
0x99: {  	s19 =	sld [smem:$0x3FDB];
	_ =	sdelay $0x1  }
0x9a: {  	s5 =	simm.s32 $_scs_section_size  }
0x9b: {  	s6 =	simm.s32 $_size__tile_overlayer_lowered;
	s7 =	simm.s32 $_tile_overlayer_lowered  }
0x9c: {  	s22 =	simm.s32 $0x1BFF;
	s21 =	sshll.u32 s7, $0x1;
	s4 =	sadd.s32 s5, s19  }
0x9d: {  	s8 =	simm.s32 $0x0;
	s20 =	sshll.u32 s6, $0x1;
	s6 =	sadd.s32 s21, s4  }
0x9e: {  	[timem:s8], [sflag:s22] =	dma.local [hbm:s6], s20  }
0x9f: {  	_ =	swait.ge [sflag:s22], s20  }
0xa0: {  	s5 =	ssub.s32 $0x0, s20;
	[sflag:s22] =	ssyncset.done $0x0  }
0xa1: {  	[sflag:s22] =	ssyncadd.s32 s5;
	_ =	sdelay $0x1  }
0xa2: {  	s23 =	simm.s32 $0x1B8B  }
0xa3: {  	_ =	swait.ge [sflag:s23], $0x1  }
0xa4: {  	[sflag:s23] =	ssyncset.done $0x0  }
0xa5: {  	s25 =	simm.s32 $0x1B8E;
	s24 =	sld [smem:$0x3FFE];
	[sflag:s23] =	ssyncadd.s32 $0xFFFFFFFF  }
0xa6: {  	s26 =	simm.s32 $execute0_lowered;
	[smem:$0x3FD2] =	sst s25  }
0xa7: {  	s6 =	sshll.u32 s26, $0x1;
	_ =	strace $0x80000049;
	[dreg:$0x1] =	wrdreg $0xFFFFFFFF  }
0xa8: {  	s28 =	simm.s32 $_size_execute0_lowered;
	s4 =	sadd.s32 s4, s6;
	[dreg:$0x0] =	wrdreg $0x0  }
0xa9: {  	s6 =	sshll.u32 s28, $0x1;
	[dreg:$0x2] =	wrdreg s4  }
0xaa: {  	[dreg:$0x3] =	wrdreg s6  }
0xab: {  	[dreg:$0x4] =	wrdreg $0xC0  }
0xac: {  	_ =	task [dreg:s8], $0x5FFFF  }
0xad: {  	[dreg:$0x1] =	wrdreg $0xFFFFFFFF  }
0xae: {  	[dreg:$0x0] =	wrdreg $0x60  }
0xaf: {  	[dreg:$0x2] =	wrdreg s24  }
0xb0: {  	[dreg:$0x3] =	wrdreg s2  }
0xb1: {  	[dreg:$0x4] =	wrdreg s18  }
0xb2: {  	[dreg:$0x5] =	wrdreg $0x9  }
0xb3: {  	_ =	task.clear_ibuf [dreg:s8], $0x6FFFF;
	_ =	strace $0x90000049  }
0xb4: {  	s29 =	simm.s32 $0x9;
	_ =	strace $0x8000004B  }
0xb5: {  	_ =	swait.ge [sflag:s29], $0x1  }
0xb6: {  	[sflag:s29] =	ssyncadd.s32 $0xFFFFFFFF  }
0xb7: {  	_ =	strace $0x9000004B  }
0xb8: {  	_ =	sfence  }
0xb9: {  	s30 =	sld [smem:$0x0];
	_ =	sdelay $0x2  }
0xba: {  	s31 =	sshll.u32 s1, $0xD;
	s1 =	sshrl.u32 s1, $0x2  }
0xbb: {  	s3 =	sand.u32 $0x4000, s31;
	s1 =	sadd.s32 s1, s30  }
0xbc: {  	s0 =	sor.u32 s3, s0;
	s1 =	sshll.u32 s1, $0x11  }
0xbd: {  	s0 =	sor.u32 s1, s0  }
0xbe: {  	s0 =	sadd.s32 $0x8F2B, s0  }
0xbf: {  	[sflag:s0] =	ssyncadd.remote.s32 $0x1  }
0xc0: {  	_ =	sfence.sel $0xFFFF  }
0xc1: {  	[dreg:$0x0] =	wrdreg $0xFFFFFFFF;
	(pc) =	sbr.abs _section_cstart, $3  }
0xc2: {  	[dreg:$0x1] =	wrdreg $0xFFFFFFFF  }
0xc3: {  	_ =	task.clear_ibuf [dreg:s8], $0x2FFFF;
	_ =	strace $0x9FFFFFFF  }
0xc4: {  	(tm) =	ssettm $0x7FFFFFFF  }
0xc5: {  	_ =	shalt  }
tec
execute0_lowered:
.L_overlay_start_1:
0x0: {  	(tag) =	ssettag $0x1  }
0x1: {  	s3 =	rddreg [dreg:$0x0]  }
0x2: {  	s1 =	srdreg.scid;
	s5 =	rddreg [dreg:$0x1]  }
0x3: {  	s0 =	stileid.u32;
	s6 =	rddreg [dreg:$0x2]  }
0x4: {  	s2 =	simm.s32 $0x0;
	s10 =	simm.s32 $0x68;
	s11 =	simm.s32 $0x6480  }
0x5: {  	s12 =	simm.s32 $0x60;
	s13 =	simm.s32 $0x7180;
	s14 =	simm.s32 $0x7D80  }
0x6: {  	s15 =	simm.s32 $0x8A80;
	s16 =	simm.s32 $0x1;
	s17 =	simm.s32 $0x2  }
0x7: {  	s18 =	simm.s32 $0x9680;
	s4 =	sand.u32 $0x1, s1;
	s1 =	rddreg [dreg:$0x3]  }
0x8: {  	s19 =	simm.s32 $0x0;
	s7 =	sshll.u32 s0, $0x8;
	[smem:$0x7FF] =	sst s2  }
0x9: {  	s8 =	sshll.u32 s4, $0x7;
	s4 =	ssub.s32 $0x2, s4;
	_ =	strace $0x8000004A  }
.Ltmp0:
0xa: {  	s7 =	sor.u32 s8, s7;
	s9 =	sshrl.u32 s4, $0x1;
	(pc) =	sbr.rel .LBB2_1-.Ltmp0, $4  }
0xb: {  	s8 =	smul.u32 $0x19, s7;
	s31 =	sshrl.u32 s7, $0x3;
	s7 =	sshll.u32 s7, $0x2  }
0xc: {  	s9 =	ssub.s32 s4, s9;
	s5 =	sadd.s32 s5, s31;
	s6 =	sadd.s32 s6, s7  }
0xd: {  	s7 =	smax.u32 s9, $0x1;
	s9 =	simm.s32 $0x6400;
	s8 =	sadd.s32 s8, s3  }
0xe: {  	s3 =	sadd.s32 $0xA00, s3;
	s4 =	sadd.s32 $0x3D1400, s8;
	s8 =	simm.s32 $0x3  }
.LBB2_21:
0xf: {  	s19 =	sadd.s32 $0x1, s19  }
0x10: {  	p0 =	sne.s32 s19, s7  }
.Ltmp1:
0x11: {  	_ = 	snop;
	(pc) =	sbr.rel @!p0 .LBB2_22-.Ltmp1, $4  }
0x12: {  	[hbm4b:s6+s2] =	stream.linear.scatter [tilespmem:s18], [sflag:$0x3], $0x1000, $0x38;
	[tilespmem:$0xA680] =	vst v63  }
0x13: {  	_ =	swait.ge [sflag:s8], $0x1000  }
0x14: {  	[sflag:s8] =	ssyncset.done $0x0  }
0x15: {  	[sflag:s8] =	ssyncadd.s32 $0xFFFFF000  }
.LBB2_1:
0x16: {  	[tilespmem:s2], [sflag:$0x3] =	stream.linear.gather [hbm4b:s4+s2], $0x6400, $0x38;
	[tilespmem:$0xA680] =	vst v63  }
0x17: {  	_ =	swait.ge [sflag:s8], $0x6400  }
0x18: {  	[sflag:s8] =	ssyncset.done $0x0  }
0x19: {  	[sflag:s8] =	ssyncadd.s32 $0xFFFF9C00  }
0x1a: {  	[tilespmem:s9], [sflag:$0x3] =	stream.linear.gather [hbm4b:s5+s2], $0x80, $0x38;
	[tilespmem:$0xA680] =	vst v63  }
0x1b: {  	_ =	swait.ge [sflag:s8], $0x80  }
.Ltmp2:
0x1c: {  	[sflag:s8] =	ssyncset.done $0x0;
	(pc) =	sbr.rel .LBB2_2-.Ltmp2, $4  }
0x1d: {  	[sflag:s8] =	ssyncadd.s32 $0xFFFFFF80  }
0x1e: {  	[tilespmem:s11], [sflag:$0x1] =	stream.indirect.gather [hbm4b:s3+s10], $0x20, s2, s10, $0xb8;
	[tilespmem:$0xA680] =	vst v63  }
0x1f: {  	s20 =	simm.s32 $0x0  }
0x20: {  	[tilespmem:s13], [sflag:$0x1] =	stream.indirect.gather [hbm4b:s3+s12], $0x20, s10, s12, $0xb8;
	[tilespmem:$0xA680] =	vst v63  }
.LBB2_19:
0x21: {  	v1 =	vadd.f32 v3, v1  }
.LBB2_20:
0x22: {  	v0 =	vcvt.s32.f32 v0;
	_ =	sdelay $0x1  }
0x23: {  	(erf) = vrcp.f32 v0;
	_ =	sdelay $0x6  }
0x24: {  	s20 =	sadd.s32 $0x1, s20  }
0x25: {  	p0 =	sne.s32 s20, $0x40  }
.Ltmp3:
0x26: {  	v0 =	vpop (erf);
	(pc) =	sbr.rel @!p0 .LBB2_21-.Ltmp3, $4  }
0x27: {  	s21 =	sshll.u32 s21, $0x5;
	v1 =	vmul.f32 v1, v0  }
0x28: {  	s21 =	sand.u32 $0x3FFFFFE0, s21;
	v0 =	vmul.f32 v2, v0  }
0x29: {  	[tilespmem:s21+$0x9680] =	vst v1  }
0x2a: {  	[tilespmem:s21+$0x9690] =	vst v0  }
.LBB2_2:
0x2b: {  	s21 =	sshllo.u32 s20, $0x1  }
0x2c: {  	s22 =	smul.u32 $0x320, s21;
	_ =	sdelay $0x1  }
0x2d: {  	s22 =	sshra.s32 s22, $0x2  }
0x2e: {  	[tilespmem:s14], [sflag:$0x2] =	stream.indirect.gather [hbm4b:s3+s10], $0x20, s22, s10, $0xb8;
	[tilespmem:$0xA680] =	vst v63  }
0x2f: {  	s23 =	sshll.u32 s20, $0x1;
	s22 =	sadd.s32 $0x68, s22  }
0x30: {  	v0 =	vmov s23;
	[tilespmem:s15], [sflag:$0x2] =	stream.indirect.gather [hbm4b:s3+s12], $0x20, s22, s12, $0xb8;
	[tilespmem:$0xA680] =	vst v63  }
0x31: {  	v0 =	vbroadcast v0, $0x0;
	_ =	swait.ge [sflag:s16], $0xD00  }
0x32: {  	[sflag:s16] =	ssyncset.done $0x0  }
0x33: {  	[sflag:s16] =	ssyncadd.s32 $0xFFFFF300  }
0x34: {  	_ =	swait.ge [sflag:s16], $0xC00  }
0x35: {  	[sflag:s16] =	ssyncset.done $0x0  }
0x36: {  	[sflag:s16] =	ssyncadd.s32 $0xFFFFF400  }
0x37: {  	v0 =	vld.idx.msk [tilespmem:v0+s9+$0x0], $0xffff;
	_ =	sdelay $0x4  }
0x38: {  	v1 =	vxor.u32 $0x80000000, v0  }
0x39: {  	(xrf0) =	vmax.scan.msk.u32 $0xffff, v1;
	_ =	sdelay $0x5  }
0x3a: {  	v1, _, _ =	vpop (xrf0)  }
0x3b: {  	(v2sf) =	vpush v1, $0xF;
	_ =	sdelay $0xe  }
0x3c: {  	s22 =	spop (v2sf)  }
0x3d: {  	s23 =	sxor.u32 $0x80000000, s22  }
0x3e: {  	p1 =	sgt.s32 s22, $0xFFFFFFFF;
	s24 =	sand.u32 $0x7, s22;
	p0 =	slt.s32 s23, $0x1  }
0x3f: {  	s25 =	sshra.s32 s23, $0x1F;
	p6 =	sne.s32 s24, $0x0;
	p0 =	por p1, p0  }
0x40: {  	s31 =	sshrl.u32 s25, $0x1D;
	p0 =	por !p6, !p0  }
0x41: {  	s25 =	simm.s32 $0x1;
	s24 =	sadd.s32 s31, s23;
	p0 =	por !p0, !p0  }
0x42: {  	s24 =	sshra.s32 s24, $0x3;
	s25 =	simm.s32 @!p0 $0x0  }
0x43: {  	s24 =	ssub.s32 s24, s25  }
0x44: {  	p0 =	slt.s32 s24, $0x1  }
.Ltmp4:
0x45: {  	_ = 	snop;
	(pc) =	sbr.rel @p0 .LBB2_3-.Ltmp4, $2  }
0x46: {  	_ =	sdelay $0x2  }
0x47: {  	v1 =	vimm.f32 $0.0e+00;
	s25 =	simm.s32 $0x6500  }
0x48: {  	v2 =	vld [tilespmem:s25+$0x40]  }
0x49: {  	v4 =	vld [tilespmem:s25+$0x50]  }
0x4a: {  	v3 =	vld [tilespmem:s25+$0x0]  }
0x4b: {  	v5 =	vld [tilespmem:s25+$0x10]  }
0x4c: {  	v6 =	vld [tilespmem:s25+$0xFFFFFFC0];
	p0 =	sne.s32 s24, $0x1  }
.Ltmp5:
0x4d: {  	v7 =	vld [tilespmem:s25+$0xFFFFFFD0];
	(pc) =	sbr.rel @!p0 .LBB2_6-.Ltmp5, $4  }
0x4e: {  	v11 =	vld [tilespmem:s25+$0xFFFFFF80]  }
0x4f: {  	v13 =	vld [tilespmem:s25+$0xFFFFFF90]  }
0x50: {  	v12 =	vld [tilespmem:s25+$0xFFFFFFA0]  }
0x51: {  	v14 =	vld [tilespmem:s25+$0xFFFFFFB0];
	s26 =	sadd.s32 $0xFFFFFFFF, s24;
	v10 =	vimm.f32 $0.0e+00;
	v8 =	vimm.f32 $0.0e+00;
	v9 =	vimm.f32 $0.0e+00  }
.LBB2_5:
0x52: {  	p0 =	sne.s32 s26, $0x1;
	v15 =	vld [tilespmem:s25+$0xFFFFFFE0]  }
0x53: {  	v16 =	vld [tilespmem:s25+$0xFFFFFFF0]  }
0x54: {  	v17 =	vld [tilespmem:s25+$0x20]  }
0x55: {  	v1 =	vadd.f32 v11, v1;
	v10 =	vadd.f32 v13, v10;
	v11 =	vld [tilespmem:s25+$0x30]  }
0x56: {  	v8 =	vadd.f32 v12, v8;
	v9 =	vadd.f32 v14, v9;
	v12 =	vld [tilespmem:s25+$0x60]  }
0x57: {  	v1 =	vadd.f32 v6, v1;
	v6 =	vadd.f32 v7, v10;
	v7 =	vld [tilespmem:s25+$0x70];
	s25 =	sadd.s32 $0x100, s25  }
0x58: {  	v8 =	vadd.f32 v15, v8;
	v13 =	vld [tilespmem:s25+$0x40];
	v9 =	vadd.f32 v16, v9  }
0x59: {  	v1 =	vadd.f32 v3, v1;
	v6 =	vadd.f32 v5, v6;
	v14 =	vld [tilespmem:s25+$0x50]  }
0x5a: {  	v8 =	vadd.f32 v17, v8;
	v3 =	vld [tilespmem:s25+$0x0];
	v9 =	vadd.f32 v11, v9  }
0x5b: {  	v1 =	vadd.f32 v2, v1;
	v10 =	vadd.f32 v4, v6;
	v5 =	vld [tilespmem:s25+$0x10]  }
0x5c: {  	v8 =	vadd.f32 v12, v8;
	v6 =	vld [tilespmem:s25+$0xFFFFFFC0];
	v9 =	vadd.f32 v7, v9  }
.Ltmp6:
0x5d: {  	v7 =	vld [tilespmem:s25+$0xFFFFFFD0];
	v2 =	vmov v13;
	(pc) =	sbr.rel @p0 .LBB2_5-.Ltmp6, $4  }
0x5e: {  	v11 =	vld [tilespmem:s25+$0xFFFFFF80];
	v4 =	vmov v14  }
0x5f: {  	v13 =	vld [tilespmem:s25+$0xFFFFFF90]  }
0x60: {  	v12 =	vld [tilespmem:s25+$0xFFFFFFA0]  }
0x61: {  	s26 =	sadd.s32 $0xFFFFFFFF, s26;
	v14 =	vld [tilespmem:s25+$0xFFFFFFB0]  }
.LBB2_6:
0x62: {  	v15 =	vld [tilespmem:s25+$0xFFFFFFE0]  }
0x63: {  	v16 =	vld [tilespmem:s25+$0xFFFFFFF0]  }
0x64: {  	v17 =	vld [tilespmem:s25+$0x20];
	v1 =	vadd.f32 v11, v1  }
0x65: {  	v57 =	vld [tilespmem:s25+$0x30];
	v10 =	vadd.f32 v13, v10;
	v8 =	vadd.f32 v12, v8  }
0x66: {  	v58 =	vld [tilespmem:s25+$0x60];
	v1 =	vadd.f32 v6, v1;
	v9 =	vadd.f32 v14, v9  }
0x67: {  	v60 =	vld [tilespmem:s25+$0x70];
	v59 =	vadd.f32 v7, v10;
	v8 =	vadd.f32 v15, v8  }
0x68: {  	v1 =	vadd.f32 v3, v1;
	v9 =	vadd.f32 v16, v9  }
0x69: {  	v3 =	vadd.f32 v5, v59;
	v61 =	vadd.f32 v17, v8  }
.Ltmp7:
0x6a: {  	v1 =	vadd.f32 v2, v1;
	v62 =	vadd.f32 v57, v9;
	(pc) =	sbr.rel .LBB2_7-.Ltmp7, $4  }
0x6b: {  	v2 =	vadd.f32 v4, v3;
	v3 =	vadd.f32 v58, v61  }
0x6c: {  	v63 =	vadd.f32 v60, v62  }
0x6d: {  	v1 =	vadd.f32 v3, v1  }
0x6e: {  	v2 =	vadd.f32 v63, v2  }
.LBB2_3:
0x6f: {  	v2 =	vimm.f32 $0.0e+00  }
.LBB2_7:
0x70: {  	s25 =	sshll.u32 s24, $0x3  }
0x71: {  	p0 =	sge.s32 s25, s23  }
.Ltmp8:
0x72: {  	_ = 	snop;
	(pc) =	sbr.rel @p0 .LBB2_11-.Ltmp8, $1  }
0x73: {  	_ =	sdelay $0x3  }
0x74: {  	s23 =	sshll.u32 s24, $0xA  }
0x75: {  	s22 =	ssub.s32 s22, s25;
	s23 =	sshra.s32 s23, $0x2  }
0x76: {  	s22 =	sadd.s32 $0x80000000, s22;
	s23 =	sadd.s32 $0x6490, s23  }
0x77: {  	p0 =	sne.s32 s22, $0x1;
	v4 =	vld [tilespmem:s23+$0x0]  }
.Ltmp9:
0x78: {  	v3 =	vld [tilespmem:s23+$0xFFFFFFF0];
	(pc) =	sbr.rel @!p0 .LBB2_10-.Ltmp9, $2  }
0x79: {  	_ =	sdelay $0x2  }
0x7a: {  	s22 =	sadd.s32 $0xFFFFFFFF, s22;
	s23 =	sadd.s32 $0x20, s23;
	v2 =	vadd.f32 v4, v2  }
.LBB2_9:
0x7b: {  	v4 =	vld [tilespmem:s23+$0x0];
	p0 =	sne.s32 s22, $0x1;
	s22 =	sadd.s32 $0xFFFFFFFF, s22;
	v1 =	vadd.f32 v3, v1  }
.Ltmp10:
0x7c: {  	v3 =	vld [tilespmem:s23+$0xFFFFFFF0];
	(pc) =	sbr.rel @p0 .LBB2_9-.Ltmp10, $2  }
0x7d: {  	_ =	sdelay $0x2  }
0x7e: {  	s23 =	sadd.s32 $0x20, s23;
	v2 =	vadd.f32 v4, v2  }
.LBB2_10:
0x7f: {  	v1 =	vadd.f32 v3, v1  }
.LBB2_11:
0x80: {  	v0 =	vcvt.s32.f32 v0;
	_ =	sdelay $0x1  }
0x81: {  	(erf) = vrcp.f32 v0;
	_ =	sdelay $0x8  }
0x82: {  	p0 =	seq.s32 s20, $0x3F;
	v0 =	vpop (erf)  }
0x83: {  	s22 =	sshll.u32 s20, $0x6;
	s23 =	smul.u32 @!p0 $0x640, s20;
	v1 =	vmul.f32 v1, v0  }
0x84: {  	s22 =	sand.u32 $0x3FFFFFC0, s22;
	v0 =	vmul.f32 v2, v0  }
0x85: {  	s23 =	sshra.s32 @!p0 s23, $0x2;
	[tilespmem:s22+$0x9680] =	vst v1  }
0x86: {  	s24 =	simm.s32 @!p0 $0x68;
	s25 =	simm.s32 @!p0 $0x6480;
	[tilespmem:s22+$0x9690] =	vst v0;
	s22 =	sadd.s32 @!p0 $0x190, s23  }
0x87: {  	[tilespmem:s25], [sflag:$0x1] =	stream.indirect.gather @!p0 [hbm4b:s3+s24], $0x20, s22, s24, $0xb8;
	[tilespmem:$0xA680] =	vst v63  }
0x88: {  	s22 =	sadd.s32 @!p0 $0x1F8, s23;
	s23 =	simm.s32 @!p0 $0x60;
	s24 =	simm.s32 @!p0 $0x7180  }
0x89: {  	[tilespmem:s24], [sflag:$0x1] =	stream.indirect.gather @!p0 [hbm4b:s3+s23], $0x20, s22, s23, $0xb8;
	[tilespmem:$0xA680] =	vst v63  }
0x8a: {  	_ =	swait.ge [sflag:s17], $0xD00  }
0x8b: {  	v0 =	vmov s21;
	[sflag:s17] =	ssyncset.done $0x0  }
0x8c: {  	[sflag:s17] =	ssyncadd.s32 $0xFFFFF300  }
0x8d: {  	_ =	swait.ge [sflag:s17], $0xC00  }
0x8e: {  	[sflag:s17] =	ssyncset.done $0x0  }
0x8f: {  	[sflag:s17] =	ssyncadd.s32 $0xFFFFF400  }
0x90: {  	v0 =	vld.idx.msk [tilespmem:v0+s9+$0x0], $0xffff;
	_ =	sdelay $0x4  }
0x91: {  	v1 =	vxor.u32 $0x80000000, v0  }
0x92: {  	(xrf0) =	vmax.scan.msk.u32 $0xffff, v1;
	_ =	sdelay $0x5  }
0x93: {  	v1, _, _ =	vpop (xrf0)  }
0x94: {  	(v2sf) =	vpush v1, $0xF;
	_ =	sdelay $0xe  }
0x95: {  	s22 =	spop (v2sf)  }
0x96: {  	s23 =	sxor.u32 $0x80000000, s22  }
0x97: {  	p1 =	sgt.s32 s22, $0xFFFFFFFF;
	s29 =	sand.u32 $0x7, s22;
	p5 =	slt.s32 s23, $0x1  }
0x98: {  	s30 =	sshra.s32 s23, $0x1F;
	p6 =	sne.s32 s29, $0x0;
	p0 =	por p1, p5  }
0x99: {  	s31 =	sshrl.u32 s30, $0x1D;
	p0 =	por !p6, !p0  }
0x9a: {  	s25 =	simm.s32 $0x1;
	s24 =	sadd.s32 s31, s23;
	p0 =	por !p0, !p0  }
0x9b: {  	s24 =	sshra.s32 s24, $0x3;
	s25 =	simm.s32 @!p0 $0x0  }
0x9c: {  	s24 =	ssub.s32 s24, s25  }
0x9d: {  	p0 =	slt.s32 s24, $0x1  }
.Ltmp11:
0x9e: {  	_ = 	snop;
	(pc) =	sbr.rel @p0 .LBB2_12-.Ltmp11, $2  }
0x9f: {  	_ =	sdelay $0x2  }
0xa0: {  	v1 =	vimm.f32 $0.0e+00;
	s25 =	simm.s32 $0x7E00  }
0xa1: {  	v2 =	vld [tilespmem:s25+$0x40]  }
0xa2: {  	v4 =	vld [tilespmem:s25+$0x50]  }
0xa3: {  	v3 =	vld [tilespmem:s25+$0x0]  }
0xa4: {  	v5 =	vld [tilespmem:s25+$0x10]  }
0xa5: {  	v6 =	vld [tilespmem:s25+$0xFFFFFFC0];
	p0 =	sne.s32 s24, $0x1  }
.Ltmp12:
0xa6: {  	v7 =	vld [tilespmem:s25+$0xFFFFFFD0];
	(pc) =	sbr.rel @!p0 .LBB2_15-.Ltmp12, $4  }
0xa7: {  	v11 =	vld [tilespmem:s25+$0xFFFFFF80]  }
0xa8: {  	v13 =	vld [tilespmem:s25+$0xFFFFFF90]  }
0xa9: {  	v12 =	vld [tilespmem:s25+$0xFFFFFFA0]  }
0xaa: {  	v14 =	vld [tilespmem:s25+$0xFFFFFFB0];
	s26 =	sadd.s32 $0xFFFFFFFF, s24;
	v10 =	vimm.f32 $0.0e+00;
	v8 =	vimm.f32 $0.0e+00;
	v9 =	vimm.f32 $0.0e+00  }
.LBB2_14:
0xab: {  	p0 =	sne.s32 s26, $0x1;
	v15 =	vld [tilespmem:s25+$0xFFFFFFE0]  }
0xac: {  	v16 =	vld [tilespmem:s25+$0xFFFFFFF0]  }
0xad: {  	v17 =	vld [tilespmem:s25+$0x20]  }
0xae: {  	v1 =	vadd.f32 v11, v1;
	v10 =	vadd.f32 v13, v10;
	v11 =	vld [tilespmem:s25+$0x30]  }
0xaf: {  	v8 =	vadd.f32 v12, v8;
	v9 =	vadd.f32 v14, v9;
	v12 =	vld [tilespmem:s25+$0x60]  }
0xb0: {  	v1 =	vadd.f32 v6, v1;
	v6 =	vadd.f32 v7, v10;
	v7 =	vld [tilespmem:s25+$0x70];
	s25 =	sadd.s32 $0x100, s25  }
0xb1: {  	v8 =	vadd.f32 v15, v8;
	v13 =	vld [tilespmem:s25+$0x40];
	v9 =	vadd.f32 v16, v9  }
0xb2: {  	v1 =	vadd.f32 v3, v1;
	v6 =	vadd.f32 v5, v6;
	v14 =	vld [tilespmem:s25+$0x50]  }
0xb3: {  	v8 =	vadd.f32 v17, v8;
	v3 =	vld [tilespmem:s25+$0x0];
	v9 =	vadd.f32 v11, v9  }
0xb4: {  	v1 =	vadd.f32 v2, v1;
	v10 =	vadd.f32 v4, v6;
	v5 =	vld [tilespmem:s25+$0x10]  }
0xb5: {  	v8 =	vadd.f32 v12, v8;
	v6 =	vld [tilespmem:s25+$0xFFFFFFC0];
	v9 =	vadd.f32 v7, v9  }
.Ltmp13:
0xb6: {  	v7 =	vld [tilespmem:s25+$0xFFFFFFD0];
	v2 =	vmov v13;
	(pc) =	sbr.rel @p0 .LBB2_14-.Ltmp13, $4  }
0xb7: {  	v11 =	vld [tilespmem:s25+$0xFFFFFF80];
	v4 =	vmov v14  }
0xb8: {  	v13 =	vld [tilespmem:s25+$0xFFFFFF90]  }
0xb9: {  	v12 =	vld [tilespmem:s25+$0xFFFFFFA0]  }
0xba: {  	s26 =	sadd.s32 $0xFFFFFFFF, s26;
	v14 =	vld [tilespmem:s25+$0xFFFFFFB0]  }
.LBB2_15:
0xbb: {  	v15 =	vld [tilespmem:s25+$0xFFFFFFE0]  }
0xbc: {  	v16 =	vld [tilespmem:s25+$0xFFFFFFF0]  }
0xbd: {  	v17 =	vld [tilespmem:s25+$0x20];
	v1 =	vadd.f32 v11, v1  }
0xbe: {  	v57 =	vld [tilespmem:s25+$0x30];
	v10 =	vadd.f32 v13, v10;
	v8 =	vadd.f32 v12, v8  }
0xbf: {  	v58 =	vld [tilespmem:s25+$0x60];
	v1 =	vadd.f32 v6, v1;
	v9 =	vadd.f32 v14, v9  }
0xc0: {  	v60 =	vld [tilespmem:s25+$0x70];
	v59 =	vadd.f32 v7, v10;
	v8 =	vadd.f32 v15, v8  }
0xc1: {  	v1 =	vadd.f32 v3, v1;
	v9 =	vadd.f32 v16, v9  }
0xc2: {  	v3 =	vadd.f32 v5, v59;
	v61 =	vadd.f32 v17, v8  }
.Ltmp14:
0xc3: {  	v1 =	vadd.f32 v2, v1;
	v62 =	vadd.f32 v57, v9;
	(pc) =	sbr.rel .LBB2_16-.Ltmp14, $4  }
0xc4: {  	v2 =	vadd.f32 v4, v3;
	v3 =	vadd.f32 v58, v61  }
0xc5: {  	v63 =	vadd.f32 v60, v62  }
0xc6: {  	v1 =	vadd.f32 v3, v1  }
0xc7: {  	v2 =	vadd.f32 v63, v2  }
.LBB2_12:
0xc8: {  	v2 =	vimm.f32 $0.0e+00  }
.LBB2_16:
0xc9: {  	s25 =	sshll.u32 s24, $0x3  }
0xca: {  	p0 =	sge.s32 s25, s23  }
.Ltmp15:
0xcb: {  	_ = 	snop;
	(pc) =	sbr.rel @p0 .LBB2_20-.Ltmp15, $1  }
0xcc: {  	_ =	sdelay $0x3  }
0xcd: {  	s23 =	sshll.u32 s24, $0xA  }
0xce: {  	s22 =	ssub.s32 s22, s25;
	s23 =	sshra.s32 s23, $0x2  }
0xcf: {  	s22 =	sadd.s32 $0x80000000, s22;
	s23 =	sadd.s32 $0x7D90, s23  }
0xd0: {  	p0 =	sne.s32 s22, $0x1;
	v4 =	vld [tilespmem:s23+$0x0]  }
.Ltmp16:
0xd1: {  	v3 =	vld [tilespmem:s23+$0xFFFFFFF0];
	(pc) =	sbr.rel @!p0 .LBB2_19-.Ltmp16, $2  }
0xd2: {  	_ =	sdelay $0x2  }
0xd3: {  	s22 =	sadd.s32 $0xFFFFFFFF, s22;
	s23 =	sadd.s32 $0x20, s23;
	v2 =	vadd.f32 v4, v2  }
.LBB2_18:
0xd4: {  	v4 =	vld [tilespmem:s23+$0x0];
	p0 =	sne.s32 s22, $0x1;
	s22 =	sadd.s32 $0xFFFFFFFF, s22;
	v1 =	vadd.f32 v3, v1  }
.Ltmp17:
0xd5: {  	v3 =	vld [tilespmem:s23+$0xFFFFFFF0];
	(pc) =	sbr.rel @p0 .LBB2_18-.Ltmp17, $2  }
0xd6: {  	_ =	sdelay $0x2  }
0xd7: {  	s23 =	sadd.s32 $0x20, s23;
	v2 =	vadd.f32 v4, v2  }
.Ltmp18:
0xd8: {  	_ = 	snop;
	(pc) =	sbr.rel .LBB2_19-.Ltmp18, $1  }
0xd9: {  	_ =	sdelay $0x3  }
.LBB2_22:
0xda: {  	_ =	sfence.sel $0x180000  }
0xdb: {  	[bflag:$0x0] =	sbarrier.arrive $0xFFFF  }
0xdc: {  	p0 =	sne.s32 s0, $0x0;
	_ =	strace $0x9000004A  }
0xdd: {  	s0 =	sadd.s32 @!p0 $0x100000, s1;
	[bflag:$0x2] =	sbarrier.arrive $0xFFFF  }
0xde: {  	[sflag:s0] =	ssyncadd.tile.s32 @!p0 $0x1;
	_ =	shalt  }
.Lfunc_end2:
_tile_overlayer_lowered:
.L_overlay_start_2:
0xdf: {  	(tag) =	ssettag $0x2  }
0xe0: {  	s0 =	rddreg [dreg:$0x0];
	s2 =	stileid.u32  }
0xe1: {  	s1 =	rddreg [dreg:$0x1];
	p0 =	sne.s32 s2, $0x0  }
0xe2: {  	s3 =	rddreg [dreg:$0x2];
	[bflag:$0x3] =	sbarrier.arrive $0xFFFF;
	s2 =	simm.s32 @!p0 $0x1C03  }
0xe3: {  	[timem:s3], [sflag:s2] =	dma.local @!p0 [hbm:s0], s1  }
0xe4: {  	s0 =	simm.s32 @!p0 $0x3  }
0xe5: {  	_ =	swait.ge @!p0 [sflag:s0], s1  }
0xe6: {  	s1 =	ssub.s32 @!p0 $0x0, s1;
	[sflag:s0] =	ssyncset.done @!p0 $0x0  }
0xe7: {  	[sflag:s0] =	ssyncadd.s32 @!p0 s1  }
0xe8: {  	[bflag:$0x3] =	sbarrier.arrive $0xFFFF  }
0xe9: {  	_ =	shalt  }

</sc_bundles>
